<compile_context>
chip_gen: v7x
topology: tpu7x:2x2x1
jax: 0.10.2.dev20260603
libtpu: 0.0.44.dev20260713+nightly
codegen_flags: <defaults>
</compile_context>

<pallas_src>
import functools

import jax
import jax.numpy as jnp
from jax import lax
from jax.experimental import pallas as pl
from jax.experimental.pallas import tpu as pltpu
from jax.experimental.pallas import tpu_sc as plsc

N_NODES = 10000
D = 128
BN_EPS = 1e-5

NC = 2
NS = 16
CHUNK = 80
HIST = 10240
SLICE = HIST // NS
DUMP_ROW = N_NODES

E_PER_TILE = 10240
E_PAD = NC * NS * E_PER_TILE
N_CHUNKS = E_PER_TILE // CHUNK

N_EDGES = 320000
E_PAD_TAIL = E_PAD - N_EDGES
REAL_LAST = (N_EDGES - (NC * NS - 1) * E_PER_TILE) // CHUNK

DCH = 128
DEG_CPT = E_PAD // (NS * DCH)


def _zero_vec(ref, n):
    def body(i, _):
        ref[pl.ds(i * 16, 16)] = jnp.zeros((16,), jnp.float32)
        return 0
    lax.fori_loop(0, n // 16, body, 0)


def _zero_rows(ref, rows):
    def body(r, _):
        for j in range(8):
            ref[r, pl.ds(j * 16, 16)] = jnp.zeros((16,), jnp.float32)
        return 0
    lax.fori_loop(0, rows, body, 0)


def _deg_body(dst_hbm, out_hbm, idx_v, ones_v, zero_v, hist_sh, ssem):
    s = lax.axis_index("s")

    def ones_body(i, _):
        ones_v[pl.ds(i * 16, 16)] = jnp.ones((16,), jnp.float32)
        return 0
    lax.fori_loop(0, DCH // 16, ones_body, 0)
    _zero_vec(zero_v, SLICE)
    pltpu.sync_copy(zero_v, hist_sh.at[pl.ds(s * SLICE, SLICE)])
    pltpu.sync_copy(dst_hbm.at[s], idx_v)
    plsc.subcore_barrier()

    def chunk_body(ci, _):
        pltpu.async_copy(ones_v, hist_sh.at[idx_v.at[ci]], ssem, add=True)
        return 0
    lax.fori_loop(0, DEG_CPT, chunk_body, 0)

    def drain_body(ci, _):
        pltpu.make_async_copy(ones_v, hist_sh.at[idx_v.at[ci]], ssem).wait()
        return 0
    lax.fori_loop(0, DEG_CPT, drain_body, 0)

    plsc.subcore_barrier()
    pltpu.sync_copy(hist_sh.at[pl.ds(s * SLICE, SLICE)],
                    out_hbm.at[pl.ds(s * SLICE, SLICE)])


_deg_kernel = pl.kernel(
    _deg_body,
    out_type=jax.ShapeDtypeStruct((HIST,), jnp.float32),
    mesh=plsc.VectorSubcoreMesh(core_axis_name="c", subcore_axis_name="s",
                                num_cores=1),
    scratch_types=[
        pltpu.VMEM((DEG_CPT, DCH), jnp.int32),
        pltpu.VMEM((DCH,), jnp.float32),
        pltpu.VMEM((SLICE,), jnp.float32),
        pltpu.VMEM_SHARED((HIST,), jnp.float32),
        pltpu.SemaphoreType.DMA,
    ],
)


NBUF = 4
NIB = 8


def _edge_body(src_hbm, dst_hbm, y_hbm, out_hbm, sidxb, didxb, rows, agg_sh,
               *sems):
    c = lax.axis_index("c")
    s = lax.axis_index("s")
    wid = c * NS + s
    isems = sems[:NIB]
    gsems = sems[NIB:NIB + NBUF]
    ssems = sems[NIB + NBUF:]

    def zero_rows0(r, _):
        for j in range(D // 16):
            rows[0, r, pl.ds(j * 16, 16)] = jnp.zeros((16,), jnp.float32)
        return 0
    lax.fori_loop(0, CHUNK, zero_rows0, 0)
    for k in range(SLICE // CHUNK):
        pltpu.sync_copy(rows.at[0],
                        agg_sh.at[pl.ds(s * SLICE + k * CHUNK, CHUNK)])
    plsc.subcore_barrier()

    def idx_load(ci, ib):
        pltpu.async_copy(src_hbm.at[wid, ci], sidxb.at[ib], isems[ib])
        pltpu.async_copy(dst_hbm.at[wid, ci], didxb.at[ib], isems[ib])

    def wait_idx(ci, ib):
        pltpu.make_async_copy(src_hbm.at[wid, ci], sidxb.at[ib],
                              isems[ib]).wait()
        pltpu.make_async_copy(dst_hbm.at[wid, ci], didxb.at[ib],
                              isems[ib]).wait()

    def gather(ib, b):
        pltpu.async_copy(y_hbm.at[sidxb.at[ib]], rows.at[b], gsems[b])

    def wait_gather(ib, b):
        pltpu.make_async_copy(y_hbm.at[sidxb.at[ib]], rows.at[b],
                              gsems[b]).wait()

    def scatter(ib, b):
        pltpu.async_copy(rows.at[b], agg_sh.at[didxb.at[ib]], ssems[b],
                         add=True)

    def wait_scatter(ib, b):
        pltpu.make_async_copy(rows.at[b], agg_sh.at[didxb.at[ib]],
                              ssems[b]).wait()

    for k in range(6):
        idx_load(k, k)
    wait_idx(0, 0)
    gather(0, 0)
    wait_idx(1, 1)
    gather(1, 1)

    @pl.loop(0, N_CHUNKS, step=8)
    def octet(g):
        for u in range(8):
            ci = g + u
            b = u % NBUF
            ib = u % NIB
            if u >= 2:
                wait_scatter((u - 2) % NIB, (u - 2) % NBUF)
            else:
                @pl.when(g > 0)
                def _():
                    wait_scatter((u - 2) % NIB, (u - 2) % NBUF)
            if u < 6:
                wait_idx(ci + 2, (u + 2) % NIB)
                gather((u + 2) % NIB, (u + 2) % NBUF)
            else:
                @pl.when(ci + 2 < N_CHUNKS)
                def _():
                    wait_idx(ci + 2, (u + 2) % NIB)
                    gather((u + 2) % NIB, (u + 2) % NBUF)
            if u < 2:
                idx_load(ci + 6, (u + 6) % NIB)
            else:
                @pl.when(ci + 6 < N_CHUNKS)
                def _():
                    idx_load(ci + 6, (u + 6) % NIB)
            wait_gather(ib, b)
            scatter(ib, b)

    wait_scatter((N_CHUNKS - 2) % NIB, (N_CHUNKS - 2) % NBUF)
    wait_scatter((N_CHUNKS - 1) % NIB, (N_CHUNKS - 1) % NBUF)
    plsc.subcore_barrier()
    pltpu.sync_copy(agg_sh.at[pl.ds(s * SLICE, SLICE)],
                    out_hbm.at[c, pl.ds(s * SLICE, SLICE), :])


_edge_kernel = pl.kernel(
    _edge_body,
    out_type=jax.ShapeDtypeStruct((NC, HIST, D), jnp.float32),
    mesh=plsc.VectorSubcoreMesh(core_axis_name="c", subcore_axis_name="s"),
    scratch_types=[
        pltpu.VMEM((NIB, CHUNK), jnp.int32),
        pltpu.VMEM((NIB, CHUNK), jnp.int32),
        pltpu.VMEM((NBUF, CHUNK, D), jnp.float32),
        pltpu.VMEM_SHARED((HIST, D), jnp.float32),
    ] + [pltpu.SemaphoreType.DMA] * (NIB + 2 * NBUF),
)


def _prep_body(x_ref, w_ref, deg_ref, y_ref, dis_ref):
    dis = jax.lax.rsqrt(deg_ref[...] + 1.0)
    dis_ref[...] = dis
    y_ref[...] = jnp.dot(x_ref[...], w_ref[...],
                         preferred_element_type=jnp.float32) * dis


_prep_kernel = pl.pallas_call(
    _prep_body,
    out_shape=(
        jax.ShapeDtypeStruct((N_NODES, D), jnp.float32),
        jax.ShapeDtypeStruct((N_NODES, 1), jnp.float32),
    ),
)


def _final_body(p_ref, y_ref, dis_ref, x_ref, b_ref, g_ref, be_ref, o_ref):
    agg = p_ref[0, :N_NODES, :] + p_ref[1, :N_NODES, :] + y_ref[...]
    h = agg * dis_ref[...] + b_ref[...]
    mean = jnp.mean(h, axis=0, keepdims=True)
    cent = h - mean
    var = jnp.mean(cent * cent, axis=0, keepdims=True)
    bn = cent * jax.lax.rsqrt(var + BN_EPS) * g_ref[...] + be_ref[...]
    o_ref[...] = jnp.maximum(bn, 0.0) + x_ref[...]


_final_kernel = pl.pallas_call(
    _final_body,
    out_shape=jax.ShapeDtypeStruct((N_NODES, D), jnp.float32),
)


@jax.jit
def kernel(x, edge_index, W, b, gamma, beta):
    ei = edge_index.astype(jnp.int32)
    pad = E_PAD - ei.shape[1]
    pad_ids = jnp.arange(pad, dtype=jnp.int32)
    src = jnp.concatenate([ei[0], pad_ids % N_NODES])
    dump = DUMP_ROW + pad_ids % (HIST - N_NODES)
    dst = jnp.concatenate([ei[1], dump])

    hist = _deg_kernel(dst.reshape(NS, DEG_CPT, DCH))
    deg_col = hist[:N_NODES].reshape(N_NODES, 1)
    y, dis = _prep_kernel(x, W, deg_col)
    parts = _edge_kernel(src.reshape(NC * NS, N_CHUNKS, CHUNK),
                         dst.reshape(NC * NS, N_CHUNKS, CHUNK), y)
    return _final_kernel(parts, y, dis, x,
                         b.reshape(1, D), gamma.reshape(1, D),
                         beta.reshape(1, D))

# --- scband reference (transcript-rebuilt; emitter-appended) ---
"""Pipeline reference for scband-gcnres-block-old-4329327034522 (READ-ONLY COPY).

The authoritative reference and input builder live on the scoring server;
editing this copy changes nothing except your own understanding.
"""

import jax, jax.numpy as jnp
import numpy as np

N_NODES = 10000
N_EDGES = 320000
D_IN = 128
D_OUT = 128
BN_EPS = 1e-5


def setup_inputs(seed: int = 0) -> dict:
    key = jax.random.key(seed)
    k1, k2, k3, k4, k5, k6 = jax.random.split(key, 6)
    x = jax.random.normal(k1, (N_NODES, D_IN), dtype=jnp.float32)
    edge_index = jax.random.randint(k2, (2, N_EDGES), 0, N_NODES, dtype=jnp.int64)
    # GCNConv parameters (glorot-style init for weight, zeros bias)
    W = jax.random.normal(k3, (D_IN, D_OUT), dtype=jnp.float32) * (1.0 / np.sqrt(D_IN))
    b = jnp.zeros((D_OUT,), dtype=jnp.float32)
    # BatchNorm1d affine parameters
    gamma = jnp.ones((D_OUT,), dtype=jnp.float32)
    beta = jnp.zeros((D_OUT,), dtype=jnp.float32)
    return {"x": x, "edge_index": edge_index, "W": W, "b": b, "gamma": gamma, "beta": beta}


def _gcn_conv(x, edge_index, W, b):
    # Faithful PyG GCNConv: linear transform, add self-loops, symmetric norm, scatter-add aggregate.
    N = x.shape[0]
    xw = x @ W
    loop = jnp.arange(N, dtype=edge_index.dtype)
    src = jnp.concatenate([edge_index[0], loop])
    dst = jnp.concatenate([edge_index[1], loop])
    # degree computed over destination (col) with unit edge weights
    deg = jnp.zeros((N,), dtype=xw.dtype).at[dst].add(1.0)
    deg_inv_sqrt = jnp.where(deg > 0, deg ** -0.5, 0.0)
    norm = deg_inv_sqrt[src] * deg_inv_sqrt[dst]
    msg = xw[src] * norm[:, None]
    out = jnp.zeros((N, xw.shape[1]), dtype=xw.dtype).at[dst].add(msg)
    return out + b


def _batch_norm(h, gamma, beta):
    # BatchNorm1d in training mode: batch statistics (biased variance)
    mean = jnp.mean(h, axis=0)
    var = jnp.mean((h - mean) ** 2, axis=0)
    return (h - mean) / jnp.sqrt(var + BN_EPS) * gamma + beta


def reference(x, edge_index, W, b, gamma, beta):
    out = _gcn_conv(x, edge_index, W, b)
    out = _batch_norm(out, gamma, beta)
    out = jax.nn.relu(out)
    # in_ch == out_ch -> no projection; identity residual
    return out + x

if __name__ == "__main__":
    import jax
    _d = setup_inputs()
    print(jax.jit(kernel)(*tuple(_d.values())))

</pallas_src>

<mosaic_0001>
#map = affine_map<(d0, d1) -> (0, 0, 0)>
#map1 = affine_map<(d0, d1) -> (0)>
module attributes {stable_mosaic.version = 14 : i64} {
  func.func @_deg_body(%arg0: i32, %arg1: i32, %arg2: memref<16x160x128xi32, #tpu.memory_space<hbm>>, %arg3: memref<10240xf32, #tpu.memory_space<hbm>>, %arg4: memref<160x128xi32, #tpu.memory_space<vmem>>, %arg5: memref<128xf32, #tpu.memory_space<vmem>>, %arg6: memref<640xf32, #tpu.memory_space<vmem>>, %arg7: memref<10240xf32, #tpu.memory_space<vmem_shared>>, %arg8: memref<!tpu.dma_semaphore, #tpu.memory_space<semaphore_mem>>) attributes {dimension_semantics = [#tpu.dimension_semantics<core_parallel>, #tpu.dimension_semantics<subcore_parallel>], iteration_bounds = array<i64: 1, 16>, scalar_prefetch = 0 : i64, scratch_operands = 5 : i64, tpu.core_type = #tpu.core_type<sc_vector_subcore>, window_params = [{transform_indices = #map}, {transform_indices = #map1}]} {
    %scan3A = arith.constant 0 : i32
    %scan3A_0 = arith.constant 0 : i32
    %scan3A_1 = arith.constant 8 : i32
    %scan3A_2 = arith.addi %scan3A_0, %scan3A_1 : i32
    %scan3A_3 = arith.constant 1 : i32
    %scan3A_4 = scf.for %scan3A_33 = %scan3A_0 to %scan3A_2 step %scan3A_3 iter_args(%scan3A_34 = %scan3A) -> (i32)  : i32 {
      %broadcast_in_dim3A = arith.constant 1.000000e+00 : f32
      %broadcast_in_dim3A_35 = vector.broadcast %broadcast_in_dim3A : f32 to vector<16xf32>
      %mul3A_36 = arith.constant 16 : i32
      %mul3A_37 = arith.muli %scan3A_33, %mul3A_36 : i32
      %swap3A = arith.index_cast %mul3A_37 : i32 to index
      %swap3A_38 = tpu.vector_load %arg5[%swap3A] {strides = array<i32>} : memref<128xf32, #tpu.memory_space<vmem>>, vector<16xf32>,
      %swap3A_39 = vector.shape_cast %swap3A_38 : vector<16xf32> to vector<16xf32>
      %swap3A_40 = vector.shape_cast %broadcast_in_dim3A_35 : vector<16xf32> to vector<16xf32>
      tpu.vector_store %arg5[%swap3A], %swap3A_40 {strides = array<i32>} : memref<128xf32, #tpu.memory_space<vmem>>, vector<16xf32>,
      %scan3A_41 = arith.constant 0 : i32
      scf.yield %scan3A_41 : i32
    }
    %scan3A_5 = arith.constant 8 : i32
    %scan3A_6 = arith.constant 0 : i32
    %scan3A_7 = arith.constant 0 : i32
    %scan3A_8 = arith.constant 40 : i32
    %scan3A_9 = arith.addi %scan3A_7, %scan3A_8 : i32
    %scan3A_10 = arith.constant 1 : i32
    %scan3A_11 = scf.for %scan3A_33 = %scan3A_7 to %scan3A_9 step %scan3A_10 iter_args(%scan3A_34 = %scan3A_6) -> (i32)  : i32 {
      %broadcast_in_dim3A = arith.constant 0.000000e+00 : f32
      %broadcast_in_dim3A_35 = vector.broadcast %broadcast_in_dim3A : f32 to vector<16xf32>
      %mul3A_36 = arith.constant 16 : i32
      %mul3A_37 = arith.muli %scan3A_33, %mul3A_36 : i32
      %swap3A = arith.index_cast %mul3A_37 : i32 to index
      %swap3A_38 = tpu.vector_load %arg6[%swap3A] {strides = array<i32>} : memref<640xf32, #tpu.memory_space<vmem>>, vector<16xf32>,
      %swap3A_39 = vector.shape_cast %swap3A_38 : vector<16xf32> to vector<16xf32>
      %swap3A_40 = vector.shape_cast %broadcast_in_dim3A_35 : vector<16xf32> to vector<16xf32>
      tpu.vector_store %arg6[%swap3A], %swap3A_40 {strides = array<i32>} : memref<640xf32, #tpu.memory_space<vmem>>, vector<16xf32>,
      %scan3A_41 = arith.constant 0 : i32
      scf.yield %scan3A_41 : i32
    }
    %scan3A_12 = arith.constant 40 : i32
    %mul3A = arith.constant 640 : i32
    %mul3A_13 = arith.muli %arg1, %mul3A : i32
    "tpu.region"() ({
      %run_scoped3A = tpu.sem_alloc : memref<!tpu.dma_semaphore, #tpu.memory_space<semaphore_mem>>
      %dma_start3A = tpu.memref_slice %arg7[%mul3A_13] : memref<10240xf32, #tpu.memory_space<vmem_shared>> -> memref<640xf32, #tpu.memory_space<vmem_shared>>
      %dma_start3A_33 = tpu.memref_slice %arg7[%mul3A_13] : memref<10240xf32, #tpu.memory_space<vmem_shared>> -> memref<640xf32, #tpu.memory_space<vmem_shared>>
      tpu.enqueue_dma source(%arg6 : memref<640xf32, #tpu.memory_space<vmem>>) target(%dma_start3A_33 : memref<640xf32, #tpu.memory_space<vmem_shared>>) target_semaphore(%run_scoped3A : memref<!tpu.dma_semaphore, #tpu.memory_space<semaphore_mem>>)
      %dma_wait3A = tpu.memref_slice %arg7[%mul3A_13] : memref<10240xf32, #tpu.memory_space<vmem_shared>> -> memref<640xf32, #tpu.memory_space<vmem_shared>>
      %dma_wait3A_34 = tpu.memref_slice %arg7[%mul3A_13] : memref<10240xf32, #tpu.memory_space<vmem_shared>> -> memref<640xf32, #tpu.memory_space<vmem_shared>>
      tpu.wait_dma2 semaphore(%run_scoped3A : memref<!tpu.dma_semaphore, #tpu.memory_space<semaphore_mem>>) src(%arg6 : memref<640xf32, #tpu.memory_space<vmem>>) dst(%dma_wait3A_34 : memref<640xf32, #tpu.memory_space<vmem_shared>>)
      tpu.yield
    }) : () -> ()
    "tpu.region"() ({
      %run_scoped3A = tpu.sem_alloc : memref<!tpu.dma_semaphore, #tpu.memory_space<semaphore_mem>>
      %dma_start3A = arith.constant 0 : i32
      %dma_start3A_33 = arith.constant 0 : i32
      %dma_start3A_34 = tpu.memref_slice %arg2[%arg1, %dma_start3A, %dma_start3A_33] : memref<16x160x128xi32, #tpu.memory_space<hbm>> -> memref<1x160x128xi32, #tpu.memory_space<hbm>>
      %dma_start3A_35 = tpu.memref_squeeze %dma_start3A_34 : memref<1x160x128xi32, #tpu.memory_space<hbm>> -> memref<160x128xi32, #tpu.memory_space<hbm>>
      %dma_start3A_36 = arith.constant 0 : i32
      %dma_start3A_37 = arith.constant 0 : i32
      %dma_start3A_38 = tpu.memref_slice %arg2[%arg1, %dma_start3A_36, %dma_start3A_37] : memref<16x160x128xi32, #tpu.memory_space<hbm>> -> memref<1x160x128xi32, #tpu.memory_space<hbm>>
      %dma_start3A_39 = tpu.memref_squeeze %dma_start3A_38 : memref<1x160x128xi32, #tpu.memory_space<hbm>> -> memref<160x128xi32, #tpu.memory_space<hbm>>
      tpu.enqueue_dma source(%dma_start3A_39 : memref<160x128xi32, #tpu.memory_space<hbm>>) target(%arg4 : memref<160x128xi32, #tpu.memory_space<vmem>>) target_semaphore(%run_scoped3A : memref<!tpu.dma_semaphore, #tpu.memory_space<semaphore_mem>>)
      %dma_wait3A = arith.constant 0 : i32
      %dma_wait3A_40 = arith.constant 0 : i32
      %dma_wait3A_41 = tpu.memref_slice %arg2[%arg1, %dma_wait3A, %dma_wait3A_40] : memref<16x160x128xi32, #tpu.memory_space<hbm>> -> memref<1x160x128xi32, #tpu.memory_space<hbm>>
      %dma_wait3A_42 = tpu.memref_squeeze %dma_wait3A_41 : memref<1x160x128xi32, #tpu.memory_space<hbm>> -> memref<160x128xi32, #tpu.memory_space<hbm>>
      %dma_wait3A_43 = arith.constant 0 : i32
      %dma_wait3A_44 = arith.constant 0 : i32
      %dma_wait3A_45 = tpu.memref_slice %arg2[%arg1, %dma_wait3A_43, %dma_wait3A_44] : memref<16x160x128xi32, #tpu.memory_space<hbm>> -> memref<1x160x128xi32, #tpu.memory_space<hbm>>
      %dma_wait3A_46 = tpu.memref_squeeze %dma_wait3A_45 : memref<1x160x128xi32, #tpu.memory_space<hbm>> -> memref<160x128xi32, #tpu.memory_space<hbm>>
      tpu.wait_dma2 semaphore(%run_scoped3A : memref<!tpu.dma_semaphore, #tpu.memory_space<semaphore_mem>>) src(%dma_wait3A_46 : memref<160x128xi32, #tpu.memory_space<hbm>>) dst(%arg4 : memref<160x128xi32, #tpu.memory_space<vmem>>)
      tpu.yield
    }) : () -> ()
    %barrier3A = arith.constant 0 : index
    tpu.barrier barrier_id(%barrier3A)
    %scan3A_14 = arith.constant 0 : i32
    %scan3A_15 = arith.constant 0 : i32
    %scan3A_16 = arith.constant 160 : i32
    %scan3A_17 = arith.addi %scan3A_15, %scan3A_16 : i32
    %scan3A_18 = arith.constant 1 : i32
    %scan3A_19 = scf.for %scan3A_33 = %scan3A_15 to %scan3A_17 step %scan3A_18 iter_args(%scan3A_34 = %scan3A_14) -> (i32)  : i32 {
      %dma_start3A = arith.constant 0 : i32
      %dma_start3A_35 = tpu.memref_slice %arg4[%scan3A_33, %dma_start3A] : memref<160x128xi32, #tpu.memory_space<vmem>> -> memref<1x128xi32, #tpu.memory_space<vmem>>
      %dma_start3A_36 = tpu.memref_squeeze %dma_start3A_35 : memref<1x128xi32, #tpu.memory_space<vmem>> -> memref<128xi32, #tpu.memory_space<vmem>>
      %dma_start3A_37 = arith.constant 0 : i32
      %dma_start3A_38 = tpu.memref_slice %arg7[%dma_start3A_37] : memref<10240xf32, #tpu.memory_space<vmem_shared>> -> memref<10240xf32, #tpu.memory_space<vmem_shared>>
      tpu.enqueue_indirect_dma source(%arg5 : memref<128xf32, #tpu.memory_space<vmem>>) target(%dma_start3A_38 : memref<10240xf32, #tpu.memory_space<vmem_shared>>) offsets(%dma_start3A_36 : memref<128xi32, #tpu.memory_space<vmem>>) semaphore(%arg8 : memref<!tpu.dma_semaphore, #tpu.memory_space<semaphore_mem>>) {add = true}
      %scan3A_39 = arith.constant 0 : i32
      scf.yield %scan3A_39 : i32
    }
    %scan3A_20 = arith.constant 160 : i32
    %scan3A_21 = arith.constant 0 : i32
    %scan3A_22 = arith.constant 0 : i32
    %scan3A_23 = arith.constant 160 : i32
    %scan3A_24 = arith.addi %scan3A_22, %scan3A_23 : i32
    %scan3A_25 = arith.constant 1 : i32
    %scan3A_26 = scf.for %scan3A_33 = %scan3A_22 to %scan3A_24 step %scan3A_25 iter_args(%scan3A_34 = %scan3A_21) -> (i32)  : i32 {
      %dma_wait3A = arith.constant 0 : i32
      %dma_wait3A_35 = tpu.memref_slice %arg4[%scan3A_33, %dma_wait3A] : memref<160x128xi32, #tpu.memory_space<vmem>> -> memref<1x128xi32, #tpu.memory_space<vmem>>
      %dma_wait3A_36 = tpu.memref_squeeze %dma_wait3A_35 : memref<1x128xi32, #tpu.memory_space<vmem>> -> memref<128xi32, #tpu.memory_space<vmem>>
      %dma_wait3A_37 = arith.constant 0 : i32
      %dma_wait3A_38 = tpu.memref_slice %arg7[%dma_wait3A_37] : memref<10240xf32, #tpu.memory_space<vmem_shared>> -> memref<10240xf32, #tpu.memory_space<vmem_shared>>
      tpu.wait_indirect_dma semaphore(%arg8 : memref<!tpu.dma_semaphore, #tpu.memory_space<semaphore_mem>>) src(%arg5 : memref<128xf32, #tpu.memory_space<vmem>>) dst(%dma_wait3A_38 : memref<10240xf32, #tpu.memory_space<vmem_shared>>)
      %scan3A_39 = arith.constant 0 : i32
      scf.yield %scan3A_39 : i32
    }
    %scan3A_27 = arith.constant 160 : i32
    %barrier3A_28 = arith.constant 0 : index
    tpu.barrier barrier_id(%barrier3A_28)
    %mul3A_29 = arith.constant 640 : i32
    %mul3A_30 = arith.muli %arg1, %mul3A_29 : i32
    %mul3A_31 = arith.constant 640 : i32
    %mul3A_32 = arith.muli %arg1, %mul3A_31 : i32
    "tpu.region"() ({
      %run_scoped3A = tpu.sem_alloc : memref<!tpu.dma_semaphore, #tpu.memory_space<semaphore_mem>>
      %dma_start3A = tpu.memref_slice %arg3[%mul3A_32] : memref<10240xf32, #tpu.memory_space<hbm>> -> memref<640xf32, #tpu.memory_space<hbm>>
      %dma_start3A_33 = tpu.memref_slice %arg7[%mul3A_30] : memref<10240xf32, #tpu.memory_space<vmem_shared>> -> memref<640xf32, #tpu.memory_space<vmem_shared>>
      tpu.enqueue_dma source(%dma_start3A_33 : memref<640xf32, #tpu.memory_space<vmem_shared>>) target(%dma_start3A : memref<640xf32, #tpu.memory_space<hbm>>) target_semaphore(%run_scoped3A : memref<!tpu.dma_semaphore, #tpu.memory_space<semaphore_mem>>)
      %dma_wait3A = tpu.memref_slice %arg3[%mul3A_32] : memref<10240xf32, #tpu.memory_space<hbm>> -> memref<640xf32, #tpu.memory_space<hbm>>
      %dma_wait3A_34 = tpu.memref_slice %arg7[%mul3A_30] : memref<10240xf32, #tpu.memory_space<vmem_shared>> -> memref<640xf32, #tpu.memory_space<vmem_shared>>
      tpu.wait_dma2 semaphore(%run_scoped3A : memref<!tpu.dma_semaphore, #tpu.memory_space<semaphore_mem>>) src(%dma_wait3A_34 : memref<640xf32, #tpu.memory_space<vmem_shared>>) dst(%dma_wait3A : memref<640xf32, #tpu.memory_space<hbm>>)
      tpu.yield
    }) : () -> ()
    return
  }
}

#map = affine_map<(d0, d1) -> (0, 0, 0)>
#map1 = affine_map<(d0, d1) -> (0, 0)>
module attributes {stable_mosaic.version = 14 : i64} {
  func.func @_edge_body(%arg0: i32, %arg1: i32, %arg2: memref<32x128x80xi32, #tpu.memory_space<hbm>>, %arg3: memref<32x128x80xi32, #tpu.memory_space<hbm>>, %arg4: memref<10000x128xf32, #tpu.memory_space<hbm>>, %arg5: memref<2x10240x128xf32, #tpu.memory_space<hbm>>, %arg6: memref<8x80xi32, #tpu.memory_space<vmem>>, %arg7: memref<8x80xi32, #tpu.memory_space<vmem>>, %arg8: memref<4x80x128xf32, #tpu.memory_space<vmem>>, %arg9: memref<10240x128xf32, #tpu.memory_space<vmem_shared>>, %arg10: memref<!tpu.dma_semaphore, #tpu.memory_space<semaphore_mem>>, %arg11: memref<!tpu.dma_semaphore, #tpu.memory_space<semaphore_mem>>, %arg12: memref<!tpu.dma_semaphore, #tpu.memory_space<semaphore_mem>>, %arg13: memref<!tpu.dma_semaphore, #tpu.memory_space<semaphore_mem>>, %arg14: memref<!tpu.dma_semaphore, #tpu.memory_space<semaphore_mem>>, %arg15: memref<!tpu.dma_semaphore, #tpu.memory_space<semaphore_mem>>, %arg16: memref<!tpu.dma_semaphore, #tpu.memory_space<semaphore_mem>>, %arg17: memref<!tpu.dma_semaphore, #tpu.memory_space<semaphore_mem>>, %arg18: memref<!tpu.dma_semaphore, #tpu.memory_space<semaphore_mem>>, %arg19: memref<!tpu.dma_semaphore, #tpu.memory_space<semaphore_mem>>, %arg20: memref<!tpu.dma_semaphore, #tpu.memory_space<semaphore_mem>>, %arg21: memref<!tpu.dma_semaphore, #tpu.memory_space<semaphore_mem>>, %arg22: memref<!tpu.dma_semaphore, #tpu.memory_space<semaphore_mem>>, %arg23: memref<!tpu.dma_semaphore, #tpu.memory_space<semaphore_mem>>, %arg24: memref<!tpu.dma_semaphore, #tpu.memory_space<semaphore_mem>>, %arg25: memref<!tpu.dma_semaphore, #tpu.memory_space<semaphore_mem>>) attributes {dimension_semantics = [#tpu.dimension_semantics<core_parallel>, #tpu.dimension_semantics<subcore_parallel>], iteration_bounds = array<i64: 2, 16>, scalar_prefetch = 0 : i64, scratch_operands = 20 : i64, tpu.core_type = #tpu.core_type<sc_vector_subcore>, window_params = [{transform_indices = #map}, {transform_indices = #map}, {transform_indices = #map1}, {transform_indices = #map}]} {
    %mul3A = arith.constant 16 : i32
    %mul3A_0 = arith.muli %arg0, %mul3A : i32
    %add3A = arith.addi %mul3A_0, %arg1 : i32
    %scan3A = arith.constant 0 : i32
    %scan3A_1 = arith.constant 0 : i32
    %scan3A_2 = arith.constant 80 : i32
    %scan3A_3 = arith.addi %scan3A_1, %scan3A_2 : i32
    %scan3A_4 = arith.constant 1 : i32
    %scan3A_5 = scf.for %scan3A_326 = %scan3A_1 to %scan3A_3 step %scan3A_4 iter_args(%scan3A_327 = %scan3A) -> (i32)  : i32 {
      %broadcast_in_dim3A = arith.constant 0.000000e+00 : f32
      %broadcast_in_dim3A_328 = vector.broadcast %broadcast_in_dim3A : f32 to vector<16xf32>
      %swap3A = arith.constant 0 : i32
      %swap3A_329 = arith.index_cast %swap3A : i32 to index
      %swap3A_330 = arith.index_cast %scan3A_326 : i32 to index
      %swap3A_331 = arith.constant 0 : index
      %swap3A_332 = tpu.vector_load %arg8[%swap3A_329, %swap3A_330, %swap3A_331] {strides = array<i32>} : memref<4x80x128xf32, #tpu.memory_space<vmem>>, vector<1x1x16xf32>,
      %swap3A_333 = vector.shape_cast %swap3A_332 : vector<1x1x16xf32> to vector<16xf32>
      %swap3A_334 = vector.shape_cast %broadcast_in_dim3A_328 : vector<16xf32> to vector<1x1x16xf32>
      tpu.vector_store %arg8[%swap3A_329, %swap3A_330, %swap3A_331], %swap3A_334 {strides = array<i32>} : memref<4x80x128xf32, #tpu.memory_space<vmem>>, vector<1x1x16xf32>,
      %broadcast_in_dim3A_335 = arith.constant 0.000000e+00 : f32
      %broadcast_in_dim3A_336 = vector.broadcast %broadcast_in_dim3A_335 : f32 to vector<16xf32>
      %swap3A_337 = arith.constant 0 : i32
      %swap3A_338 = arith.index_cast %swap3A_337 : i32 to index
      %swap3A_339 = arith.index_cast %scan3A_326 : i32 to index
      %swap3A_340 = arith.constant 16 : index
      %swap3A_341 = tpu.vector_load %arg8[%swap3A_338, %swap3A_339, %swap3A_340] {strides = array<i32>} : memref<4x80x128xf32, #tpu.memory_space<vmem>>, vector<1x1x16xf32>,
      %swap3A_342 = vector.shape_cast %swap3A_341 : vector<1x1x16xf32> to vector<16xf32>
      %swap3A_343 = vector.shape_cast %broadcast_in_dim3A_336 : vector<16xf32> to vector<1x1x16xf32>
      tpu.vector_store %arg8[%swap3A_338, %swap3A_339, %swap3A_340], %swap3A_343 {strides = array<i32>} : memref<4x80x128xf32, #tpu.memory_space<vmem>>, vector<1x1x16xf32>,
      %broadcast_in_dim3A_344 = arith.constant 0.000000e+00 : f32
      %broadcast_in_dim3A_345 = vector.broadcast %broadcast_in_dim3A_344 : f32 to vector<16xf32>
      %swap3A_346 = arith.constant 0 : i32
      %swap3A_347 = arith.index_cast %swap3A_346 : i32 to index
      %swap3A_348 = arith.index_cast %scan3A_326 : i32 to index
      %swap3A_349 = arith.constant 32 : index
      %swap3A_350 = tpu.vector_load %arg8[%swap3A_347, %swap3A_348, %swap3A_349] {strides = array<i32>} : memref<4x80x128xf32, #tpu.memory_space<vmem>>, vector<1x1x16xf32>,
      %swap3A_351 = vector.shape_cast %swap3A_350 : vector<1x1x16xf32> to vector<16xf32>
      %swap3A_352 = vector.shape_cast %broadcast_in_dim3A_345 : vector<16xf32> to vector<1x1x16xf32>
      tpu.vector_store %arg8[%swap3A_347, %swap3A_348, %swap3A_349], %swap3A_352 {strides = array<i32>} : memref<4x80x128xf32, #tpu.memory_space<vmem>>, vector<1x1x16xf32>,
      %broadcast_in_dim3A_353 = arith.constant 0.000000e+00 : f32
      %broadcast_in_dim3A_354 = vector.broadcast %broadcast_in_dim3A_353 : f32 to vector<16xf32>
      %swap3A_355 = arith.constant 0 : i32
      %swap3A_356 = arith.index_cast %swap3A_355 : i32 to index
      %swap3A_357 = arith.index_cast %scan3A_326 : i32 to index
      %swap3A_358 = arith.constant 48 : index
      %swap3A_359 = tpu.vector_load %arg8[%swap3A_356, %swap3A_357, %swap3A_358] {strides = array<i32>} : memref<4x80x128xf32, #tpu.memory_space<vmem>>, vector<1x1x16xf32>,
      %swap3A_360 = vector.shape_cast %swap3A_359 : vector<1x1x16xf32> to vector<16xf32>
      %swap3A_361 = vector.shape_cast %broadcast_in_dim3A_354 : vector<16xf32> to vector<1x1x16xf32>
      tpu.vector_store %arg8[%swap3A_356, %swap3A_357, %swap3A_358], %swap3A_361 {strides = array<i32>} : memref<4x80x128xf32, #tpu.memory_space<vmem>>, vector<1x1x16xf32>,
      %broadcast_in_dim3A_362 = arith.constant 0.000000e+00 : f32
      %broadcast_in_dim3A_363 = vector.broadcast %broadcast_in_dim3A_362 : f32 to vector<16xf32>
      %swap3A_364 = arith.constant 0 : i32
      %swap3A_365 = arith.index_cast %swap3A_364 : i32 to index
      %swap3A_366 = arith.index_cast %scan3A_326 : i32 to index
      %swap3A_367 = arith.constant 64 : index
      %swap3A_368 = tpu.vector_load %arg8[%swap3A_365, %swap3A_366, %swap3A_367] {strides = array<i32>} : memref<4x80x128xf32, #tpu.memory_space<vmem>>, vector<1x1x16xf32>,
      %swap3A_369 = vector.shape_cast %swap3A_368 : vector<1x1x16xf32> to vector<16xf32>
      %swap3A_370 = vector.shape_cast %broadcast_in_dim3A_363 : vector<16xf32> to vector<1x1x16xf32>
      tpu.vector_store %arg8[%swap3A_365, %swap3A_366, %swap3A_367], %swap3A_370 {strides = array<i32>} : memref<4x80x128xf32, #tpu.memory_space<vmem>>, vector<1x1x16xf32>,
      %broadcast_in_dim3A_371 = arith.constant 0.000000e+00 : f32
      %broadcast_in_dim3A_372 = vector.broadcast %broadcast_in_dim3A_371 : f32 to vector<16xf32>
      %swap3A_373 = arith.constant 0 : i32
      %swap3A_374 = arith.index_cast %swap3A_373 : i32 to index
      %swap3A_375 = arith.index_cast %scan3A_326 : i32 to index
      %swap3A_376 = arith.constant 80 : index
      %swap3A_377 = tpu.vector_load %arg8[%swap3A_374, %swap3A_375, %swap3A_376] {strides = array<i32>} : memref<4x80x128xf32, #tpu.memory_space<vmem>>, vector<1x1x16xf32>,
      %swap3A_378 = vector.shape_cast %swap3A_377 : vector<1x1x16xf32> to vector<16xf32>
      %swap3A_379 = vector.shape_cast %broadcast_in_dim3A_372 : vector<16xf32> to vector<1x1x16xf32>
      tpu.vector_store %arg8[%swap3A_374, %swap3A_375, %swap3A_376], %swap3A_379 {strides = array<i32>} : memref<4x80x128xf32, #tpu.memory_space<vmem>>, vector<1x1x16xf32>,
      %broadcast_in_dim3A_380 = arith.constant 0.000000e+00 : f32
      %broadcast_in_dim3A_381 = vector.broadcast %broadcast_in_dim3A_380 : f32 to vector<16xf32>
      %swap3A_382 = arith.constant 0 : i32
      %swap3A_383 = arith.index_cast %swap3A_382 : i32 to index
      %swap3A_384 = arith.index_cast %scan3A_326 : i32 to index
      %swap3A_385 = arith.constant 96 : index
      %swap3A_386 = tpu.vector_load %arg8[%swap3A_383, %swap3A_384, %swap3A_385] {strides = array<i32>} : memref<4x80x128xf32, #tpu.memory_space<vmem>>, vector<1x1x16xf32>,
      %swap3A_387 = vector.shape_cast %swap3A_386 : vector<1x1x16xf32> to vector<16xf32>
      %swap3A_388 = vector.shape_cast %broadcast_in_dim3A_381 : vector<16xf32> to vector<1x1x16xf32>
      tpu.vector_store %arg8[%swap3A_383, %swap3A_384, %swap3A_385], %swap3A_388 {strides = array<i32>} : memref<4x80x128xf32, #tpu.memory_space<vmem>>, vector<1x1x16xf32>,
      %broadcast_in_dim3A_389 = arith.constant 0.000000e+00 : f32
      %broadcast_in_dim3A_390 = vector.broadcast %broadcast_in_dim3A_389 : f32 to vector<16xf32>
      %swap3A_391 = arith.constant 0 : i32
      %swap3A_392 = arith.index_cast %swap3A_391 : i32 to index
      %swap3A_393 = arith.index_cast %scan3A_326 : i32 to index
      %swap3A_394 = arith.constant 112 : index
      %swap3A_395 = tpu.vector_load %arg8[%swap3A_392, %swap3A_393, %swap3A_394] {strides = array<i32>} : memref<4x80x128xf32, #tpu.memory_space<vmem>>, vector<1x1x16xf32>,
      %swap3A_396 = vector.shape_cast %swap3A_395 : vector<1x1x16xf32> to vector<16xf32>
      %swap3A_397 = vector.shape_cast %broadcast_in_dim3A_390 : vector<16xf32> to vector<1x1x16xf32>
      tpu.vector_store %arg8[%swap3A_392, %swap3A_393, %swap3A_394], %swap3A_397 {strides = array<i32>} : memref<4x80x128xf32, #tpu.memory_space<vmem>>, vector<1x1x16xf32>,
      %scan3A_398 = arith.constant 0 : i32
      scf.yield %scan3A_398 : i32
    }
    %scan3A_6 = arith.constant 80 : i32
    %mul3A_7 = arith.constant 640 : i32
    %mul3A_8 = arith.muli %arg1, %mul3A_7 : i32
    %add3A_9 = arith.constant 0 : i32
    %add3A_10 = arith.addi %mul3A_8, %add3A_9 : i32
    %run_scoped3A = arith.constant 0 : i32
    "tpu.region"() ({
      %run_scoped3A_326 = tpu.sem_alloc : memref<!tpu.dma_semaphore, #tpu.memory_space<semaphore_mem>>
      %dma_start3A_327 = arith.constant 0 : i32
      %dma_start3A_328 = arith.constant 0 : i32
      %dma_start3A_329 = tpu.memref_slice %arg8[%run_scoped3A, %dma_start3A_327, %dma_start3A_328] : memref<4x80x128xf32, #tpu.memory_space<vmem>> -> memref<1x80x128xf32, #tpu.memory_space<vmem>>
      %dma_start3A_330 = tpu.memref_squeeze %dma_start3A_329 : memref<1x80x128xf32, #tpu.memory_space<vmem>> -> memref<80x128xf32, #tpu.memory_space<vmem>>
      %dma_start3A_331 = arith.constant 0 : i32
      %dma_start3A_332 = tpu.memref_slice %arg9[%add3A_10, %dma_start3A_331] : memref<10240x128xf32, #tpu.memory_space<vmem_shared>> -> memref<80x128xf32, #tpu.memory_space<vmem_shared>>
      %dma_start3A_333 = arith.constant 0 : i32
      %dma_start3A_334 = tpu.memref_slice %arg9[%add3A_10, %dma_start3A_333] : memref<10240x128xf32, #tpu.memory_space<vmem_shared>> -> memref<80x128xf32, #tpu.memory_space<vmem_shared>>
      %dma_start3A_335 = arith.constant 0 : i32
      %dma_start3A_336 = arith.constant 0 : i32
      %dma_start3A_337 = tpu.memref_slice %arg8[%run_scoped3A, %dma_start3A_335, %dma_start3A_336] : memref<4x80x128xf32, #tpu.memory_space<vmem>> -> memref<1x80x128xf32, #tpu.memory_space<vmem>>
      %dma_start3A_338 = tpu.memref_squeeze %dma_start3A_337 : memref<1x80x128xf32, #tpu.memory_space<vmem>> -> memref<80x128xf32, #tpu.memory_space<vmem>>
      tpu.enqueue_dma source(%dma_start3A_338 : memref<80x128xf32, #tpu.memory_space<vmem>>) target(%dma_start3A_334 : memref<80x128xf32, #tpu.memory_space<vmem_shared>>) target_semaphore(%run_scoped3A_326 : memref<!tpu.dma_semaphore, #tpu.memory_space<semaphore_mem>>)
      %dma_wait3A_339 = arith.constant 0 : i32
      %dma_wait3A_340 = arith.constant 0 : i32
      %dma_wait3A_341 = tpu.memref_slice %arg8[%run_scoped3A, %dma_wait3A_339, %dma_wait3A_340] : memref<4x80x128xf32, #tpu.memory_space<vmem>> -> memref<1x80x128xf32, #tpu.memory_space<vmem>>
      %dma_wait3A_342 = tpu.memref_squeeze %dma_wait3A_341 : memref<1x80x128xf32, #tpu.memory_space<vmem>> -> memref<80x128xf32, #tpu.memory_space<vmem>>
      %dma_wait3A_343 = arith.constant 0 : i32
      %dma_wait3A_344 = tpu.memref_slice %arg9[%add3A_10, %dma_wait3A_343] : memref<10240x128xf32, #tpu.memory_space<vmem_shared>> -> memref<80x128xf32, #tpu.memory_space<vmem_shared>>
      %dma_wait3A_345 = arith.constant 0 : i32
      %dma_wait3A_346 = tpu.memref_slice %arg9[%add3A_10, %dma_wait3A_345] : memref<10240x128xf32, #tpu.memory_space<vmem_shared>> -> memref<80x128xf32, #tpu.memory_space<vmem_shared>>
      %dma_wait3A_347 = arith.constant 0 : i32
      %dma_wait3A_348 = arith.constant 0 : i32
      %dma_wait3A_349 = tpu.memref_slice %arg8[%run_scoped3A, %dma_wait3A_347, %dma_wait3A_348] : memref<4x80x128xf32, #tpu.memory_space<vmem>> -> memref<1x80x128xf32, #tpu.memory_space<vmem>>
      %dma_wait3A_350 = tpu.memref_squeeze %dma_wait3A_349 : memref<1x80x128xf32, #tpu.memory_space<vmem>> -> memref<80x128xf32, #tpu.memory_space<vmem>>
      tpu.wait_dma2 semaphore(%run_scoped3A_326 : memref<!tpu.dma_semaphore, #tpu.memory_space<semaphore_mem>>) src(%dma_wait3A_350 : memref<80x128xf32, #tpu.memory_space<vmem>>) dst(%dma_wait3A_346 : memref<80x128xf32, #tpu.memory_space<vmem_shared>>)
      tpu.yield
    }) : () -> ()
    %mul3A_11 = arith.constant 640 : i32
    %mul3A_12 = arith.muli %arg1, %mul3A_11 : i32
    %add3A_13 = arith.constant 80 : i32
    %add3A_14 = arith.addi %mul3A_12, %add3A_13 : i32
    %run_scoped3A_15 = arith.constant 0 : i32
    "tpu.region"() ({
      %run_scoped3A_326 = tpu.sem_alloc : memref<!tpu.dma_semaphore, #tpu.memory_space<semaphore_mem>>
      %dma_start3A_327 = arith.constant 0 : i32
      %dma_start3A_328 = arith.constant 0 : i32
      %dma_start3A_329 = tpu.memref_slice %arg8[%run_scoped3A_15, %dma_start3A_327, %dma_start3A_328] : memref<4x80x128xf32, #tpu.memory_space<vmem>> -> memref<1x80x128xf32, #tpu.memory_space<vmem>>
      %dma_start3A_330 = tpu.memref_squeeze %dma_start3A_329 : memref<1x80x128xf32, #tpu.memory_space<vmem>> -> memref<80x128xf32, #tpu.memory_space<vmem>>
      %dma_start3A_331 = arith.constant 0 : i32
      %dma_start3A_332 = tpu.memref_slice %arg9[%add3A_14, %dma_start3A_331] : memref<10240x128xf32, #tpu.memory_space<vmem_shared>> -> memref<80x128xf32, #tpu.memory_space<vmem_shared>>
      %dma_start3A_333 = arith.constant 0 : i32
      %dma_start3A_334 = tpu.memref_slice %arg9[%add3A_14, %dma_start3A_333] : memref<10240x128xf32, #tpu.memory_space<vmem_shared>> -> memref<80x128xf32, #tpu.memory_space<vmem_shared>>
      %dma_start3A_335 = arith.constant 0 : i32
      %dma_start3A_336 = arith.constant 0 : i32
      %dma_start3A_337 = tpu.memref_slice %arg8[%run_scoped3A_15, %dma_start3A_335, %dma_start3A_336] : memref<4x80x128xf32, #tpu.memory_space<vmem>> -> memref<1x80x128xf32, #tpu.memory_space<vmem>>
      %dma_start3A_338 = tpu.memref_squeeze %dma_start3A_337 : memref<1x80x128xf32, #tpu.memory_space<vmem>> -> memref<80x128xf32, #tpu.memory_space<vmem>>
      tpu.enqueue_dma source(%dma_start3A_338 : memref<80x128xf32, #tpu.memory_space<vmem>>) target(%dma_start3A_334 : memref<80x128xf32, #tpu.memory_space<vmem_shared>>) target_semaphore(%run_scoped3A_326 : memref<!tpu.dma_semaphore, #tpu.memory_space<semaphore_mem>>)
      %dma_wait3A_339 = arith.constant 0 : i32
      %dma_wait3A_340 = arith.constant 0 : i32
      %dma_wait3A_341 = tpu.memref_slice %arg8[%run_scoped3A_15, %dma_wait3A_339, %dma_wait3A_340] : memref<4x80x128xf32, #tpu.memory_space<vmem>> -> memref<1x80x128xf32, #tpu.memory_space<vmem>>
      %dma_wait3A_342 = tpu.memref_squeeze %dma_wait3A_341 : memref<1x80x128xf32, #tpu.memory_space<vmem>> -> memref<80x128xf32, #tpu.memory_space<vmem>>
      %dma_wait3A_343 = arith.constant 0 : i32
      %dma_wait3A_344 = tpu.memref_slice %arg9[%add3A_14, %dma_wait3A_343] : memref<10240x128xf32, #tpu.memory_space<vmem_shared>> -> memref<80x128xf32, #tpu.memory_space<vmem_shared>>
      %dma_wait3A_345 = arith.constant 0 : i32
      %dma_wait3A_346 = tpu.memref_slice %arg9[%add3A_14, %dma_wait3A_345] : memref<10240x128xf32, #tpu.memory_space<vmem_shared>> -> memref<80x128xf32, #tpu.memory_space<vmem_shared>>
      %dma_wait3A_347 = arith.constant 0 : i32
      %dma_wait3A_348 = arith.constant 0 : i32
      %dma_wait3A_349 = tpu.memref_slice %arg8[%run_scoped3A_15, %dma_wait3A_347, %dma_wait3A_348] : memref<4x80x128xf32, #tpu.memory_space<vmem>> -> memref<1x80x128xf32, #tpu.memory_space<vmem>>
      %dma_wait3A_350 = tpu.memref_squeeze %dma_wait3A_349 : memref<1x80x128xf32, #tpu.memory_space<vmem>> -> memref<80x128xf32, #tpu.memory_space<vmem>>
      tpu.wait_dma2 semaphore(%run_scoped3A_326 : memref<!tpu.dma_semaphore, #tpu.memory_space<semaphore_mem>>) src(%dma_wait3A_350 : memref<80x128xf32, #tpu.memory_space<vmem>>) dst(%dma_wait3A_346 : memref<80x128xf32, #tpu.memory_space<vmem_shared>>)
      tpu.yield
    }) : () -> ()
    %mul3A_16 = arith.constant 640 : i32
    %mul3A_17 = arith.muli %arg1, %mul3A_16 : i32
    %add3A_18 = arith.constant 160 : i32
    %add3A_19 = arith.addi %mul3A_17, %add3A_18 : i32
    %run_scoped3A_20 = arith.constant 0 : i32
    "tpu.region"() ({
      %run_scoped3A_326 = tpu.sem_alloc : memref<!tpu.dma_semaphore, #tpu.memory_space<semaphore_mem>>
      %dma_start3A_327 = arith.constant 0 : i32
      %dma_start3A_328 = arith.constant 0 : i32
      %dma_start3A_329 = tpu.memref_slice %arg8[%run_scoped3A_20, %dma_start3A_327, %dma_start3A_328] : memref<4x80x128xf32, #tpu.memory_space<vmem>> -> memref<1x80x128xf32, #tpu.memory_space<vmem>>
      %dma_start3A_330 = tpu.memref_squeeze %dma_start3A_329 : memref<1x80x128xf32, #tpu.memory_space<vmem>> -> memref<80x128xf32, #tpu.memory_space<vmem>>
      %dma_start3A_331 = arith.constant 0 : i32
      %dma_start3A_332 = tpu.memref_slice %arg9[%add3A_19, %dma_start3A_331] : memref<10240x128xf32, #tpu.memory_space<vmem_shared>> -> memref<80x128xf32, #tpu.memory_space<vmem_shared>>
      %dma_start3A_333 = arith.constant 0 : i32
      %dma_start3A_334 = tpu.memref_slice %arg9[%add3A_19, %dma_start3A_333] : memref<10240x128xf32, #tpu.memory_space<vmem_shared>> -> memref<80x128xf32, #tpu.memory_space<vmem_shared>>
      %dma_start3A_335 = arith.constant 0 : i32
      %dma_start3A_336 = arith.constant 0 : i32
      %dma_start3A_337 = tpu.memref_slice %arg8[%run_scoped3A_20, %dma_start3A_335, %dma_start3A_336] : memref<4x80x128xf32, #tpu.memory_space<vmem>> -> memref<1x80x128xf32, #tpu.memory_space<vmem>>
      %dma_start3A_338 = tpu.memref_squeeze %dma_start3A_337 : memref<1x80x128xf32, #tpu.memory_space<vmem>> -> memref<80x128xf32, #tpu.memory_space<vmem>>
      tpu.enqueue_dma source(%dma_start3A_338 : memref<80x128xf32, #tpu.memory_space<vmem>>) target(%dma_start3A_334 : memref<80x128xf32, #tpu.memory_space<vmem_shared>>) target_semaphore(%run_scoped3A_326 : memref<!tpu.dma_semaphore, #tpu.memory_space<semaphore_mem>>)
      %dma_wait3A_339 = arith.constant 0 : i32
      %dma_wait3A_340 = arith.constant 0 : i32
      %dma_wait3A_341 = tpu.memref_slice %arg8[%run_scoped3A_20, %dma_wait3A_339, %dma_wait3A_340] : memref<4x80x128xf32, #tpu.memory_space<vmem>> -> memref<1x80x128xf32, #tpu.memory_space<vmem>>
      %dma_wait3A_342 = tpu.memref_squeeze %dma_wait3A_341 : memref<1x80x128xf32, #tpu.memory_space<vmem>> -> memref<80x128xf32, #tpu.memory_space<vmem>>
      %dma_wait3A_343 = arith.constant 0 : i32
      %dma_wait3A_344 = tpu.memref_slice %arg9[%add3A_19, %dma_wait3A_343] : memref<10240x128xf32, #tpu.memory_space<vmem_shared>> -> memref<80x128xf32, #tpu.memory_space<vmem_shared>>
      %dma_wait3A_345 = arith.constant 0 : i32
      %dma_wait3A_346 = tpu.memref_slice %arg9[%add3A_19, %dma_wait3A_345] : memref<10240x128xf32, #tpu.memory_space<vmem_shared>> -> memref<80x128xf32, #tpu.memory_space<vmem_shared>>
      %dma_wait3A_347 = arith.constant 0 : i32
      %dma_wait3A_348 = arith.constant 0 : i32
      %dma_wait3A_349 = tpu.memref_slice %arg8[%run_scoped3A_20, %dma_wait3A_347, %dma_wait3A_348] : memref<4x80x128xf32, #tpu.memory_space<vmem>> -> memref<1x80x128xf32, #tpu.memory_space<vmem>>
      %dma_wait3A_350 = tpu.memref_squeeze %dma_wait3A_349 : memref<1x80x128xf32, #tpu.memory_space<vmem>> -> memref<80x128xf32, #tpu.memory_space<vmem>>
      tpu.wait_dma2 semaphore(%run_scoped3A_326 : memref<!tpu.dma_semaphore, #tpu.memory_space<semaphore_mem>>) src(%dma_wait3A_350 : memref<80x128xf32, #tpu.memory_space<vmem>>) dst(%dma_wait3A_346 : memref<80x128xf32, #tpu.memory_space<vmem_shared>>)
      tpu.yield
    }) : () -> ()
    %mul3A_21 = arith.constant 640 : i32
    %mul3A_22 = arith.muli %arg1, %mul3A_21 : i32
    %add3A_23 = arith.constant 240 : i32
    %add3A_24 = arith.addi %mul3A_22, %add3A_23 : i32
    %run_scoped3A_25 = arith.constant 0 : i32
    "tpu.region"() ({
      %run_scoped3A_326 = tpu.sem_alloc : memref<!tpu.dma_semaphore, #tpu.memory_space<semaphore_mem>>
      %dma_start3A_327 = arith.constant 0 : i32
      %dma_start3A_328 = arith.constant 0 : i32
      %dma_start3A_329 = tpu.memref_slice %arg8[%run_scoped3A_25, %dma_start3A_327, %dma_start3A_328] : memref<4x80x128xf32, #tpu.memory_space<vmem>> -> memref<1x80x128xf32, #tpu.memory_space<vmem>>
      %dma_start3A_330 = tpu.memref_squeeze %dma_start3A_329 : memref<1x80x128xf32, #tpu.memory_space<vmem>> -> memref<80x128xf32, #tpu.memory_space<vmem>>
      %dma_start3A_331 = arith.constant 0 : i32
      %dma_start3A_332 = tpu.memref_slice %arg9[%add3A_24, %dma_start3A_331] : memref<10240x128xf32, #tpu.memory_space<vmem_shared>> -> memref<80x128xf32, #tpu.memory_space<vmem_shared>>
      %dma_start3A_333 = arith.constant 0 : i32
      %dma_start3A_334 = tpu.memref_slice %arg9[%add3A_24, %dma_start3A_333] : memref<10240x128xf32, #tpu.memory_space<vmem_shared>> -> memref<80x128xf32, #tpu.memory_space<vmem_shared>>
      %dma_start3A_335 = arith.constant 0 : i32
      %dma_start3A_336 = arith.constant 0 : i32
      %dma_start3A_337 = tpu.memref_slice %arg8[%run_scoped3A_25, %dma_start3A_335, %dma_start3A_336] : memref<4x80x128xf32, #tpu.memory_space<vmem>> -> memref<1x80x128xf32, #tpu.memory_space<vmem>>
      %dma_start3A_338 = tpu.memref_squeeze %dma_start3A_337 : memref<1x80x128xf32, #tpu.memory_space<vmem>> -> memref<80x128xf32, #tpu.memory_space<vmem>>
      tpu.enqueue_dma source(%dma_start3A_338 : memref<80x128xf32, #tpu.memory_space<vmem>>) target(%dma_start3A_334 : memref<80x128xf32, #tpu.memory_space<vmem_shared>>) target_semaphore(%run_scoped3A_326 : memref<!tpu.dma_semaphore, #tpu.memory_space<semaphore_mem>>)
      %dma_wait3A_339 = arith.constant 0 : i32
      %dma_wait3A_340 = arith.constant 0 : i32
      %dma_wait3A_341 = tpu.memref_slice %arg8[%run_scoped3A_25, %dma_wait3A_339, %dma_wait3A_340] : memref<4x80x128xf32, #tpu.memory_space<vmem>> -> memref<1x80x128xf32, #tpu.memory_space<vmem>>
      %dma_wait3A_342 = tpu.memref_squeeze %dma_wait3A_341 : memref<1x80x128xf32, #tpu.memory_space<vmem>> -> memref<80x128xf32, #tpu.memory_space<vmem>>
      %dma_wait3A_343 = arith.constant 0 : i32
      %dma_wait3A_344 = tpu.memref_slice %arg9[%add3A_24, %dma_wait3A_343] : memref<10240x128xf32, #tpu.memory_space<vmem_shared>> -> memref<80x128xf32, #tpu.memory_space<vmem_shared>>
      %dma_wait3A_345 = arith.constant 0 : i32
      %dma_wait3A_346 = tpu.memref_slice %arg9[%add3A_24, %dma_wait3A_345] : memref<10240x128xf32, #tpu.memory_space<vmem_shared>> -> memref<80x128xf32, #tpu.memory_space<vmem_shared>>
      %dma_wait3A_347 = arith.constant 0 : i32
      %dma_wait3A_348 = arith.constant 0 : i32
      %dma_wait3A_349 = tpu.memref_slice %arg8[%run_scoped3A_25, %dma_wait3A_347, %dma_wait3A_348] : memref<4x80x128xf32, #tpu.memory_space<vmem>> -> memref<1x80x128xf32, #tpu.memory_space<vmem>>
      %dma_wait3A_350 = tpu.memref_squeeze %dma_wait3A_349 : memref<1x80x128xf32, #tpu.memory_space<vmem>> -> memref<80x128xf32, #tpu.memory_space<vmem>>
      tpu.wait_dma2 semaphore(%run_scoped3A_326 : memref<!tpu.dma_semaphore, #tpu.memory_space<semaphore_mem>>) src(%dma_wait3A_350 : memref<80x128xf32, #tpu.memory_space<vmem>>) dst(%dma_wait3A_346 : memref<80x128xf32, #tpu.memory_space<vmem_shared>>)
      tpu.yield
    }) : () -> ()
    %mul3A_26 = arith.constant 640 : i32
    %mul3A_27 = arith.muli %arg1, %mul3A_26 : i32
    %add3A_28 = arith.constant 320 : i32
    %add3A_29 = arith.addi %mul3A_27, %add3A_28 : i32
    %run_scoped3A_30 = arith.constant 0 : i32
    "tpu.region"() ({
      %run_scoped3A_326 = tpu.sem_alloc : memref<!tpu.dma_semaphore, #tpu.memory_space<semaphore_mem>>
      %dma_start3A_327 = arith.constant 0 : i32
      %dma_start3A_328 = arith.constant 0 : i32
      %dma_start3A_329 = tpu.memref_slice %arg8[%run_scoped3A_30, %dma_start3A_327, %dma_start3A_328] : memref<4x80x128xf32, #tpu.memory_space<vmem>> -> memref<1x80x128xf32, #tpu.memory_space<vmem>>
      %dma_start3A_330 = tpu.memref_squeeze %dma_start3A_329 : memref<1x80x128xf32, #tpu.memory_space<vmem>> -> memref<80x128xf32, #tpu.memory_space<vmem>>
      %dma_start3A_331 = arith.constant 0 : i32
      %dma_start3A_332 = tpu.memref_slice %arg9[%add3A_29, %dma_start3A_331] : memref<10240x128xf32, #tpu.memory_space<vmem_shared>> -> memref<80x128xf32, #tpu.memory_space<vmem_shared>>
      %dma_start3A_333 = arith.constant 0 : i32
      %dma_start3A_334 = tpu.memref_slice %arg9[%add3A_29, %dma_start3A_333] : memref<10240x128xf32, #tpu.memory_space<vmem_shared>> -> memref<80x128xf32, #tpu.memory_space<vmem_shared>>
      %dma_start3A_335 = arith.constant 0 : i32
      %dma_start3A_336 = arith.constant 0 : i32
      %dma_start3A_337 = tpu.memref_slice %arg8[%run_scoped3A_30, %dma_start3A_335, %dma_start3A_336] : memref<4x80x128xf32, #tpu.memory_space<vmem>> -> memref<1x80x128xf32, #tpu.memory_space<vmem>>
      %dma_start3A_338 = tpu.memref_squeeze %dma_start3A_337 : memref<1x80x128xf32, #tpu.memory_space<vmem>> -> memref<80x128xf32, #tpu.memory_space<vmem>>
      tpu.enqueue_dma source(%dma_start3A_338 : memref<80x128xf32, #tpu.memory_space<vmem>>) target(%dma_start3A_334 : memref<80x128xf32, #tpu.memory_space<vmem_shared>>) target_semaphore(%run_scoped3A_326 : memref<!tpu.dma_semaphore, #tpu.memory_space<semaphore_mem>>)
      %dma_wait3A_339 = arith.constant 0 : i32
      %dma_wait3A_340 = arith.constant 0 : i32
      %dma_wait3A_341 = tpu.memref_slice %arg8[%run_scoped3A_30, %dma_wait3A_339, %dma_wait3A_340] : memref<4x80x128xf32, #tpu.memory_space<vmem>> -> memref<1x80x128xf32, #tpu.memory_space<vmem>>
      %dma_wait3A_342 = tpu.memref_squeeze %dma_wait3A_341 : memref<1x80x128xf32, #tpu.memory_space<vmem>> -> memref<80x128xf32, #tpu.memory_space<vmem>>
      %dma_wait3A_343 = arith.constant 0 : i32
      %dma_wait3A_344 = tpu.memref_slice %arg9[%add3A_29, %dma_wait3A_343] : memref<10240x128xf32, #tpu.memory_space<vmem_shared>> -> memref<80x128xf32, #tpu.memory_space<vmem_shared>>
      %dma_wait3A_345 = arith.constant 0 : i32
      %dma_wait3A_346 = tpu.memref_slice %arg9[%add3A_29, %dma_wait3A_345] : memref<10240x128xf32, #tpu.memory_space<vmem_shared>> -> memref<80x128xf32, #tpu.memory_space<vmem_shared>>
      %dma_wait3A_347 = arith.constant 0 : i32
      %dma_wait3A_348 = arith.constant 0 : i32
      %dma_wait3A_349 = tpu.memref_slice %arg8[%run_scoped3A_30, %dma_wait3A_347, %dma_wait3A_348] : memref<4x80x128xf32, #tpu.memory_space<vmem>> -> memref<1x80x128xf32, #tpu.memory_space<vmem>>
      %dma_wait3A_350 = tpu.memref_squeeze %dma_wait3A_349 : memref<1x80x128xf32, #tpu.memory_space<vmem>> -> memref<80x128xf32, #tpu.memory_space<vmem>>
      tpu.wait_dma2 semaphore(%run_scoped3A_326 : memref<!tpu.dma_semaphore, #tpu.memory_space<semaphore_mem>>) src(%dma_wait3A_350 : memref<80x128xf32, #tpu.memory_space<vmem>>) dst(%dma_wait3A_346 : memref<80x128xf32, #tpu.memory_space<vmem_shared>>)
      tpu.yield
    }) : () -> ()
    %mul3A_31 = arith.constant 640 : i32
    %mul3A_32 = arith.muli %arg1, %mul3A_31 : i32
    %add3A_33 = arith.constant 400 : i32
    %add3A_34 = arith.addi %mul3A_32, %add3A_33 : i32
    %run_scoped3A_35 = arith.constant 0 : i32
    "tpu.region"() ({
      %run_scoped3A_326 = tpu.sem_alloc : memref<!tpu.dma_semaphore, #tpu.memory_space<semaphore_mem>>
      %dma_start3A_327 = arith.constant 0 : i32
      %dma_start3A_328 = arith.constant 0 : i32
      %dma_start3A_329 = tpu.memref_slice %arg8[%run_scoped3A_35, %dma_start3A_327, %dma_start3A_328] : memref<4x80x128xf32, #tpu.memory_space<vmem>> -> memref<1x80x128xf32, #tpu.memory_space<vmem>>
      %dma_start3A_330 = tpu.memref_squeeze %dma_start3A_329 : memref<1x80x128xf32, #tpu.memory_space<vmem>> -> memref<80x128xf32, #tpu.memory_space<vmem>>
      %dma_start3A_331 = arith.constant 0 : i32
      %dma_start3A_332 = tpu.memref_slice %arg9[%add3A_34, %dma_start3A_331] : memref<10240x128xf32, #tpu.memory_space<vmem_shared>> -> memref<80x128xf32, #tpu.memory_space<vmem_shared>>
      %dma_start3A_333 = arith.constant 0 : i32
      %dma_start3A_334 = tpu.memref_slice %arg9[%add3A_34, %dma_start3A_333] : memref<10240x128xf32, #tpu.memory_space<vmem_shared>> -> memref<80x128xf32, #tpu.memory_space<vmem_shared>>
      %dma_start3A_335 = arith.constant 0 : i32
      %dma_start3A_336 = arith.constant 0 : i32
      %dma_start3A_337 = tpu.memref_slice %arg8[%run_scoped3A_35, %dma_start3A_335, %dma_start3A_336] : memref<4x80x128xf32, #tpu.memory_space<vmem>> -> memref<1x80x128xf32, #tpu.memory_space<vmem>>
      %dma_start3A_338 = tpu.memref_squeeze %dma_start3A_337 : memref<1x80x128xf32, #tpu.memory_space<vmem>> -> memref<80x128xf32, #tpu.memory_space<vmem>>
      tpu.enqueue_dma source(%dma_start3A_338 : memref<80x128xf32, #tpu.memory_space<vmem>>) target(%dma_start3A_334 : memref<80x128xf32, #tpu.memory_space<vmem_shared>>) target_semaphore(%run_scoped3A_326 : memref<!tpu.dma_semaphore, #tpu.memory_space<semaphore_mem>>)
      %dma_wait3A_339 = arith.constant 0 : i32
      %dma_wait3A_340 = arith.constant 0 : i32
      %dma_wait3A_341 = tpu.memref_slice %arg8[%run_scoped3A_35, %dma_wait3A_339, %dma_wait3A_340] : memref<4x80x128xf32, #tpu.memory_space<vmem>> -> memref<1x80x128xf32, #tpu.memory_space<vmem>>
      %dma_wait3A_342 = tpu.memref_squeeze %dma_wait3A_341 : memref<1x80x128xf32, #tpu.memory_space<vmem>> -> memref<80x128xf32, #tpu.memory_space<vmem>>
      %dma_wait3A_343 = arith.constant 0 : i32
      %dma_wait3A_344 = tpu.memref_slice %arg9[%add3A_34, %dma_wait3A_343] : memref<10240x128xf32, #tpu.memory_space<vmem_shared>> -> memref<80x128xf32, #tpu.memory_space<vmem_shared>>
      %dma_wait3A_345 = arith.constant 0 : i32
      %dma_wait3A_346 = tpu.memref_slice %arg9[%add3A_34, %dma_wait3A_345] : memref<10240x128xf32, #tpu.memory_space<vmem_shared>> -> memref<80x128xf32, #tpu.memory_space<vmem_shared>>
      %dma_wait3A_347 = arith.constant 0 : i32
      %dma_wait3A_348 = arith.constant 0 : i32
      %dma_wait3A_349 = tpu.memref_slice %arg8[%run_scoped3A_35, %dma_wait3A_347, %dma_wait3A_348] : memref<4x80x128xf32, #tpu.memory_space<vmem>> -> memref<1x80x128xf32, #tpu.memory_space<vmem>>
      %dma_wait3A_350 = tpu.memref_squeeze %dma_wait3A_349 : memref<1x80x128xf32, #tpu.memory_space<vmem>> -> memref<80x128xf32, #tpu.memory_space<vmem>>
      tpu.wait_dma2 semaphore(%run_scoped3A_326 : memref<!tpu.dma_semaphore, #tpu.memory_space<semaphore_mem>>) src(%dma_wait3A_350 : memref<80x128xf32, #tpu.memory_space<vmem>>) dst(%dma_wait3A_346 : memref<80x128xf32, #tpu.memory_space<vmem_shared>>)
      tpu.yield
    }) : () -> ()
    %mul3A_36 = arith.constant 640 : i32
    %mul3A_37 = arith.muli %arg1, %mul3A_36 : i32
    %add3A_38 = arith.constant 480 : i32
    %add3A_39 = arith.addi %mul3A_37, %add3A_38 : i32
    %run_scoped3A_40 = arith.constant 0 : i32
    "tpu.region"() ({
      %run_scoped3A_326 = tpu.sem_alloc : memref<!tpu.dma_semaphore, #tpu.memory_space<semaphore_mem>>
      %dma_start3A_327 = arith.constant 0 : i32
      %dma_start3A_328 = arith.constant 0 : i32
      %dma_start3A_329 = tpu.memref_slice %arg8[%run_scoped3A_40, %dma_start3A_327, %dma_start3A_328] : memref<4x80x128xf32, #tpu.memory_space<vmem>> -> memref<1x80x128xf32, #tpu.memory_space<vmem>>
      %dma_start3A_330 = tpu.memref_squeeze %dma_start3A_329 : memref<1x80x128xf32, #tpu.memory_space<vmem>> -> memref<80x128xf32, #tpu.memory_space<vmem>>
      %dma_start3A_331 = arith.constant 0 : i32
      %dma_start3A_332 = tpu.memref_slice %arg9[%add3A_39, %dma_start3A_331] : memref<10240x128xf32, #tpu.memory_space<vmem_shared>> -> memref<80x128xf32, #tpu.memory_space<vmem_shared>>
      %dma_start3A_333 = arith.constant 0 : i32
      %dma_start3A_334 = tpu.memref_slice %arg9[%add3A_39, %dma_start3A_333] : memref<10240x128xf32, #tpu.memory_space<vmem_shared>> -> memref<80x128xf32, #tpu.memory_space<vmem_shared>>
      %dma_start3A_335 = arith.constant 0 : i32
      %dma_start3A_336 = arith.constant 0 : i32
      %dma_start3A_337 = tpu.memref_slice %arg8[%run_scoped3A_40, %dma_start3A_335, %dma_start3A_336] : memref<4x80x128xf32, #tpu.memory_space<vmem>> -> memref<1x80x128xf32, #tpu.memory_space<vmem>>
      %dma_start3A_338 = tpu.memref_squeeze %dma_start3A_337 : memref<1x80x128xf32, #tpu.memory_space<vmem>> -> memref<80x128xf32, #tpu.memory_space<vmem>>
      tpu.enqueue_dma source(%dma_start3A_338 : memref<80x128xf32, #tpu.memory_space<vmem>>) target(%dma_start3A_334 : memref<80x128xf32, #tpu.memory_space<vmem_shared>>) target_semaphore(%run_scoped3A_326 : memref<!tpu.dma_semaphore, #tpu.memory_space<semaphore_mem>>)
      %dma_wait3A_339 = arith.constant 0 : i32
      %dma_wait3A_340 = arith.constant 0 : i32
      %dma_wait3A_341 = tpu.memref_slice %arg8[%run_scoped3A_40, %dma_wait3A_339, %dma_wait3A_340] : memref<4x80x128xf32, #tpu.memory_space<vmem>> -> memref<1x80x128xf32, #tpu.memory_space<vmem>>
      %dma_wait3A_342 = tpu.memref_squeeze %dma_wait3A_341 : memref<1x80x128xf32, #tpu.memory_space<vmem>> -> memref<80x128xf32, #tpu.memory_space<vmem>>
      %dma_wait3A_343 = arith.constant 0 : i32
      %dma_wait3A_344 = tpu.memref_slice %arg9[%add3A_39, %dma_wait3A_343] : memref<10240x128xf32, #tpu.memory_space<vmem_shared>> -> memref<80x128xf32, #tpu.memory_space<vmem_shared>>
      %dma_wait3A_345 = arith.constant 0 : i32
      %dma_wait3A_346 = tpu.memref_slice %arg9[%add3A_39, %dma_wait3A_345] : memref<10240x128xf32, #tpu.memory_space<vmem_shared>> -> memref<80x128xf32, #tpu.memory_space<vmem_shared>>
      %dma_wait3A_347 = arith.constant 0 : i32
      %dma_wait3A_348 = arith.constant 0 : i32
      %dma_wait3A_349 = tpu.memref_slice %arg8[%run_scoped3A_40, %dma_wait3A_347, %dma_wait3A_348] : memref<4x80x128xf32, #tpu.memory_space<vmem>> -> memref<1x80x128xf32, #tpu.memory_space<vmem>>
      %dma_wait3A_350 = tpu.memref_squeeze %dma_wait3A_349 : memref<1x80x128xf32, #tpu.memory_space<vmem>> -> memref<80x128xf32, #tpu.memory_space<vmem>>
      tpu.wait_dma2 semaphore(%run_scoped3A_326 : memref<!tpu.dma_semaphore, #tpu.memory_space<semaphore_mem>>) src(%dma_wait3A_350 : memref<80x128xf32, #tpu.memory_space<vmem>>) dst(%dma_wait3A_346 : memref<80x128xf32, #tpu.memory_space<vmem_shared>>)
      tpu.yield
    }) : () -> ()
    %mul3A_41 = arith.constant 640 : i32
    %mul3A_42 = arith.muli %arg1, %mul3A_41 : i32
    %add3A_43 = arith.constant 560 : i32
    %add3A_44 = arith.addi %mul3A_42, %add3A_43 : i32
    %run_scoped3A_45 = arith.constant 0 : i32
    "tpu.region"() ({
      %run_scoped3A_326 = tpu.sem_alloc : memref<!tpu.dma_semaphore, #tpu.memory_space<semaphore_mem>>
      %dma_start3A_327 = arith.constant 0 : i32
      %dma_start3A_328 = arith.constant 0 : i32
      %dma_start3A_329 = tpu.memref_slice %arg8[%run_scoped3A_45, %dma_start3A_327, %dma_start3A_328] : memref<4x80x128xf32, #tpu.memory_space<vmem>> -> memref<1x80x128xf32, #tpu.memory_space<vmem>>
      %dma_start3A_330 = tpu.memref_squeeze %dma_start3A_329 : memref<1x80x128xf32, #tpu.memory_space<vmem>> -> memref<80x128xf32, #tpu.memory_space<vmem>>
      %dma_start3A_331 = arith.constant 0 : i32
      %dma_start3A_332 = tpu.memref_slice %arg9[%add3A_44, %dma_start3A_331] : memref<10240x128xf32, #tpu.memory_space<vmem_shared>> -> memref<80x128xf32, #tpu.memory_space<vmem_shared>>
      %dma_start3A_333 = arith.constant 0 : i32
      %dma_start3A_334 = tpu.memref_slice %arg9[%add3A_44, %dma_start3A_333] : memref<10240x128xf32, #tpu.memory_space<vmem_shared>> -> memref<80x128xf32, #tpu.memory_space<vmem_shared>>
      %dma_start3A_335 = arith.constant 0 : i32
      %dma_start3A_336 = arith.constant 0 : i32
      %dma_start3A_337 = tpu.memref_slice %arg8[%run_scoped3A_45, %dma_start3A_335, %dma_start3A_336] : memref<4x80x128xf32, #tpu.memory_space<vmem>> -> memref<1x80x128xf32, #tpu.memory_space<vmem>>
      %dma_start3A_338 = tpu.memref_squeeze %dma_start3A_337 : memref<1x80x128xf32, #tpu.memory_space<vmem>> -> memref<80x128xf32, #tpu.memory_space<vmem>>
      tpu.enqueue_dma source(%dma_start3A_338 : memref<80x128xf32, #tpu.memory_space<vmem>>) target(%dma_start3A_334 : memref<80x128xf32, #tpu.memory_space<vmem_shared>>) target_semaphore(%run_scoped3A_326 : memref<!tpu.dma_semaphore, #tpu.memory_space<semaphore_mem>>)
      %dma_wait3A_339 = arith.constant 0 : i32
      %dma_wait3A_340 = arith.constant 0 : i32
      %dma_wait3A_341 = tpu.memref_slice %arg8[%run_scoped3A_45, %dma_wait3A_339, %dma_wait3A_340] : memref<4x80x128xf32, #tpu.memory_space<vmem>> -> memref<1x80x128xf32, #tpu.memory_space<vmem>>
      %dma_wait3A_342 = tpu.memref_squeeze %dma_wait3A_341 : memref<1x80x128xf32, #tpu.memory_space<vmem>> -> memref<80x128xf32, #tpu.memory_space<vmem>>
      %dma_wait3A_343 = arith.constant 0 : i32
      %dma_wait3A_344 = tpu.memref_slice %arg9[%add3A_44, %dma_wait3A_343] : memref<10240x128xf32, #tpu.memory_space<vmem_shared>> -> memref<80x128xf32, #tpu.memory_space<vmem_shared>>
      %dma_wait3A_345 = arith.constant 0 : i32
      %dma_wait3A_346 = tpu.memref_slice %arg9[%add3A_44, %dma_wait3A_345] : memref<10240x128xf32, #tpu.memory_space<vmem_shared>> -> memref<80x128xf32, #tpu.memory_space<vmem_shared>>
      %dma_wait3A_347 = arith.constant 0 : i32
      %dma_wait3A_348 = arith.constant 0 : i32
      %dma_wait3A_349 = tpu.memref_slice %arg8[%run_scoped3A_45, %dma_wait3A_347, %dma_wait3A_348] : memref<4x80x128xf32, #tpu.memory_space<vmem>> -> memref<1x80x128xf32, #tpu.memory_space<vmem>>
      %dma_wait3A_350 = tpu.memref_squeeze %dma_wait3A_349 : memref<1x80x128xf32, #tpu.memory_space<vmem>> -> memref<80x128xf32, #tpu.memory_space<vmem>>
      tpu.wait_dma2 semaphore(%run_scoped3A_326 : memref<!tpu.dma_semaphore, #tpu.memory_space<semaphore_mem>>) src(%dma_wait3A_350 : memref<80x128xf32, #tpu.memory_space<vmem>>) dst(%dma_wait3A_346 : memref<80x128xf32, #tpu.memory_space<vmem_shared>>)
      tpu.yield
    }) : () -> ()
    %barrier3A = arith.constant 0 : index
    tpu.barrier barrier_id(%barrier3A)
    %dma_start3A = arith.constant 0 : i32
    %dma_start3A_46 = arith.constant 0 : i32
    %dma_start3A_47 = arith.constant 0 : i32
    %dma_start3A_48 = tpu.memref_slice %arg6[%dma_start3A_46, %dma_start3A_47] : memref<8x80xi32, #tpu.memory_space<vmem>> -> memref<1x80xi32, #tpu.memory_space<vmem>>
    %dma_start3A_49 = tpu.memref_squeeze %dma_start3A_48 : memref<1x80xi32, #tpu.memory_space<vmem>> -> memref<80xi32, #tpu.memory_space<vmem>>
    %dma_start3A_50 = arith.constant 0 : i32
    %dma_start3A_51 = tpu.memref_slice %arg2[%add3A, %dma_start3A, %dma_start3A_50] : memref<32x128x80xi32, #tpu.memory_space<hbm>> -> memref<1x1x80xi32, #tpu.memory_space<hbm>>
    %dma_start3A_52 = tpu.memref_squeeze %dma_start3A_51 : memref<1x1x80xi32, #tpu.memory_space<hbm>> -> memref<80xi32, #tpu.memory_space<hbm>>
    %dma_start3A_53 = arith.constant 0 : i32
    %dma_start3A_54 = tpu.memref_slice %arg6[%dma_start3A_46, %dma_start3A_53] : memref<8x80xi32, #tpu.memory_space<vmem>> -> memref<1x80xi32, #tpu.memory_space<vmem>>
    %dma_start3A_55 = tpu.memref_squeeze %dma_start3A_54 : memref<1x80xi32, #tpu.memory_space<vmem>> -> memref<80xi32, #tpu.memory_space<vmem>>
    %dma_start3A_56 = arith.constant 0 : i32
    %dma_start3A_57 = tpu.memref_slice %arg2[%add3A, %dma_start3A, %dma_start3A_56] : memref<32x128x80xi32, #tpu.memory_space<hbm>> -> memref<1x1x80xi32, #tpu.memory_space<hbm>>
    %dma_start3A_58 = tpu.memref_squeeze %dma_start3A_57 : memref<1x1x80xi32, #tpu.memory_space<hbm>> -> memref<80xi32, #tpu.memory_space<hbm>>
    tpu.enqueue_dma source(%dma_start3A_58 : memref<80xi32, #tpu.memory_space<hbm>>) target(%dma_start3A_55 : memref<80xi32, #tpu.memory_space<vmem>>) target_semaphore(%arg10 : memref<!tpu.dma_semaphore, #tpu.memory_space<semaphore_mem>>)
    %dma_start3A_59 = arith.constant 0 : i32
    %dma_start3A_60 = arith.constant 0 : i32
    %dma_start3A_61 = arith.constant 0 : i32
    %dma_start3A_62 = tpu.memref_slice %arg7[%dma_start3A_60, %dma_start3A_61] : memref<8x80xi32, #tpu.memory_space<vmem>> -> memref<1x80xi32, #tpu.memory_space<vmem>>
    %dma_start3A_63 = tpu.memref_squeeze %dma_start3A_62 : memref<1x80xi32, #tpu.memory_space<vmem>> -> memref<80xi32, #tpu.memory_space<vmem>>
    %dma_start3A_64 = arith.constant 0 : i32
    %dma_start3A_65 = tpu.memref_slice %arg3[%add3A, %dma_start3A_59, %dma_start3A_64] : memref<32x128x80xi32, #tpu.memory_space<hbm>> -> memref<1x1x80xi32, #tpu.memory_space<hbm>>
    %dma_start3A_66 = tpu.memref_squeeze %dma_start3A_65 : memref<1x1x80xi32, #tpu.memory_space<hbm>> -> memref<80xi32, #tpu.memory_space<hbm>>
    %dma_start3A_67 = arith.constant 0 : i32
    %dma_start3A_68 = tpu.memref_slice %arg7[%dma_start3A_60, %dma_start3A_67] : memref<8x80xi32, #tpu.memory_space<vmem>> -> memref<1x80xi32, #tpu.memory_space<vmem>>
    %dma_start3A_69 = tpu.memref_squeeze %dma_start3A_68 : memref<1x80xi32, #tpu.memory_space<vmem>> -> memref<80xi32, #tpu.memory_space<vmem>>
    %dma_start3A_70 = arith.constant 0 : i32
    %dma_start3A_71 = tpu.memref_slice %arg3[%add3A, %dma_start3A_59, %dma_start3A_70] : memref<32x128x80xi32, #tpu.memory_space<hbm>> -> memref<1x1x80xi32, #tpu.memory_space<hbm>>
    %dma_start3A_72 = tpu.memref_squeeze %dma_start3A_71 : memref<1x1x80xi32, #tpu.memory_space<hbm>> -> memref<80xi32, #tpu.memory_space<hbm>>
    tpu.enqueue_dma source(%dma_start3A_72 : memref<80xi32, #tpu.memory_space<hbm>>) target(%dma_start3A_69 : memref<80xi32, #tpu.memory_space<vmem>>) target_semaphore(%arg10 : memref<!tpu.dma_semaphore, #tpu.memory_space<semaphore_mem>>)
    %dma_start3A_73 = arith.constant 1 : i32
    %dma_start3A_74 = arith.constant 1 : i32
    %dma_start3A_75 = arith.constant 0 : i32
    %dma_start3A_76 = tpu.memref_slice %arg6[%dma_start3A_74, %dma_start3A_75] : memref<8x80xi32, #tpu.memory_space<vmem>> -> memref<1x80xi32, #tpu.memory_space<vmem>>
    %dma_start3A_77 = tpu.memref_squeeze %dma_start3A_76 : memref<1x80xi32, #tpu.memory_space<vmem>> -> memref<80xi32, #tpu.memory_space<vmem>>
    %dma_start3A_78 = arith.constant 0 : i32
    %dma_start3A_79 = tpu.memref_slice %arg2[%add3A, %dma_start3A_73, %dma_start3A_78] : memref<32x128x80xi32, #tpu.memory_space<hbm>> -> memref<1x1x80xi32, #tpu.memory_space<hbm>>
    %dma_start3A_80 = tpu.memref_squeeze %dma_start3A_79 : memref<1x1x80xi32, #tpu.memory_space<hbm>> -> memref<80xi32, #tpu.memory_space<hbm>>
    %dma_start3A_81 = arith.constant 0 : i32
    %dma_start3A_82 = tpu.memref_slice %arg6[%dma_start3A_74, %dma_start3A_81] : memref<8x80xi32, #tpu.memory_space<vmem>> -> memref<1x80xi32, #tpu.memory_space<vmem>>
    %dma_start3A_83 = tpu.memref_squeeze %dma_start3A_82 : memref<1x80xi32, #tpu.memory_space<vmem>> -> memref<80xi32, #tpu.memory_space<vmem>>
    %dma_start3A_84 = arith.constant 0 : i32
    %dma_start3A_85 = tpu.memref_slice %arg2[%add3A, %dma_start3A_73, %dma_start3A_84] : memref<32x128x80xi32, #tpu.memory_space<hbm>> -> memref<1x1x80xi32, #tpu.memory_space<hbm>>
    %dma_start3A_86 = tpu.memref_squeeze %dma_start3A_85 : memref<1x1x80xi32, #tpu.memory_space<hbm>> -> memref<80xi32, #tpu.memory_space<hbm>>
    tpu.enqueue_dma source(%dma_start3A_86 : memref<80xi32, #tpu.memory_space<hbm>>) target(%dma_start3A_83 : memref<80xi32, #tpu.memory_space<vmem>>) target_semaphore(%arg11 : memref<!tpu.dma_semaphore, #tpu.memory_space<semaphore_mem>>)
    %dma_start3A_87 = arith.constant 1 : i32
    %dma_start3A_88 = arith.constant 1 : i32
    %dma_start3A_89 = arith.constant 0 : i32
    %dma_start3A_90 = tpu.memref_slice %arg7[%dma_start3A_88, %dma_start3A_89] : memref<8x80xi32, #tpu.memory_space<vmem>> -> memref<1x80xi32, #tpu.memory_space<vmem>>
    %dma_start3A_91 = tpu.memref_squeeze %dma_start3A_90 : memref<1x80xi32, #tpu.memory_space<vmem>> -> memref<80xi32, #tpu.memory_space<vmem>>
    %dma_start3A_92 = arith.constant 0 : i32
    %dma_start3A_93 = tpu.memref_slice %arg3[%add3A, %dma_start3A_87, %dma_start3A_92] : memref<32x128x80xi32, #tpu.memory_space<hbm>> -> memref<1x1x80xi32, #tpu.memory_space<hbm>>
    %dma_start3A_94 = tpu.memref_squeeze %dma_start3A_93 : memref<1x1x80xi32, #tpu.memory_space<hbm>> -> memref<80xi32, #tpu.memory_space<hbm>>
    %dma_start3A_95 = arith.constant 0 : i32
    %dma_start3A_96 = tpu.memref_slice %arg7[%dma_start3A_88, %dma_start3A_95] : memref<8x80xi32, #tpu.memory_space<vmem>> -> memref<1x80xi32, #tpu.memory_space<vmem>>
    %dma_start3A_97 = tpu.memref_squeeze %dma_start3A_96 : memref<1x80xi32, #tpu.memory_space<vmem>> -> memref<80xi32, #tpu.memory_space<vmem>>
    %dma_start3A_98 = arith.constant 0 : i32
    %dma_start3A_99 = tpu.memref_slice %arg3[%add3A, %dma_start3A_87, %dma_start3A_98] : memref<32x128x80xi32, #tpu.memory_space<hbm>> -> memref<1x1x80xi32, #tpu.memory_space<hbm>>
    %dma_start3A_100 = tpu.memref_squeeze %dma_start3A_99 : memref<1x1x80xi32, #tpu.memory_space<hbm>> -> memref<80xi32, #tpu.memory_space<hbm>>
    tpu.enqueue_dma source(%dma_start3A_100 : memref<80xi32, #tpu.memory_space<hbm>>) target(%dma_start3A_97 : memref<80xi32, #tpu.memory_space<vmem>>) target_semaphore(%arg11 : memref<!tpu.dma_semaphore, #tpu.memory_space<semaphore_mem>>)
    %dma_start3A_101 = arith.constant 2 : i32
    %dma_start3A_102 = arith.constant 2 : i32
    %dma_start3A_103 = arith.constant 0 : i32
    %dma_start3A_104 = tpu.memref_slice %arg6[%dma_start3A_102, %dma_start3A_103] : memref<8x80xi32, #tpu.memory_space<vmem>> -> memref<1x80xi32, #tpu.memory_space<vmem>>
    %dma_start3A_105 = tpu.memref_squeeze %dma_start3A_104 : memref<1x80xi32, #tpu.memory_space<vmem>> -> memref<80xi32, #tpu.memory_space<vmem>>
    %dma_start3A_106 = arith.constant 0 : i32
    %dma_start3A_107 = tpu.memref_slice %arg2[%add3A, %dma_start3A_101, %dma_start3A_106] : memref<32x128x80xi32, #tpu.memory_space<hbm>> -> memref<1x1x80xi32, #tpu.memory_space<hbm>>
    %dma_start3A_108 = tpu.memref_squeeze %dma_start3A_107 : memref<1x1x80xi32, #tpu.memory_space<hbm>> -> memref<80xi32, #tpu.memory_space<hbm>>
    %dma_start3A_109 = arith.constant 0 : i32
    %dma_start3A_110 = tpu.memref_slice %arg6[%dma_start3A_102, %dma_start3A_109] : memref<8x80xi32, #tpu.memory_space<vmem>> -> memref<1x80xi32, #tpu.memory_space<vmem>>
    %dma_start3A_111 = tpu.memref_squeeze %dma_start3A_110 : memref<1x80xi32, #tpu.memory_space<vmem>> -> memref<80xi32, #tpu.memory_space<vmem>>
    %dma_start3A_112 = arith.constant 0 : i32
    %dma_start3A_113 = tpu.memref_slice %arg2[%add3A, %dma_start3A_101, %dma_start3A_112] : memref<32x128x80xi32, #tpu.memory_space<hbm>> -> memref<1x1x80xi32, #tpu.memory_space<hbm>>
    %dma_start3A_114 = tpu.memref_squeeze %dma_start3A_113 : memref<1x1x80xi32, #tpu.memory_space<hbm>> -> memref<80xi32, #tpu.memory_space<hbm>>
    tpu.enqueue_dma source(%dma_start3A_114 : memref<80xi32, #tpu.memory_space<hbm>>) target(%dma_start3A_111 : memref<80xi32, #tpu.memory_space<vmem>>) target_semaphore(%arg12 : memref<!tpu.dma_semaphore, #tpu.memory_space<semaphore_mem>>)
    %dma_start3A_115 = arith.constant 2 : i32
    %dma_start3A_116 = arith.constant 2 : i32
    %dma_start3A_117 = arith.constant 0 : i32
    %dma_start3A_118 = tpu.memref_slice %arg7[%dma_start3A_116, %dma_start3A_117] : memref<8x80xi32, #tpu.memory_space<vmem>> -> memref<1x80xi32, #tpu.memory_space<vmem>>
    %dma_start3A_119 = tpu.memref_squeeze %dma_start3A_118 : memref<1x80xi32, #tpu.memory_space<vmem>> -> memref<80xi32, #tpu.memory_space<vmem>>
    %dma_start3A_120 = arith.constant 0 : i32
    %dma_start3A_121 = tpu.memref_slice %arg3[%add3A, %dma_start3A_115, %dma_start3A_120] : memref<32x128x80xi32, #tpu.memory_space<hbm>> -> memref<1x1x80xi32, #tpu.memory_space<hbm>>
    %dma_start3A_122 = tpu.memref_squeeze %dma_start3A_121 : memref<1x1x80xi32, #tpu.memory_space<hbm>> -> memref<80xi32, #tpu.memory_space<hbm>>
    %dma_start3A_123 = arith.constant 0 : i32
    %dma_start3A_124 = tpu.memref_slice %arg7[%dma_start3A_116, %dma_start3A_123] : memref<8x80xi32, #tpu.memory_space<vmem>> -> memref<1x80xi32, #tpu.memory_space<vmem>>
    %dma_start3A_125 = tpu.memref_squeeze %dma_start3A_124 : memref<1x80xi32, #tpu.memory_space<vmem>> -> memref<80xi32, #tpu.memory_space<vmem>>
    %dma_start3A_126 = arith.constant 0 : i32
    %dma_start3A_127 = tpu.memref_slice %arg3[%add3A, %dma_start3A_115, %dma_start3A_126] : memref<32x128x80xi32, #tpu.memory_space<hbm>> -> memref<1x1x80xi32, #tpu.memory_space<hbm>>
    %dma_start3A_128 = tpu.memref_squeeze %dma_start3A_127 : memref<1x1x80xi32, #tpu.memory_space<hbm>> -> memref<80xi32, #tpu.memory_space<hbm>>
    tpu.enqueue_dma source(%dma_start3A_128 : memref<80xi32, #tpu.memory_space<hbm>>) target(%dma_start3A_125 : memref<80xi32, #tpu.memory_space<vmem>>) target_semaphore(%arg12 : memref<!tpu.dma_semaphore, #tpu.memory_space<semaphore_mem>>)
    %dma_start3A_129 = arith.constant 3 : i32
    %dma_start3A_130 = arith.constant 3 : i32
    %dma_start3A_131 = arith.constant 0 : i32
    %dma_start3A_132 = tpu.memref_slice %arg6[%dma_start3A_130, %dma_start3A_131] : memref<8x80xi32, #tpu.memory_space<vmem>> -> memref<1x80xi32, #tpu.memory_space<vmem>>
    %dma_start3A_133 = tpu.memref_squeeze %dma_start3A_132 : memref<1x80xi32, #tpu.memory_space<vmem>> -> memref<80xi32, #tpu.memory_space<vmem>>
    %dma_start3A_134 = arith.constant 0 : i32
    %dma_start3A_135 = tpu.memref_slice %arg2[%add3A, %dma_start3A_129, %dma_start3A_134] : memref<32x128x80xi32, #tpu.memory_space<hbm>> -> memref<1x1x80xi32, #tpu.memory_space<hbm>>
    %dma_start3A_136 = tpu.memref_squeeze %dma_start3A_135 : memref<1x1x80xi32, #tpu.memory_space<hbm>> -> memref<80xi32, #tpu.memory_space<hbm>>
    %dma_start3A_137 = arith.constant 0 : i32
    %dma_start3A_138 = tpu.memref_slice %arg6[%dma_start3A_130, %dma_start3A_137] : memref<8x80xi32, #tpu.memory_space<vmem>> -> memref<1x80xi32, #tpu.memory_space<vmem>>
    %dma_start3A_139 = tpu.memref_squeeze %dma_start3A_138 : memref<1x80xi32, #tpu.memory_space<vmem>> -> memref<80xi32, #tpu.memory_space<vmem>>
    %dma_start3A_140 = arith.constant 0 : i32
    %dma_start3A_141 = tpu.memref_slice %arg2[%add3A, %dma_start3A_129, %dma_start3A_140] : memref<32x128x80xi32, #tpu.memory_space<hbm>> -> memref<1x1x80xi32, #tpu.memory_space<hbm>>
    %dma_start3A_142 = tpu.memref_squeeze %dma_start3A_141 : memref<1x1x80xi32, #tpu.memory_space<hbm>> -> memref<80xi32, #tpu.memory_space<hbm>>
    tpu.enqueue_dma source(%dma_start3A_142 : memref<80xi32, #tpu.memory_space<hbm>>) target(%dma_start3A_139 : memref<80xi32, #tpu.memory_space<vmem>>) target_semaphore(%arg13 : memref<!tpu.dma_semaphore, #tpu.memory_space<semaphore_mem>>)
    %dma_start3A_143 = arith.constant 3 : i32
    %dma_start3A_144 = arith.constant 3 : i32
    %dma_start3A_145 = arith.constant 0 : i32
    %dma_start3A_146 = tpu.memref_slice %arg7[%dma_start3A_144, %dma_start3A_145] : memref<8x80xi32, #tpu.memory_space<vmem>> -> memref<1x80xi32, #tpu.memory_space<vmem>>
    %dma_start3A_147 = tpu.memref_squeeze %dma_start3A_146 : memref<1x80xi32, #tpu.memory_space<vmem>> -> memref<80xi32, #tpu.memory_space<vmem>>
    %dma_start3A_148 = arith.constant 0 : i32
    %dma_start3A_149 = tpu.memref_slice %arg3[%add3A, %dma_start3A_143, %dma_start3A_148] : memref<32x128x80xi32, #tpu.memory_space<hbm>> -> memref<1x1x80xi32, #tpu.memory_space<hbm>>
    %dma_start3A_150 = tpu.memref_squeeze %dma_start3A_149 : memref<1x1x80xi32, #tpu.memory_space<hbm>> -> memref<80xi32, #tpu.memory_space<hbm>>
    %dma_start3A_151 = arith.constant 0 : i32
    %dma_start3A_152 = tpu.memref_slice %arg7[%dma_start3A_144, %dma_start3A_151] : memref<8x80xi32, #tpu.memory_space<vmem>> -> memref<1x80xi32, #tpu.memory_space<vmem>>
    %dma_start3A_153 = tpu.memref_squeeze %dma_start3A_152 : memref<1x80xi32, #tpu.memory_space<vmem>> -> memref<80xi32, #tpu.memory_space<vmem>>
    %dma_start3A_154 = arith.constant 0 : i32
    %dma_start3A_155 = tpu.memref_slice %arg3[%add3A, %dma_start3A_143, %dma_start3A_154] : memref<32x128x80xi32, #tpu.memory_space<hbm>> -> memref<1x1x80xi32, #tpu.memory_space<hbm>>
    %dma_start3A_156 = tpu.memref_squeeze %dma_start3A_155 : memref<1x1x80xi32, #tpu.memory_space<hbm>> -> memref<80xi32, #tpu.memory_space<hbm>>
    tpu.enqueue_dma source(%dma_start3A_156 : memref<80xi32, #tpu.memory_space<hbm>>) target(%dma_start3A_153 : memref<80xi32, #tpu.memory_space<vmem>>) target_semaphore(%arg13 : memref<!tpu.dma_semaphore, #tpu.memory_space<semaphore_mem>>)
    %dma_start3A_157 = arith.constant 4 : i32
    %dma_start3A_158 = arith.constant 4 : i32
    %dma_start3A_159 = arith.constant 0 : i32
    %dma_start3A_160 = tpu.memref_slice %arg6[%dma_start3A_158, %dma_start3A_159] : memref<8x80xi32, #tpu.memory_space<vmem>> -> memref<1x80xi32, #tpu.memory_space<vmem>>
    %dma_start3A_161 = tpu.memref_squeeze %dma_start3A_160 : memref<1x80xi32, #tpu.memory_space<vmem>> -> memref<80xi32, #tpu.memory_space<vmem>>
    %dma_start3A_162 = arith.constant 0 : i32
    %dma_start3A_163 = tpu.memref_slice %arg2[%add3A, %dma_start3A_157, %dma_start3A_162] : memref<32x128x80xi32, #tpu.memory_space<hbm>> -> memref<1x1x80xi32, #tpu.memory_space<hbm>>
    %dma_start3A_164 = tpu.memref_squeeze %dma_start3A_163 : memref<1x1x80xi32, #tpu.memory_space<hbm>> -> memref<80xi32, #tpu.memory_space<hbm>>
    %dma_start3A_165 = arith.constant 0 : i32
    %dma_start3A_166 = tpu.memref_slice %arg6[%dma_start3A_158, %dma_start3A_165] : memref<8x80xi32, #tpu.memory_space<vmem>> -> memref<1x80xi32, #tpu.memory_space<vmem>>
    %dma_start3A_167 = tpu.memref_squeeze %dma_start3A_166 : memref<1x80xi32, #tpu.memory_space<vmem>> -> memref<80xi32, #tpu.memory_space<vmem>>
    %dma_start3A_168 = arith.constant 0 : i32
    %dma_start3A_169 = tpu.memref_slice %arg2[%add3A, %dma_start3A_157, %dma_start3A_168] : memref<32x128x80xi32, #tpu.memory_space<hbm>> -> memref<1x1x80xi32, #tpu.memory_space<hbm>>
    %dma_start3A_170 = tpu.memref_squeeze %dma_start3A_169 : memref<1x1x80xi32, #tpu.memory_space<hbm>> -> memref<80xi32, #tpu.memory_space<hbm>>
    tpu.enqueue_dma source(%dma_start3A_170 : memref<80xi32, #tpu.memory_space<hbm>>) target(%dma_start3A_167 : memref<80xi32, #tpu.memory_space<vmem>>) target_semaphore(%arg14 : memref<!tpu.dma_semaphore, #tpu.memory_space<semaphore_mem>>)
    %dma_start3A_171 = arith.constant 4 : i32
    %dma_start3A_172 = arith.constant 4 : i32
    %dma_start3A_173 = arith.constant 0 : i32
    %dma_start3A_174 = tpu.memref_slice %arg7[%dma_start3A_172, %dma_start3A_173] : memref<8x80xi32, #tpu.memory_space<vmem>> -> memref<1x80xi32, #tpu.memory_space<vmem>>
    %dma_start3A_175 = tpu.memref_squeeze %dma_start3A_174 : memref<1x80xi32, #tpu.memory_space<vmem>> -> memref<80xi32, #tpu.memory_space<vmem>>
    %dma_start3A_176 = arith.constant 0 : i32
    %dma_start3A_177 = tpu.memref_slice %arg3[%add3A, %dma_start3A_171, %dma_start3A_176] : memref<32x128x80xi32, #tpu.memory_space<hbm>> -> memref<1x1x80xi32, #tpu.memory_space<hbm>>
    %dma_start3A_178 = tpu.memref_squeeze %dma_start3A_177 : memref<1x1x80xi32, #tpu.memory_space<hbm>> -> memref<80xi32, #tpu.memory_space<hbm>>
    %dma_start3A_179 = arith.constant 0 : i32
    %dma_start3A_180 = tpu.memref_slice %arg7[%dma_start3A_172, %dma_start3A_179] : memref<8x80xi32, #tpu.memory_space<vmem>> -> memref<1x80xi32, #tpu.memory_space<vmem>>
    %dma_start3A_181 = tpu.memref_squeeze %dma_start3A_180 : memref<1x80xi32, #tpu.memory_space<vmem>> -> memref<80xi32, #tpu.memory_space<vmem>>
    %dma_start3A_182 = arith.constant 0 : i32
    %dma_start3A_183 = tpu.memref_slice %arg3[%add3A, %dma_start3A_171, %dma_start3A_182] : memref<32x128x80xi32, #tpu.memory_space<hbm>> -> memref<1x1x80xi32, #tpu.memory_space<hbm>>
    %dma_start3A_184 = tpu.memref_squeeze %dma_start3A_183 : memref<1x1x80xi32, #tpu.memory_space<hbm>> -> memref<80xi32, #tpu.memory_space<hbm>>
    tpu.enqueue_dma source(%dma_start3A_184 : memref<80xi32, #tpu.memory_space<hbm>>) target(%dma_start3A_181 : memref<80xi32, #tpu.memory_space<vmem>>) target_semaphore(%arg14 : memref<!tpu.dma_semaphore, #tpu.memory_space<semaphore_mem>>)
    %dma_start3A_185 = arith.constant 5 : i32
    %dma_start3A_186 = arith.constant 5 : i32
    %dma_start3A_187 = arith.constant 0 : i32
    %dma_start3A_188 = tpu.memref_slice %arg6[%dma_start3A_186, %dma_start3A_187] : memref<8x80xi32, #tpu.memory_space<vmem>> -> memref<1x80xi32, #tpu.memory_space<vmem>>
    %dma_start3A_189 = tpu.memref_squeeze %dma_start3A_188 : memref<1x80xi32, #tpu.memory_space<vmem>> -> memref<80xi32, #tpu.memory_space<vmem>>
    %dma_start3A_190 = arith.constant 0 : i32
    %dma_start3A_191 = tpu.memref_slice %arg2[%add3A, %dma_start3A_185, %dma_start3A_190] : memref<32x128x80xi32, #tpu.memory_space<hbm>> -> memref<1x1x80xi32, #tpu.memory_space<hbm>>
    %dma_start3A_192 = tpu.memref_squeeze %dma_start3A_191 : memref<1x1x80xi32, #tpu.memory_space<hbm>> -> memref<80xi32, #tpu.memory_space<hbm>>
    %dma_start3A_193 = arith.constant 0 : i32
    %dma_start3A_194 = tpu.memref_slice %arg6[%dma_start3A_186, %dma_start3A_193] : memref<8x80xi32, #tpu.memory_space<vmem>> -> memref<1x80xi32, #tpu.memory_space<vmem>>
    %dma_start3A_195 = tpu.memref_squeeze %dma_start3A_194 : memref<1x80xi32, #tpu.memory_space<vmem>> -> memref<80xi32, #tpu.memory_space<vmem>>
    %dma_start3A_196 = arith.constant 0 : i32
    %dma_start3A_197 = tpu.memref_slice %arg2[%add3A, %dma_start3A_185, %dma_start3A_196] : memref<32x128x80xi32, #tpu.memory_space<hbm>> -> memref<1x1x80xi32, #tpu.memory_space<hbm>>
    %dma_start3A_198 = tpu.memref_squeeze %dma_start3A_197 : memref<1x1x80xi32, #tpu.memory_space<hbm>> -> memref<80xi32, #tpu.memory_space<hbm>>
    tpu.enqueue_dma source(%dma_start3A_198 : memref<80xi32, #tpu.memory_space<hbm>>) target(%dma_start3A_195 : memref<80xi32, #tpu.memory_space<vmem>>) target_semaphore(%arg15 : memref<!tpu.dma_semaphore, #tpu.memory_space<semaphore_mem>>)
    %dma_start3A_199 = arith.constant 5 : i32
    %dma_start3A_200 = arith.constant 5 : i32
    %dma_start3A_201 = arith.constant 0 : i32
    %dma_start3A_202 = tpu.memref_slice %arg7[%dma_start3A_200, %dma_start3A_201] : memref<8x80xi32, #tpu.memory_space<vmem>> -> memref<1x80xi32, #tpu.memory_space<vmem>>
    %dma_start3A_203 = tpu.memref_squeeze %dma_start3A_202 : memref<1x80xi32, #tpu.memory_space<vmem>> -> memref<80xi32, #tpu.memory_space<vmem>>
    %dma_start3A_204 = arith.constant 0 : i32
    %dma_start3A_205 = tpu.memref_slice %arg3[%add3A, %dma_start3A_199, %dma_start3A_204] : memref<32x128x80xi32, #tpu.memory_space<hbm>> -> memref<1x1x80xi32, #tpu.memory_space<hbm>>
    %dma_start3A_206 = tpu.memref_squeeze %dma_start3A_205 : memref<1x1x80xi32, #tpu.memory_space<hbm>> -> memref<80xi32, #tpu.memory_space<hbm>>
    %dma_start3A_207 = arith.constant 0 : i32
    %dma_start3A_208 = tpu.memref_slice %arg7[%dma_start3A_200, %dma_start3A_207] : memref<8x80xi32, #tpu.memory_space<vmem>> -> memref<1x80xi32, #tpu.memory_space<vmem>>
    %dma_start3A_209 = tpu.memref_squeeze %dma_start3A_208 : memref<1x80xi32, #tpu.memory_space<vmem>> -> memref<80xi32, #tpu.memory_space<vmem>>
    %dma_start3A_210 = arith.constant 0 : i32
    %dma_start3A_211 = tpu.memref_slice %arg3[%add3A, %dma_start3A_199, %dma_start3A_210] : memref<32x128x80xi32, #tpu.memory_space<hbm>> -> memref<1x1x80xi32, #tpu.memory_space<hbm>>
    %dma_start3A_212 = tpu.memref_squeeze %dma_start3A_211 : memref<1x1x80xi32, #tpu.memory_space<hbm>> -> memref<80xi32, #tpu.memory_space<hbm>>
    tpu.enqueue_dma source(%dma_start3A_212 : memref<80xi32, #tpu.memory_space<hbm>>) target(%dma_start3A_209 : memref<80xi32, #tpu.memory_space<vmem>>) target_semaphore(%arg15 : memref<!tpu.dma_semaphore, #tpu.memory_space<semaphore_mem>>)
    %dma_wait3A = arith.constant 0 : i32
    %dma_wait3A_213 = arith.constant 0 : i32
    %dma_wait3A_214 = arith.constant 0 : i32
    %dma_wait3A_215 = tpu.memref_slice %arg6[%dma_wait3A_213, %dma_wait3A_214] : memref<8x80xi32, #tpu.memory_space<vmem>> -> memref<1x80xi32, #tpu.memory_space<vmem>>
    %dma_wait3A_216 = tpu.memref_squeeze %dma_wait3A_215 : memref<1x80xi32, #tpu.memory_space<vmem>> -> memref<80xi32, #tpu.memory_space<vmem>>
    %dma_wait3A_217 = arith.constant 0 : i32
    %dma_wait3A_218 = tpu.memref_slice %arg2[%add3A, %dma_wait3A, %dma_wait3A_217] : memref<32x128x80xi32, #tpu.memory_space<hbm>> -> memref<1x1x80xi32, #tpu.memory_space<hbm>>
    %dma_wait3A_219 = tpu.memref_squeeze %dma_wait3A_218 : memref<1x1x80xi32, #tpu.memory_space<hbm>> -> memref<80xi32, #tpu.memory_space<hbm>>
    %dma_wait3A_220 = arith.constant 0 : i32
    %dma_wait3A_221 = tpu.memref_slice %arg6[%dma_wait3A_213, %dma_wait3A_220] : memref<8x80xi32, #tpu.memory_space<vmem>> -> memref<1x80xi32, #tpu.memory_space<vmem>>
    %dma_wait3A_222 = tpu.memref_squeeze %dma_wait3A_221 : memref<1x80xi32, #tpu.memory_space<vmem>> -> memref<80xi32, #tpu.memory_space<vmem>>
    %dma_wait3A_223 = arith.constant 0 : i32
    %dma_wait3A_224 = tpu.memref_slice %arg2[%add3A, %dma_wait3A, %dma_wait3A_223] : memref<32x128x80xi32, #tpu.memory_space<hbm>> -> memref<1x1x80xi32, #tpu.memory_space<hbm>>
    %dma_wait3A_225 = tpu.memref_squeeze %dma_wait3A_224 : memref<1x1x80xi32, #tpu.memory_space<hbm>> -> memref<80xi32, #tpu.memory_space<hbm>>
    tpu.wait_dma2 semaphore(%arg10 : memref<!tpu.dma_semaphore, #tpu.memory_space<semaphore_mem>>) src(%dma_wait3A_225 : memref<80xi32, #tpu.memory_space<hbm>>) dst(%dma_wait3A_222 : memref<80xi32, #tpu.memory_space<vmem>>)
    %dma_wait3A_226 = arith.constant 0 : i32
    %dma_wait3A_227 = arith.constant 0 : i32
    %dma_wait3A_228 = arith.constant 0 : i32
    %dma_wait3A_229 = tpu.memref_slice %arg7[%dma_wait3A_227, %dma_wait3A_228] : memref<8x80xi32, #tpu.memory_space<vmem>> -> memref<1x80xi32, #tpu.memory_space<vmem>>
    %dma_wait3A_230 = tpu.memref_squeeze %dma_wait3A_229 : memref<1x80xi32, #tpu.memory_space<vmem>> -> memref<80xi32, #tpu.memory_space<vmem>>
    %dma_wait3A_231 = arith.constant 0 : i32
    %dma_wait3A_232 = tpu.memref_slice %arg3[%add3A, %dma_wait3A_226, %dma_wait3A_231] : memref<32x128x80xi32, #tpu.memory_space<hbm>> -> memref<1x1x80xi32, #tpu.memory_space<hbm>>
    %dma_wait3A_233 = tpu.memref_squeeze %dma_wait3A_232 : memref<1x1x80xi32, #tpu.memory_space<hbm>> -> memref<80xi32, #tpu.memory_space<hbm>>
    %dma_wait3A_234 = arith.constant 0 : i32
    %dma_wait3A_235 = tpu.memref_slice %arg7[%dma_wait3A_227, %dma_wait3A_234] : memref<8x80xi32, #tpu.memory_space<vmem>> -> memref<1x80xi32, #tpu.memory_space<vmem>>
    %dma_wait3A_236 = tpu.memref_squeeze %dma_wait3A_235 : memref<1x80xi32, #tpu.memory_space<vmem>> -> memref<80xi32, #tpu.memory_space<vmem>>
    %dma_wait3A_237 = arith.constant 0 : i32
    %dma_wait3A_238 = tpu.memref_slice %arg3[%add3A, %dma_wait3A_226, %dma_wait3A_237] : memref<32x128x80xi32, #tpu.memory_space<hbm>> -> memref<1x1x80xi32, #tpu.memory_space<hbm>>
    %dma_wait3A_239 = tpu.memref_squeeze %dma_wait3A_238 : memref<1x1x80xi32, #tpu.memory_space<hbm>> -> memref<80xi32, #tpu.memory_space<hbm>>
    tpu.wait_dma2 semaphore(%arg10 : memref<!tpu.dma_semaphore, #tpu.memory_space<semaphore_mem>>) src(%dma_wait3A_239 : memref<80xi32, #tpu.memory_space<hbm>>) dst(%dma_wait3A_236 : memref<80xi32, #tpu.memory_space<vmem>>)
    %dma_start3A_240 = arith.constant 0 : i32
    %dma_start3A_241 = arith.constant 0 : i32
    %dma_start3A_242 = arith.constant 0 : i32
    %dma_start3A_243 = arith.constant 0 : i32
    %dma_start3A_244 = tpu.memref_slice %arg8[%dma_start3A_241, %dma_start3A_242, %dma_start3A_243] : memref<4x80x128xf32, #tpu.memory_space<vmem>> -> memref<1x80x128xf32, #tpu.memory_space<vmem>>
    %dma_start3A_245 = tpu.memref_squeeze %dma_start3A_244 : memref<1x80x128xf32, #tpu.memory_space<vmem>> -> memref<80x128xf32, #tpu.memory_space<vmem>>
    %dma_start3A_246 = arith.constant 0 : i32
    %dma_start3A_247 = tpu.memref_slice %arg6[%dma_start3A_240, %dma_start3A_246] : memref<8x80xi32, #tpu.memory_space<vmem>> -> memref<1x80xi32, #tpu.memory_space<vmem>>
    %dma_start3A_248 = tpu.memref_squeeze %dma_start3A_247 : memref<1x80xi32, #tpu.memory_space<vmem>> -> memref<80xi32, #tpu.memory_space<vmem>>
    %dma_start3A_249 = arith.constant 0 : i32
    %dma_start3A_250 = arith.constant 0 : i32
    %dma_start3A_251 = tpu.memref_slice %arg4[%dma_start3A_249, %dma_start3A_250] : memref<10000x128xf32, #tpu.memory_space<hbm>> -> memref<10000x128xf32, #tpu.memory_space<hbm>>
    tpu.enqueue_indirect_dma source(%dma_start3A_251 : memref<10000x128xf32, #tpu.memory_space<hbm>>) target(%dma_start3A_245 : memref<80x128xf32, #tpu.memory_space<vmem>>) offsets(%dma_start3A_248 : memref<80xi32, #tpu.memory_space<vmem>>) semaphore(%arg18 : memref<!tpu.dma_semaphore, #tpu.memory_space<semaphore_mem>>)
    %dma_wait3A_252 = arith.constant 1 : i32
    %dma_wait3A_253 = arith.constant 1 : i32
    %dma_wait3A_254 = arith.constant 0 : i32
    %dma_wait3A_255 = tpu.memref_slice %arg6[%dma_wait3A_253, %dma_wait3A_254] : memref<8x80xi32, #tpu.memory_space<vmem>> -> memref<1x80xi32, #tpu.memory_space<vmem>>
    %dma_wait3A_256 = tpu.memref_squeeze %dma_wait3A_255 : memref<1x80xi32, #tpu.memory_space<vmem>> -> memref<80xi32, #tpu.memory_space<vmem>>
    %dma_wait3A_257 = arith.constant 0 : i32
    %dma_wait3A_258 = tpu.memref_slice %arg2[%add3A, %dma_wait3A_252, %dma_wait3A_257] : memref<32x128x80xi32, #tpu.memory_space<hbm>> -> memref<1x1x80xi32, #tpu.memory_space<hbm>>
    %dma_wait3A_259 = tpu.memref_squeeze %dma_wait3A_258 : memref<1x1x80xi32, #tpu.memory_space<hbm>> -> memref<80xi32, #tpu.memory_space<hbm>>
    %dma_wait3A_260 = arith.constant 0 : i32
    %dma_wait3A_261 = tpu.memref_slice %arg6[%dma_wait3A_253, %dma_wait3A_260] : memref<8x80xi32, #tpu.memory_space<vmem>> -> memref<1x80xi32, #tpu.memory_space<vmem>>
    %dma_wait3A_262 = tpu.memref_squeeze %dma_wait3A_261 : memref<1x80xi32, #tpu.memory_space<vmem>> -> memref<80xi32, #tpu.memory_space<vmem>>
    %dma_wait3A_263 = arith.constant 0 : i32
    %dma_wait3A_264 = tpu.memref_slice %arg2[%add3A, %dma_wait3A_252, %dma_wait3A_263] : memref<32x128x80xi32, #tpu.memory_space<hbm>> -> memref<1x1x80xi32, #tpu.memory_space<hbm>>
    %dma_wait3A_265 = tpu.memref_squeeze %dma_wait3A_264 : memref<1x1x80xi32, #tpu.memory_space<hbm>> -> memref<80xi32, #tpu.memory_space<hbm>>
    tpu.wait_dma2 semaphore(%arg11 : memref<!tpu.dma_semaphore, #tpu.memory_space<semaphore_mem>>) src(%dma_wait3A_265 : memref<80xi32, #tpu.memory_space<hbm>>) dst(%dma_wait3A_262 : memref<80xi32, #tpu.memory_space<vmem>>)
    %dma_wait3A_266 = arith.constant 1 : i32
    %dma_wait3A_267 = arith.constant 1 : i32
    %dma_wait3A_268 = arith.constant 0 : i32
    %dma_wait3A_269 = tpu.memref_slice %arg7[%dma_wait3A_267, %dma_wait3A_268] : memref<8x80xi32, #tpu.memory_space<vmem>> -> memref<1x80xi32, #tpu.memory_space<vmem>>
    %dma_wait3A_270 = tpu.memref_squeeze %dma_wait3A_269 : memref<1x80xi32, #tpu.memory_space<vmem>> -> memref<80xi32, #tpu.memory_space<vmem>>
    %dma_wait3A_271 = arith.constant 0 : i32
    %dma_wait3A_272 = tpu.memref_slice %arg3[%add3A, %dma_wait3A_266, %dma_wait3A_271] : memref<32x128x80xi32, #tpu.memory_space<hbm>> -> memref<1x1x80xi32, #tpu.memory_space<hbm>>
    %dma_wait3A_273 = tpu.memref_squeeze %dma_wait3A_272 : memref<1x1x80xi32, #tpu.memory_space<hbm>> -> memref<80xi32, #tpu.memory_space<hbm>>
    %dma_wait3A_274 = arith.constant 0 : i32
    %dma_wait3A_275 = tpu.memref_slice %arg7[%dma_wait3A_267, %dma_wait3A_274] : memref<8x80xi32, #tpu.memory_space<vmem>> -> memref<1x80xi32, #tpu.memory_space<vmem>>
    %dma_wait3A_276 = tpu.memref_squeeze %dma_wait3A_275 : memref<1x80xi32, #tpu.memory_space<vmem>> -> memref<80xi32, #tpu.memory_space<vmem>>
    %dma_wait3A_277 = arith.constant 0 : i32
    %dma_wait3A_278 = tpu.memref_slice %arg3[%add3A, %dma_wait3A_266, %dma_wait3A_277] : memref<32x128x80xi32, #tpu.memory_space<hbm>> -> memref<1x1x80xi32, #tpu.memory_space<hbm>>
    %dma_wait3A_279 = tpu.memref_squeeze %dma_wait3A_278 : memref<1x1x80xi32, #tpu.memory_space<hbm>> -> memref<80xi32, #tpu.memory_space<hbm>>
    tpu.wait_dma2 semaphore(%arg11 : memref<!tpu.dma_semaphore, #tpu.memory_space<semaphore_mem>>) src(%dma_wait3A_279 : memref<80xi32, #tpu.memory_space<hbm>>) dst(%dma_wait3A_276 : memref<80xi32, #tpu.memory_space<vmem>>)
    %dma_start3A_280 = arith.constant 1 : i32
    %dma_start3A_281 = arith.constant 1 : i32
    %dma_start3A_282 = arith.constant 0 : i32
    %dma_start3A_283 = arith.constant 0 : i32
    %dma_start3A_284 = tpu.memref_slice %arg8[%dma_start3A_281, %dma_start3A_282, %dma_start3A_283] : memref<4x80x128xf32, #tpu.memory_space<vmem>> -> memref<1x80x128xf32, #tpu.memory_space<vmem>>
    %dma_start3A_285 = tpu.memref_squeeze %dma_start3A_284 : memref<1x80x128xf32, #tpu.memory_space<vmem>> -> memref<80x128xf32, #tpu.memory_space<vmem>>
    %dma_start3A_286 = arith.constant 0 : i32
    %dma_start3A_287 = tpu.memref_slice %arg6[%dma_start3A_280, %dma_start3A_286] : memref<8x80xi32, #tpu.memory_space<vmem>> -> memref<1x80xi32, #tpu.memory_space<vmem>>
    %dma_start3A_288 = tpu.memref_squeeze %dma_start3A_287 : memref<1x80xi32, #tpu.memory_space<vmem>> -> memref<80xi32, #tpu.memory_space<vmem>>
    %dma_start3A_289 = arith.constant 0 : i32
    %dma_start3A_290 = arith.constant 0 : i32
    %dma_start3A_291 = tpu.memref_slice %arg4[%dma_start3A_289, %dma_start3A_290] : memref<10000x128xf32, #tpu.memory_space<hbm>> -> memref<10000x128xf32, #tpu.memory_space<hbm>>
    tpu.enqueue_indirect_dma source(%dma_start3A_291 : memref<10000x128xf32, #tpu.memory_space<hbm>>) target(%dma_start3A_285 : memref<80x128xf32, #tpu.memory_space<vmem>>) offsets(%dma_start3A_288 : memref<80xi32, #tpu.memory_space<vmem>>) semaphore(%arg19 : memref<!tpu.dma_semaphore, #tpu.memory_space<semaphore_mem>>)
    %scan3A_292 = arith.constant 0 : i32
    %scan3A_293 = arith.constant 16 : i32
    %scan3A_294 = arith.addi %scan3A_292, %scan3A_293 : i32
    %scan3A_295 = arith.constant 1 : i32
    scf.for %scan3A_326 = %scan3A_292 to %scan3A_294 step %scan3A_295  : i32 {
      %mul3A_327 = arith.constant 8 : i32
      %mul3A_328 = arith.muli %scan3A_326, %mul3A_327 : i32
      %add3A_329 = arith.constant 0 : i32
      %add3A_330 = arith.addi %add3A_329, %mul3A_328 : i32
      %add3A_331 = arith.constant 0 : i32
      %add3A_332 = arith.addi %add3A_330, %add3A_331 : i32
      %gt3A = arith.constant 0 : i32
      %gt3A_333 = arith.cmpi sgt, %add3A_330, %gt3A : i32
      %convert_element_type3A = arith.extui %gt3A_333 : i1 to i32
      %cond3A = arith.constant 0 : i32
      %cond3A_334 = arith.cmpi ne, %convert_element_type3A, %cond3A : i32
      scf.if %cond3A_334 {
        %dma_wait3A_969 = arith.constant 2 : i32
        %dma_wait3A_970 = arith.constant 6 : i32
        %dma_wait3A_971 = arith.constant 0 : i32
        %dma_wait3A_972 = arith.constant 0 : i32
        %dma_wait3A_973 = tpu.memref_slice %arg8[%dma_wait3A_969, %dma_wait3A_971, %dma_wait3A_972] : memref<4x80x128xf32, #tpu.memory_space<vmem>> -> memref<1x80x128xf32, #tpu.memory_space<vmem>>
        %dma_wait3A_974 = tpu.memref_squeeze %dma_wait3A_973 : memref<1x80x128xf32, #tpu.memory_space<vmem>> -> memref<80x128xf32, #tpu.memory_space<vmem>>
        %dma_wait3A_975 = arith.constant 0 : i32
        %dma_wait3A_976 = tpu.memref_slice %arg7[%dma_wait3A_970, %dma_wait3A_975] : memref<8x80xi32, #tpu.memory_space<vmem>> -> memref<1x80xi32, #tpu.memory_space<vmem>>
        %dma_wait3A_977 = tpu.memref_squeeze %dma_wait3A_976 : memref<1x80xi32, #tpu.memory_space<vmem>> -> memref<80xi32, #tpu.memory_space<vmem>>
        %dma_wait3A_978 = arith.constant 0 : i32
        %dma_wait3A_979 = arith.constant 0 : i32
        %dma_wait3A_980 = tpu.memref_slice %arg9[%dma_wait3A_978, %dma_wait3A_979] : memref<10240x128xf32, #tpu.memory_space<vmem_shared>> -> memref<10240x128xf32, #tpu.memory_space<vmem_shared>>
        tpu.wait_indirect_dma semaphore(%arg24 : memref<!tpu.dma_semaphore, #tpu.memory_space<semaphore_mem>>) src(%dma_wait3A_974 : memref<80x128xf32, #tpu.memory_space<vmem>>) dst(%dma_wait3A_980 : memref<10240x128xf32, #tpu.memory_space<vmem_shared>>)
      } else {
      }
      %add3A_335 = arith.constant 2 : i32
      %add3A_336 = arith.addi %add3A_332, %add3A_335 : i32
      %dma_wait3A_337 = arith.constant 2 : i32
      %dma_wait3A_338 = arith.constant 0 : i32
      %dma_wait3A_339 = tpu.memref_slice %arg6[%dma_wait3A_337, %dma_wait3A_338] : memref<8x80xi32, #tpu.memory_space<vmem>> -> memref<1x80xi32, #tpu.memory_space<vmem>>
      %dma_wait3A_340 = tpu.memref_squeeze %dma_wait3A_339 : memref<1x80xi32, #tpu.memory_space<vmem>> -> memref<80xi32, #tpu.memory_space<vmem>>
      %dma_wait3A_341 = arith.constant 0 : i32
      %dma_wait3A_342 = tpu.memref_slice %arg2[%add3A, %add3A_336, %dma_wait3A_341] : memref<32x128x80xi32, #tpu.memory_space<hbm>> -> memref<1x1x80xi32, #tpu.memory_space<hbm>>
      %dma_wait3A_343 = tpu.memref_squeeze %dma_wait3A_342 : memref<1x1x80xi32, #tpu.memory_space<hbm>> -> memref<80xi32, #tpu.memory_space<hbm>>
      %dma_wait3A_344 = arith.constant 0 : i32
      %dma_wait3A_345 = tpu.memref_slice %arg6[%dma_wait3A_337, %dma_wait3A_344] : memref<8x80xi32, #tpu.memory_space<vmem>> -> memref<1x80xi32, #tpu.memory_space<vmem>>
      %dma_wait3A_346 = tpu.memref_squeeze %dma_wait3A_345 : memref<1x80xi32, #tpu.memory_space<vmem>> -> memref<80xi32, #tpu.memory_space<vmem>>
      %dma_wait3A_347 = arith.constant 0 : i32
      %dma_wait3A_348 = tpu.memref_slice %arg2[%add3A, %add3A_336, %dma_wait3A_347] : memref<32x128x80xi32, #tpu.memory_space<hbm>> -> memref<1x1x80xi32, #tpu.memory_space<hbm>>
      %dma_wait3A_349 = tpu.memref_squeeze %dma_wait3A_348 : memref<1x1x80xi32, #tpu.memory_space<hbm>> -> memref<80xi32, #tpu.memory_space<hbm>>
      tpu.wait_dma2 semaphore(%arg12 : memref<!tpu.dma_semaphore, #tpu.memory_space<semaphore_mem>>) src(%dma_wait3A_349 : memref<80xi32, #tpu.memory_space<hbm>>) dst(%dma_wait3A_346 : memref<80xi32, #tpu.memory_space<vmem>>)
      %dma_wait3A_350 = arith.constant 2 : i32
      %dma_wait3A_351 = arith.constant 0 : i32
      %dma_wait3A_352 = tpu.memref_slice %arg7[%dma_wait3A_350, %dma_wait3A_351] : memref<8x80xi32, #tpu.memory_space<vmem>> -> memref<1x80xi32, #tpu.memory_space<vmem>>
      %dma_wait3A_353 = tpu.memref_squeeze %dma_wait3A_352 : memref<1x80xi32, #tpu.memory_space<vmem>> -> memref<80xi32, #tpu.memory_space<vmem>>
      %dma_wait3A_354 = arith.constant 0 : i32
      %dma_wait3A_355 = tpu.memref_slice %arg3[%add3A, %add3A_336, %dma_wait3A_354] : memref<32x128x80xi32, #tpu.memory_space<hbm>> -> memref<1x1x80xi32, #tpu.memory_space<hbm>>
      %dma_wait3A_356 = tpu.memref_squeeze %dma_wait3A_355 : memref<1x1x80xi32, #tpu.memory_space<hbm>> -> memref<80xi32, #tpu.memory_space<hbm>>
      %dma_wait3A_357 = arith.constant 0 : i32
      %dma_wait3A_358 = tpu.memref_slice %arg7[%dma_wait3A_350, %dma_wait3A_357] : memref<8x80xi32, #tpu.memory_space<vmem>> -> memref<1x80xi32, #tpu.memory_space<vmem>>
      %dma_wait3A_359 = tpu.memref_squeeze %dma_wait3A_358 : memref<1x80xi32, #tpu.memory_space<vmem>> -> memref<80xi32, #tpu.memory_space<vmem>>
      %dma_wait3A_360 = arith.constant 0 : i32
      %dma_wait3A_361 = tpu.memref_slice %arg3[%add3A, %add3A_336, %dma_wait3A_360] : memref<32x128x80xi32, #tpu.memory_space<hbm>> -> memref<1x1x80xi32, #tpu.memory_space<hbm>>
      %dma_wait3A_362 = tpu.memref_squeeze %dma_wait3A_361 : memref<1x1x80xi32, #tpu.memory_space<hbm>> -> memref<80xi32, #tpu.memory_space<hbm>>
      tpu.wait_dma2 semaphore(%arg12 : memref<!tpu.dma_semaphore, #tpu.memory_space<semaphore_mem>>) src(%dma_wait3A_362 : memref<80xi32, #tpu.memory_space<hbm>>) dst(%dma_wait3A_359 : memref<80xi32, #tpu.memory_space<vmem>>)
      %dma_start3A_363 = arith.constant 2 : i32
      %dma_start3A_364 = arith.constant 2 : i32
      %dma_start3A_365 = arith.constant 0 : i32
      %dma_start3A_366 = arith.constant 0 : i32
      %dma_start3A_367 = tpu.memref_slice %arg8[%dma_start3A_364, %dma_start3A_365, %dma_start3A_366] : memref<4x80x128xf32, #tpu.memory_space<vmem>> -> memref<1x80x128xf32, #tpu.memory_space<vmem>>
      %dma_start3A_368 = tpu.memref_squeeze %dma_start3A_367 : memref<1x80x128xf32, #tpu.memory_space<vmem>> -> memref<80x128xf32, #tpu.memory_space<vmem>>
      %dma_start3A_369 = arith.constant 0 : i32
      %dma_start3A_370 = tpu.memref_slice %arg6[%dma_start3A_363, %dma_start3A_369] : memref<8x80xi32, #tpu.memory_space<vmem>> -> memref<1x80xi32, #tpu.memory_space<vmem>>
      %dma_start3A_371 = tpu.memref_squeeze %dma_start3A_370 : memref<1x80xi32, #tpu.memory_space<vmem>> -> memref<80xi32, #tpu.memory_space<vmem>>
      %dma_start3A_372 = arith.constant 0 : i32
      %dma_start3A_373 = arith.constant 0 : i32
      %dma_start3A_374 = tpu.memref_slice %arg4[%dma_start3A_372, %dma_start3A_373] : memref<10000x128xf32, #tpu.memory_space<hbm>> -> memref<10000x128xf32, #tpu.memory_space<hbm>>
      tpu.enqueue_indirect_dma source(%dma_start3A_374 : memref<10000x128xf32, #tpu.memory_space<hbm>>) target(%dma_start3A_368 : memref<80x128xf32, #tpu.memory_space<vmem>>) offsets(%dma_start3A_371 : memref<80xi32, #tpu.memory_space<vmem>>) semaphore(%arg20 : memref<!tpu.dma_semaphore, #tpu.memory_space<semaphore_mem>>)
      %add3A_375 = arith.constant 6 : i32
      %add3A_376 = arith.addi %add3A_332, %add3A_375 : i32
      %dma_start3A_377 = arith.constant 6 : i32
      %dma_start3A_378 = arith.constant 0 : i32
      %dma_start3A_379 = tpu.memref_slice %arg6[%dma_start3A_377, %dma_start3A_378] : memref<8x80xi32, #tpu.memory_space<vmem>> -> memref<1x80xi32, #tpu.memory_space<vmem>>
      %dma_start3A_380 = tpu.memref_squeeze %dma_start3A_379 : memref<1x80xi32, #tpu.memory_space<vmem>> -> memref<80xi32, #tpu.memory_space<vmem>>
      %dma_start3A_381 = arith.constant 0 : i32
      %dma_start3A_382 = tpu.memref_slice %arg2[%add3A, %add3A_376, %dma_start3A_381] : memref<32x128x80xi32, #tpu.memory_space<hbm>> -> memref<1x1x80xi32, #tpu.memory_space<hbm>>
      %dma_start3A_383 = tpu.memref_squeeze %dma_start3A_382 : memref<1x1x80xi32, #tpu.memory_space<hbm>> -> memref<80xi32, #tpu.memory_space<hbm>>
      %dma_start3A_384 = arith.constant 0 : i32
      %dma_start3A_385 = tpu.memref_slice %arg6[%dma_start3A_377, %dma_start3A_384] : memref<8x80xi32, #tpu.memory_space<vmem>> -> memref<1x80xi32, #tpu.memory_space<vmem>>
      %dma_start3A_386 = tpu.memref_squeeze %dma_start3A_385 : memref<1x80xi32, #tpu.memory_space<vmem>> -> memref<80xi32, #tpu.memory_space<vmem>>
      %dma_start3A_387 = arith.constant 0 : i32
      %dma_start3A_388 = tpu.memref_slice %arg2[%add3A, %add3A_376, %dma_start3A_387] : memref<32x128x80xi32, #tpu.memory_space<hbm>> -> memref<1x1x80xi32, #tpu.memory_space<hbm>>
      %dma_start3A_389 = tpu.memref_squeeze %dma_start3A_388 : memref<1x1x80xi32, #tpu.memory_space<hbm>> -> memref<80xi32, #tpu.memory_space<hbm>>
      tpu.enqueue_dma source(%dma_start3A_389 : memref<80xi32, #tpu.memory_space<hbm>>) target(%dma_start3A_386 : memref<80xi32, #tpu.memory_space<vmem>>) target_semaphore(%arg16 : memref<!tpu.dma_semaphore, #tpu.memory_space<semaphore_mem>>)
      %dma_start3A_390 = arith.constant 6 : i32
      %dma_start3A_391 = arith.constant 0 : i32
      %dma_start3A_392 = tpu.memref_slice %arg7[%dma_start3A_390, %dma_start3A_391] : memref<8x80xi32, #tpu.memory_space<vmem>> -> memref<1x80xi32, #tpu.memory_space<vmem>>
      %dma_start3A_393 = tpu.memref_squeeze %dma_start3A_392 : memref<1x80xi32, #tpu.memory_space<vmem>> -> memref<80xi32, #tpu.memory_space<vmem>>
      %dma_start3A_394 = arith.constant 0 : i32
      %dma_start3A_395 = tpu.memref_slice %arg3[%add3A, %add3A_376, %dma_start3A_394] : memref<32x128x80xi32, #tpu.memory_space<hbm>> -> memref<1x1x80xi32, #tpu.memory_space<hbm>>
      %dma_start3A_396 = tpu.memref_squeeze %dma_start3A_395 : memref<1x1x80xi32, #tpu.memory_space<hbm>> -> memref<80xi32, #tpu.memory_space<hbm>>
      %dma_start3A_397 = arith.constant 0 : i32
      %dma_start3A_398 = tpu.memref_slice %arg7[%dma_start3A_390, %dma_start3A_397] : memref<8x80xi32, #tpu.memory_space<vmem>> -> memref<1x80xi32, #tpu.memory_space<vmem>>
      %dma_start3A_399 = tpu.memref_squeeze %dma_start3A_398 : memref<1x80xi32, #tpu.memory_space<vmem>> -> memref<80xi32, #tpu.memory_space<vmem>>
      %dma_start3A_400 = arith.constant 0 : i32
      %dma_start3A_401 = tpu.memref_slice %arg3[%add3A, %add3A_376, %dma_start3A_400] : memref<32x128x80xi32, #tpu.memory_space<hbm>> -> memref<1x1x80xi32, #tpu.memory_space<hbm>>
      %dma_start3A_402 = tpu.memref_squeeze %dma_start3A_401 : memref<1x1x80xi32, #tpu.memory_space<hbm>> -> memref<80xi32, #tpu.memory_space<hbm>>
      tpu.enqueue_dma source(%dma_start3A_402 : memref<80xi32, #tpu.memory_space<hbm>>) target(%dma_start3A_399 : memref<80xi32, #tpu.memory_space<vmem>>) target_semaphore(%arg16 : memref<!tpu.dma_semaphore, #tpu.memory_space<semaphore_mem>>)
      %dma_wait3A_403 = arith.constant 0 : i32
      %dma_wait3A_404 = arith.constant 0 : i32
      %dma_wait3A_405 = arith.constant 0 : i32
      %dma_wait3A_406 = arith.constant 0 : i32
      %dma_wait3A_407 = tpu.memref_slice %arg8[%dma_wait3A_404, %dma_wait3A_405, %dma_wait3A_406] : memref<4x80x128xf32, #tpu.memory_space<vmem>> -> memref<1x80x128xf32, #tpu.memory_space<vmem>>
      %dma_wait3A_408 = tpu.memref_squeeze %dma_wait3A_407 : memref<1x80x128xf32, #tpu.memory_space<vmem>> -> memref<80x128xf32, #tpu.memory_space<vmem>>
      %dma_wait3A_409 = arith.constant 0 : i32
      %dma_wait3A_410 = tpu.memref_slice %arg6[%dma_wait3A_403, %dma_wait3A_409] : memref<8x80xi32, #tpu.memory_space<vmem>> -> memref<1x80xi32, #tpu.memory_space<vmem>>
      %dma_wait3A_411 = tpu.memref_squeeze %dma_wait3A_410 : memref<1x80xi32, #tpu.memory_space<vmem>> -> memref<80xi32, #tpu.memory_space<vmem>>
      %dma_wait3A_412 = arith.constant 0 : i32
      %dma_wait3A_413 = arith.constant 0 : i32
      %dma_wait3A_414 = tpu.memref_slice %arg4[%dma_wait3A_412, %dma_wait3A_413] : memref<10000x128xf32, #tpu.memory_space<hbm>> -> memref<10000x128xf32, #tpu.memory_space<hbm>>
      tpu.wait_indirect_dma semaphore(%arg18 : memref<!tpu.dma_semaphore, #tpu.memory_space<semaphore_mem>>) src(%dma_wait3A_414 : memref<10000x128xf32, #tpu.memory_space<hbm>>) dst(%dma_wait3A_408 : memref<80x128xf32, #tpu.memory_space<vmem>>)
      %dma_start3A_415 = arith.constant 0 : i32
      %dma_start3A_416 = arith.constant 0 : i32
      %dma_start3A_417 = arith.constant 0 : i32
      %dma_start3A_418 = arith.constant 0 : i32
      %dma_start3A_419 = tpu.memref_slice %arg8[%dma_start3A_415, %dma_start3A_417, %dma_start3A_418] : memref<4x80x128xf32, #tpu.memory_space<vmem>> -> memref<1x80x128xf32, #tpu.memory_space<vmem>>
      %dma_start3A_420 = tpu.memref_squeeze %dma_start3A_419 : memref<1x80x128xf32, #tpu.memory_space<vmem>> -> memref<80x128xf32, #tpu.memory_space<vmem>>
      %dma_start3A_421 = arith.constant 0 : i32
      %dma_start3A_422 = tpu.memref_slice %arg7[%dma_start3A_416, %dma_start3A_421] : memref<8x80xi32, #tpu.memory_space<vmem>> -> memref<1x80xi32, #tpu.memory_space<vmem>>
      %dma_start3A_423 = tpu.memref_squeeze %dma_start3A_422 : memref<1x80xi32, #tpu.memory_space<vmem>> -> memref<80xi32, #tpu.memory_space<vmem>>
      %dma_start3A_424 = arith.constant 0 : i32
      %dma_start3A_425 = arith.constant 0 : i32
      %dma_start3A_426 = tpu.memref_slice %arg9[%dma_start3A_424, %dma_start3A_425] : memref<10240x128xf32, #tpu.memory_space<vmem_shared>> -> memref<10240x128xf32, #tpu.memory_space<vmem_shared>>
      tpu.enqueue_indirect_dma source(%dma_start3A_420 : memref<80x128xf32, #tpu.memory_space<vmem>>) target(%dma_start3A_426 : memref<10240x128xf32, #tpu.memory_space<vmem_shared>>) offsets(%dma_start3A_423 : memref<80xi32, #tpu.memory_space<vmem>>) semaphore(%arg22 : memref<!tpu.dma_semaphore, #tpu.memory_space<semaphore_mem>>) {add = true}
      %add3A_427 = arith.constant 1 : i32
      %add3A_428 = arith.addi %add3A_330, %add3A_427 : i32
      %gt3A_429 = arith.constant 0 : i32
      %gt3A_430 = arith.cmpi sgt, %add3A_330, %gt3A_429 : i32
      %convert_element_type3A_431 = arith.extui %gt3A_430 : i1 to i32
      %cond3A_432 = arith.constant 0 : i32
      %cond3A_433 = arith.cmpi ne, %convert_element_type3A_431, %cond3A_432 : i32
      scf.if %cond3A_433 {
        %dma_wait3A_969 = arith.constant 3 : i32
        %dma_wait3A_970 = arith.constant 7 : i32
        %dma_wait3A_971 = arith.constant 0 : i32
        %dma_wait3A_972 = arith.constant 0 : i32
        %dma_wait3A_973 = tpu.memref_slice %arg8[%dma_wait3A_969, %dma_wait3A_971, %dma_wait3A_972] : memref<4x80x128xf32, #tpu.memory_space<vmem>> -> memref<1x80x128xf32, #tpu.memory_space<vmem>>
        %dma_wait3A_974 = tpu.memref_squeeze %dma_wait3A_973 : memref<1x80x128xf32, #tpu.memory_space<vmem>> -> memref<80x128xf32, #tpu.memory_space<vmem>>
        %dma_wait3A_975 = arith.constant 0 : i32
        %dma_wait3A_976 = tpu.memref_slice %arg7[%dma_wait3A_970, %dma_wait3A_975] : memref<8x80xi32, #tpu.memory_space<vmem>> -> memref<1x80xi32, #tpu.memory_space<vmem>>
        %dma_wait3A_977 = tpu.memref_squeeze %dma_wait3A_976 : memref<1x80xi32, #tpu.memory_space<vmem>> -> memref<80xi32, #tpu.memory_space<vmem>>
        %dma_wait3A_978 = arith.constant 0 : i32
        %dma_wait3A_979 = arith.constant 0 : i32
        %dma_wait3A_980 = tpu.memref_slice %arg9[%dma_wait3A_978, %dma_wait3A_979] : memref<10240x128xf32, #tpu.memory_space<vmem_shared>> -> memref<10240x128xf32, #tpu.memory_space<vmem_shared>>
        tpu.wait_indirect_dma semaphore(%arg25 : memref<!tpu.dma_semaphore, #tpu.memory_space<semaphore_mem>>) src(%dma_wait3A_974 : memref<80x128xf32, #tpu.memory_space<vmem>>) dst(%dma_wait3A_980 : memref<10240x128xf32, #tpu.memory_space<vmem_shared>>)
      } else {
      }
      %add3A_434 = arith.constant 2 : i32
      %add3A_435 = arith.addi %add3A_428, %add3A_434 : i32
      %dma_wait3A_436 = arith.constant 3 : i32
      %dma_wait3A_437 = arith.constant 0 : i32
      %dma_wait3A_438 = tpu.memref_slice %arg6[%dma_wait3A_436, %dma_wait3A_437] : memref<8x80xi32, #tpu.memory_space<vmem>> -> memref<1x80xi32, #tpu.memory_space<vmem>>
      %dma_wait3A_439 = tpu.memref_squeeze %dma_wait3A_438 : memref<1x80xi32, #tpu.memory_space<vmem>> -> memref<80xi32, #tpu.memory_space<vmem>>
      %dma_wait3A_440 = arith.constant 0 : i32
      %dma_wait3A_441 = tpu.memref_slice %arg2[%add3A, %add3A_435, %dma_wait3A_440] : memref<32x128x80xi32, #tpu.memory_space<hbm>> -> memref<1x1x80xi32, #tpu.memory_space<hbm>>
      %dma_wait3A_442 = tpu.memref_squeeze %dma_wait3A_441 : memref<1x1x80xi32, #tpu.memory_space<hbm>> -> memref<80xi32, #tpu.memory_space<hbm>>
      %dma_wait3A_443 = arith.constant 0 : i32
      %dma_wait3A_444 = tpu.memref_slice %arg6[%dma_wait3A_436, %dma_wait3A_443] : memref<8x80xi32, #tpu.memory_space<vmem>> -> memref<1x80xi32, #tpu.memory_space<vmem>>
      %dma_wait3A_445 = tpu.memref_squeeze %dma_wait3A_444 : memref<1x80xi32, #tpu.memory_space<vmem>> -> memref<80xi32, #tpu.memory_space<vmem>>
      %dma_wait3A_446 = arith.constant 0 : i32
      %dma_wait3A_447 = tpu.memref_slice %arg2[%add3A, %add3A_435, %dma_wait3A_446] : memref<32x128x80xi32, #tpu.memory_space<hbm>> -> memref<1x1x80xi32, #tpu.memory_space<hbm>>
      %dma_wait3A_448 = tpu.memref_squeeze %dma_wait3A_447 : memref<1x1x80xi32, #tpu.memory_space<hbm>> -> memref<80xi32, #tpu.memory_space<hbm>>
      tpu.wait_dma2 semaphore(%arg13 : memref<!tpu.dma_semaphore, #tpu.memory_space<semaphore_mem>>) src(%dma_wait3A_448 : memref<80xi32, #tpu.memory_space<hbm>>) dst(%dma_wait3A_445 : memref<80xi32, #tpu.memory_space<vmem>>)
      %dma_wait3A_449 = arith.constant 3 : i32
      %dma_wait3A_450 = arith.constant 0 : i32
      %dma_wait3A_451 = tpu.memref_slice %arg7[%dma_wait3A_449, %dma_wait3A_450] : memref<8x80xi32, #tpu.memory_space<vmem>> -> memref<1x80xi32, #tpu.memory_space<vmem>>
      %dma_wait3A_452 = tpu.memref_squeeze %dma_wait3A_451 : memref<1x80xi32, #tpu.memory_space<vmem>> -> memref<80xi32, #tpu.memory_space<vmem>>
      %dma_wait3A_453 = arith.constant 0 : i32
      %dma_wait3A_454 = tpu.memref_slice %arg3[%add3A, %add3A_435, %dma_wait3A_453] : memref<32x128x80xi32, #tpu.memory_space<hbm>> -> memref<1x1x80xi32, #tpu.memory_space<hbm>>
      %dma_wait3A_455 = tpu.memref_squeeze %dma_wait3A_454 : memref<1x1x80xi32, #tpu.memory_space<hbm>> -> memref<80xi32, #tpu.memory_space<hbm>>
      %dma_wait3A_456 = arith.constant 0 : i32
      %dma_wait3A_457 = tpu.memref_slice %arg7[%dma_wait3A_449, %dma_wait3A_456] : memref<8x80xi32, #tpu.memory_space<vmem>> -> memref<1x80xi32, #tpu.memory_space<vmem>>
      %dma_wait3A_458 = tpu.memref_squeeze %dma_wait3A_457 : memref<1x80xi32, #tpu.memory_space<vmem>> -> memref<80xi32, #tpu.memory_space<vmem>>
      %dma_wait3A_459 = arith.constant 0 : i32
      %dma_wait3A_460 = tpu.memref_slice %arg3[%add3A, %add3A_435, %dma_wait3A_459] : memref<32x128x80xi32, #tpu.memory_space<hbm>> -> memref<1x1x80xi32, #tpu.memory_space<hbm>>
      %dma_wait3A_461 = tpu.memref_squeeze %dma_wait3A_460 : memref<1x1x80xi32, #tpu.memory_space<hbm>> -> memref<80xi32, #tpu.memory_space<hbm>>
      tpu.wait_dma2 semaphore(%arg13 : memref<!tpu.dma_semaphore, #tpu.memory_space<semaphore_mem>>) src(%dma_wait3A_461 : memref<80xi32, #tpu.memory_space<hbm>>) dst(%dma_wait3A_458 : memref<80xi32, #tpu.memory_space<vmem>>)
      %dma_start3A_462 = arith.constant 3 : i32
      %dma_start3A_463 = arith.constant 3 : i32
      %dma_start3A_464 = arith.constant 0 : i32
      %dma_start3A_465 = arith.constant 0 : i32
      %dma_start3A_466 = tpu.memref_slice %arg8[%dma_start3A_463, %dma_start3A_464, %dma_start3A_465] : memref<4x80x128xf32, #tpu.memory_space<vmem>> -> memref<1x80x128xf32, #tpu.memory_space<vmem>>
      %dma_start3A_467 = tpu.memref_squeeze %dma_start3A_466 : memref<1x80x128xf32, #tpu.memory_space<vmem>> -> memref<80x128xf32, #tpu.memory_space<vmem>>
      %dma_start3A_468 = arith.constant 0 : i32
      %dma_start3A_469 = tpu.memref_slice %arg6[%dma_start3A_462, %dma_start3A_468] : memref<8x80xi32, #tpu.memory_space<vmem>> -> memref<1x80xi32, #tpu.memory_space<vmem>>
      %dma_start3A_470 = tpu.memref_squeeze %dma_start3A_469 : memref<1x80xi32, #tpu.memory_space<vmem>> -> memref<80xi32, #tpu.memory_space<vmem>>
      %dma_start3A_471 = arith.constant 0 : i32
      %dma_start3A_472 = arith.constant 0 : i32
      %dma_start3A_473 = tpu.memref_slice %arg4[%dma_start3A_471, %dma_start3A_472] : memref<10000x128xf32, #tpu.memory_space<hbm>> -> memref<10000x128xf32, #tpu.memory_space<hbm>>
      tpu.enqueue_indirect_dma source(%dma_start3A_473 : memref<10000x128xf32, #tpu.memory_space<hbm>>) target(%dma_start3A_467 : memref<80x128xf32, #tpu.memory_space<vmem>>) offsets(%dma_start3A_470 : memref<80xi32, #tpu.memory_space<vmem>>) semaphore(%arg21 : memref<!tpu.dma_semaphore, #tpu.memory_space<semaphore_mem>>)
      %add3A_474 = arith.constant 6 : i32
      %add3A_475 = arith.addi %add3A_428, %add3A_474 : i32
      %dma_start3A_476 = arith.constant 7 : i32
      %dma_start3A_477 = arith.constant 0 : i32
      %dma_start3A_478 = tpu.memref_slice %arg6[%dma_start3A_476, %dma_start3A_477] : memref<8x80xi32, #tpu.memory_space<vmem>> -> memref<1x80xi32, #tpu.memory_space<vmem>>
      %dma_start3A_479 = tpu.memref_squeeze %dma_start3A_478 : memref<1x80xi32, #tpu.memory_space<vmem>> -> memref<80xi32, #tpu.memory_space<vmem>>
      %dma_start3A_480 = arith.constant 0 : i32
      %dma_start3A_481 = tpu.memref_slice %arg2[%add3A, %add3A_475, %dma_start3A_480] : memref<32x128x80xi32, #tpu.memory_space<hbm>> -> memref<1x1x80xi32, #tpu.memory_space<hbm>>
      %dma_start3A_482 = tpu.memref_squeeze %dma_start3A_481 : memref<1x1x80xi32, #tpu.memory_space<hbm>> -> memref<80xi32, #tpu.memory_space<hbm>>
      %dma_start3A_483 = arith.constant 0 : i32
      %dma_start3A_484 = tpu.memref_slice %arg6[%dma_start3A_476, %dma_start3A_483] : memref<8x80xi32, #tpu.memory_space<vmem>> -> memref<1x80xi32, #tpu.memory_space<vmem>>
      %dma_start3A_485 = tpu.memref_squeeze %dma_start3A_484 : memref<1x80xi32, #tpu.memory_space<vmem>> -> memref<80xi32, #tpu.memory_space<vmem>>
      %dma_start3A_486 = arith.constant 0 : i32
      %dma_start3A_487 = tpu.memref_slice %arg2[%add3A, %add3A_475, %dma_start3A_486] : memref<32x128x80xi32, #tpu.memory_space<hbm>> -> memref<1x1x80xi32, #tpu.memory_space<hbm>>
      %dma_start3A_488 = tpu.memref_squeeze %dma_start3A_487 : memref<1x1x80xi32, #tpu.memory_space<hbm>> -> memref<80xi32, #tpu.memory_space<hbm>>
      tpu.enqueue_dma source(%dma_start3A_488 : memref<80xi32, #tpu.memory_space<hbm>>) target(%dma_start3A_485 : memref<80xi32, #tpu.memory_space<vmem>>) target_semaphore(%arg17 : memref<!tpu.dma_semaphore, #tpu.memory_space<semaphore_mem>>)
      %dma_start3A_489 = arith.constant 7 : i32
      %dma_start3A_490 = arith.constant 0 : i32
      %dma_start3A_491 = tpu.memref_slice %arg7[%dma_start3A_489, %dma_start3A_490] : memref<8x80xi32, #tpu.memory_space<vmem>> -> memref<1x80xi32, #tpu.memory_space<vmem>>
      %dma_start3A_492 = tpu.memref_squeeze %dma_start3A_491 : memref<1x80xi32, #tpu.memory_space<vmem>> -> memref<80xi32, #tpu.memory_space<vmem>>
      %dma_start3A_493 = arith.constant 0 : i32
      %dma_start3A_494 = tpu.memref_slice %arg3[%add3A, %add3A_475, %dma_start3A_493] : memref<32x128x80xi32, #tpu.memory_space<hbm>> -> memref<1x1x80xi32, #tpu.memory_space<hbm>>
      %dma_start3A_495 = tpu.memref_squeeze %dma_start3A_494 : memref<1x1x80xi32, #tpu.memory_space<hbm>> -> memref<80xi32, #tpu.memory_space<hbm>>
      %dma_start3A_496 = arith.constant 0 : i32
      %dma_start3A_497 = tpu.memref_slice %arg7[%dma_start3A_489, %dma_start3A_496] : memref<8x80xi32, #tpu.memory_space<vmem>> -> memref<1x80xi32, #tpu.memory_space<vmem>>
      %dma_start3A_498 = tpu.memref_squeeze %dma_start3A_497 : memref<1x80xi32, #tpu.memory_space<vmem>> -> memref<80xi32, #tpu.memory_space<vmem>>
      %dma_start3A_499 = arith.constant 0 : i32
      %dma_start3A_500 = tpu.memref_slice %arg3[%add3A, %add3A_475, %dma_start3A_499] : memref<32x128x80xi32, #tpu.memory_space<hbm>> -> memref<1x1x80xi32, #tpu.memory_space<hbm>>
      %dma_start3A_501 = tpu.memref_squeeze %dma_start3A_500 : memref<1x1x80xi32, #tpu.memory_space<hbm>> -> memref<80xi32, #tpu.memory_space<hbm>>
      tpu.enqueue_dma source(%dma_start3A_501 : memref<80xi32, #tpu.memory_space<hbm>>) target(%dma_start3A_498 : memref<80xi32, #tpu.memory_space<vmem>>) target_semaphore(%arg17 : memref<!tpu.dma_semaphore, #tpu.memory_space<semaphore_mem>>)
      %dma_wait3A_502 = arith.constant 1 : i32
      %dma_wait3A_503 = arith.constant 1 : i32
      %dma_wait3A_504 = arith.constant 0 : i32
      %dma_wait3A_505 = arith.constant 0 : i32
      %dma_wait3A_506 = tpu.memref_slice %arg8[%dma_wait3A_503, %dma_wait3A_504, %dma_wait3A_505] : memref<4x80x128xf32, #tpu.memory_space<vmem>> -> memref<1x80x128xf32, #tpu.memory_space<vmem>>
      %dma_wait3A_507 = tpu.memref_squeeze %dma_wait3A_506 : memref<1x80x128xf32, #tpu.memory_space<vmem>> -> memref<80x128xf32, #tpu.memory_space<vmem>>
      %dma_wait3A_508 = arith.constant 0 : i32
      %dma_wait3A_509 = tpu.memref_slice %arg6[%dma_wait3A_502, %dma_wait3A_508] : memref<8x80xi32, #tpu.memory_space<vmem>> -> memref<1x80xi32, #tpu.memory_space<vmem>>
      %dma_wait3A_510 = tpu.memref_squeeze %dma_wait3A_509 : memref<1x80xi32, #tpu.memory_space<vmem>> -> memref<80xi32, #tpu.memory_space<vmem>>
      %dma_wait3A_511 = arith.constant 0 : i32
      %dma_wait3A_512 = arith.constant 0 : i32
      %dma_wait3A_513 = tpu.memref_slice %arg4[%dma_wait3A_511, %dma_wait3A_512] : memref<10000x128xf32, #tpu.memory_space<hbm>> -> memref<10000x128xf32, #tpu.memory_space<hbm>>
      tpu.wait_indirect_dma semaphore(%arg19 : memref<!tpu.dma_semaphore, #tpu.memory_space<semaphore_mem>>) src(%dma_wait3A_513 : memref<10000x128xf32, #tpu.memory_space<hbm>>) dst(%dma_wait3A_507 : memref<80x128xf32, #tpu.memory_space<vmem>>)
      %dma_start3A_514 = arith.constant 1 : i32
      %dma_start3A_515 = arith.constant 1 : i32
      %dma_start3A_516 = arith.constant 0 : i32
      %dma_start3A_517 = arith.constant 0 : i32
      %dma_start3A_518 = tpu.memref_slice %arg8[%dma_start3A_514, %dma_start3A_516, %dma_start3A_517] : memref<4x80x128xf32, #tpu.memory_space<vmem>> -> memref<1x80x128xf32, #tpu.memory_space<vmem>>
      %dma_start3A_519 = tpu.memref_squeeze %dma_start3A_518 : memref<1x80x128xf32, #tpu.memory_space<vmem>> -> memref<80x128xf32, #tpu.memory_space<vmem>>
      %dma_start3A_520 = arith.constant 0 : i32
      %dma_start3A_521 = tpu.memref_slice %arg7[%dma_start3A_515, %dma_start3A_520] : memref<8x80xi32, #tpu.memory_space<vmem>> -> memref<1x80xi32, #tpu.memory_space<vmem>>
      %dma_start3A_522 = tpu.memref_squeeze %dma_start3A_521 : memref<1x80xi32, #tpu.memory_space<vmem>> -> memref<80xi32, #tpu.memory_space<vmem>>
      %dma_start3A_523 = arith.constant 0 : i32
      %dma_start3A_524 = arith.constant 0 : i32
      %dma_start3A_525 = tpu.memref_slice %arg9[%dma_start3A_523, %dma_start3A_524] : memref<10240x128xf32, #tpu.memory_space<vmem_shared>> -> memref<10240x128xf32, #tpu.memory_space<vmem_shared>>
      tpu.enqueue_indirect_dma source(%dma_start3A_519 : memref<80x128xf32, #tpu.memory_space<vmem>>) target(%dma_start3A_525 : memref<10240x128xf32, #tpu.memory_space<vmem_shared>>) offsets(%dma_start3A_522 : memref<80xi32, #tpu.memory_space<vmem>>) semaphore(%arg23 : memref<!tpu.dma_semaphore, #tpu.memory_space<semaphore_mem>>) {add = true}
      %add3A_526 = arith.constant 2 : i32
      %add3A_527 = arith.addi %add3A_330, %add3A_526 : i32
      %dma_wait3A_528 = arith.constant 0 : i32
      %dma_wait3A_529 = arith.constant 0 : i32
      %dma_wait3A_530 = arith.constant 0 : i32
      %dma_wait3A_531 = arith.constant 0 : i32
      %dma_wait3A_532 = tpu.memref_slice %arg8[%dma_wait3A_528, %dma_wait3A_530, %dma_wait3A_531] : memref<4x80x128xf32, #tpu.memory_space<vmem>> -> memref<1x80x128xf32, #tpu.memory_space<vmem>>
      %dma_wait3A_533 = tpu.memref_squeeze %dma_wait3A_532 : memref<1x80x128xf32, #tpu.memory_space<vmem>> -> memref<80x128xf32, #tpu.memory_space<vmem>>
      %dma_wait3A_534 = arith.constant 0 : i32
      %dma_wait3A_535 = tpu.memref_slice %arg7[%dma_wait3A_529, %dma_wait3A_534] : memref<8x80xi32, #tpu.memory_space<vmem>> -> memref<1x80xi32, #tpu.memory_space<vmem>>
      %dma_wait3A_536 = tpu.memref_squeeze %dma_wait3A_535 : memref<1x80xi32, #tpu.memory_space<vmem>> -> memref<80xi32, #tpu.memory_space<vmem>>
      %dma_wait3A_537 = arith.constant 0 : i32
      %dma_wait3A_538 = arith.constant 0 : i32
      %dma_wait3A_539 = tpu.memref_slice %arg9[%dma_wait3A_537, %dma_wait3A_538] : memref<10240x128xf32, #tpu.memory_space<vmem_shared>> -> memref<10240x128xf32, #tpu.memory_space<vmem_shared>>
      tpu.wait_indirect_dma semaphore(%arg22 : memref<!tpu.dma_semaphore, #tpu.memory_space<semaphore_mem>>) src(%dma_wait3A_533 : memref<80x128xf32, #tpu.memory_space<vmem>>) dst(%dma_wait3A_539 : memref<10240x128xf32, #tpu.memory_space<vmem_shared>>)
      %add3A_540 = arith.constant 2 : i32
      %add3A_541 = arith.addi %add3A_527, %add3A_540 : i32
      %dma_wait3A_542 = arith.constant 4 : i32
      %dma_wait3A_543 = arith.constant 0 : i32
      %dma_wait3A_544 = tpu.memref_slice %arg6[%dma_wait3A_542, %dma_wait3A_543] : memref<8x80xi32, #tpu.memory_space<vmem>> -> memref<1x80xi32, #tpu.memory_space<vmem>>
      %dma_wait3A_545 = tpu.memref_squeeze %dma_wait3A_544 : memref<1x80xi32, #tpu.memory_space<vmem>> -> memref<80xi32, #tpu.memory_space<vmem>>
      %dma_wait3A_546 = arith.constant 0 : i32
      %dma_wait3A_547 = tpu.memref_slice %arg2[%add3A, %add3A_541, %dma_wait3A_546] : memref<32x128x80xi32, #tpu.memory_space<hbm>> -> memref<1x1x80xi32, #tpu.memory_space<hbm>>
      %dma_wait3A_548 = tpu.memref_squeeze %dma_wait3A_547 : memref<1x1x80xi32, #tpu.memory_space<hbm>> -> memref<80xi32, #tpu.memory_space<hbm>>
      %dma_wait3A_549 = arith.constant 0 : i32
      %dma_wait3A_550 = tpu.memref_slice %arg6[%dma_wait3A_542, %dma_wait3A_549] : memref<8x80xi32, #tpu.memory_space<vmem>> -> memref<1x80xi32, #tpu.memory_space<vmem>>
      %dma_wait3A_551 = tpu.memref_squeeze %dma_wait3A_550 : memref<1x80xi32, #tpu.memory_space<vmem>> -> memref<80xi32, #tpu.memory_space<vmem>>
      %dma_wait3A_552 = arith.constant 0 : i32
      %dma_wait3A_553 = tpu.memref_slice %arg2[%add3A, %add3A_541, %dma_wait3A_552] : memref<32x128x80xi32, #tpu.memory_space<hbm>> -> memref<1x1x80xi32, #tpu.memory_space<hbm>>
      %dma_wait3A_554 = tpu.memref_squeeze %dma_wait3A_553 : memref<1x1x80xi32, #tpu.memory_space<hbm>> -> memref<80xi32, #tpu.memory_space<hbm>>
      tpu.wait_dma2 semaphore(%arg14 : memref<!tpu.dma_semaphore, #tpu.memory_space<semaphore_mem>>) src(%dma_wait3A_554 : memref<80xi32, #tpu.memory_space<hbm>>) dst(%dma_wait3A_551 : memref<80xi32, #tpu.memory_space<vmem>>)
      %dma_wait3A_555 = arith.constant 4 : i32
      %dma_wait3A_556 = arith.constant 0 : i32
      %dma_wait3A_557 = tpu.memref_slice %arg7[%dma_wait3A_555, %dma_wait3A_556] : memref<8x80xi32, #tpu.memory_space<vmem>> -> memref<1x80xi32, #tpu.memory_space<vmem>>
      %dma_wait3A_558 = tpu.memref_squeeze %dma_wait3A_557 : memref<1x80xi32, #tpu.memory_space<vmem>> -> memref<80xi32, #tpu.memory_space<vmem>>
      %dma_wait3A_559 = arith.constant 0 : i32
      %dma_wait3A_560 = tpu.memref_slice %arg3[%add3A, %add3A_541, %dma_wait3A_559] : memref<32x128x80xi32, #tpu.memory_space<hbm>> -> memref<1x1x80xi32, #tpu.memory_space<hbm>>
      %dma_wait3A_561 = tpu.memref_squeeze %dma_wait3A_560 : memref<1x1x80xi32, #tpu.memory_space<hbm>> -> memref<80xi32, #tpu.memory_space<hbm>>
      %dma_wait3A_562 = arith.constant 0 : i32
      %dma_wait3A_563 = tpu.memref_slice %arg7[%dma_wait3A_555, %dma_wait3A_562] : memref<8x80xi32, #tpu.memory_space<vmem>> -> memref<1x80xi32, #tpu.memory_space<vmem>>
      %dma_wait3A_564 = tpu.memref_squeeze %dma_wait3A_563 : memref<1x80xi32, #tpu.memory_space<vmem>> -> memref<80xi32, #tpu.memory_space<vmem>>
      %dma_wait3A_565 = arith.constant 0 : i32
      %dma_wait3A_566 = tpu.memref_slice %arg3[%add3A, %add3A_541, %dma_wait3A_565] : memref<32x128x80xi32, #tpu.memory_space<hbm>> -> memref<1x1x80xi32, #tpu.memory_space<hbm>>
      %dma_wait3A_567 = tpu.memref_squeeze %dma_wait3A_566 : memref<1x1x80xi32, #tpu.memory_space<hbm>> -> memref<80xi32, #tpu.memory_space<hbm>>
      tpu.wait_dma2 semaphore(%arg14 : memref<!tpu.dma_semaphore, #tpu.memory_space<semaphore_mem>>) src(%dma_wait3A_567 : memref<80xi32, #tpu.memory_space<hbm>>) dst(%dma_wait3A_564 : memref<80xi32, #tpu.memory_space<vmem>>)
      %dma_start3A_568 = arith.constant 4 : i32
      %dma_start3A_569 = arith.constant 0 : i32
      %dma_start3A_570 = arith.constant 0 : i32
      %dma_start3A_571 = arith.constant 0 : i32
      %dma_start3A_572 = tpu.memref_slice %arg8[%dma_start3A_569, %dma_start3A_570, %dma_start3A_571] : memref<4x80x128xf32, #tpu.memory_space<vmem>> -> memref<1x80x128xf32, #tpu.memory_space<vmem>>
      %dma_start3A_573 = tpu.memref_squeeze %dma_start3A_572 : memref<1x80x128xf32, #tpu.memory_space<vmem>> -> memref<80x128xf32, #tpu.memory_space<vmem>>
      %dma_start3A_574 = arith.constant 0 : i32
      %dma_start3A_575 = tpu.memref_slice %arg6[%dma_start3A_568, %dma_start3A_574] : memref<8x80xi32, #tpu.memory_space<vmem>> -> memref<1x80xi32, #tpu.memory_space<vmem>>
      %dma_start3A_576 = tpu.memref_squeeze %dma_start3A_575 : memref<1x80xi32, #tpu.memory_space<vmem>> -> memref<80xi32, #tpu.memory_space<vmem>>
      %dma_start3A_577 = arith.constant 0 : i32
      %dma_start3A_578 = arith.constant 0 : i32
      %dma_start3A_579 = tpu.memref_slice %arg4[%dma_start3A_577, %dma_start3A_578] : memref<10000x128xf32, #tpu.memory_space<hbm>> -> memref<10000x128xf32, #tpu.memory_space<hbm>>
      tpu.enqueue_indirect_dma source(%dma_start3A_579 : memref<10000x128xf32, #tpu.memory_space<hbm>>) target(%dma_start3A_573 : memref<80x128xf32, #tpu.memory_space<vmem>>) offsets(%dma_start3A_576 : memref<80xi32, #tpu.memory_space<vmem>>) semaphore(%arg18 : memref<!tpu.dma_semaphore, #tpu.memory_space<semaphore_mem>>)
      %add3A_580 = arith.constant 6 : i32
      %add3A_581 = arith.addi %add3A_527, %add3A_580 : i32
      %lt3A = arith.constant 128 : i32
      %lt3A_582 = arith.cmpi slt, %add3A_581, %lt3A : i32
      %convert_element_type3A_583 = arith.extui %lt3A_582 : i1 to i32
      %cond3A_584 = arith.constant 0 : i32
      %cond3A_585 = arith.cmpi ne, %convert_element_type3A_583, %cond3A_584 : i32
      scf.if %cond3A_585 {
        %add3A_969 = arith.constant 6 : i32
        %add3A_970 = arith.addi %add3A_527, %add3A_969 : i32
        %dma_start3A_971 = arith.constant 0 : i32
        %dma_start3A_972 = arith.constant 0 : i32
        %dma_start3A_973 = tpu.memref_slice %arg6[%dma_start3A_971, %dma_start3A_972] : memref<8x80xi32, #tpu.memory_space<vmem>> -> memref<1x80xi32, #tpu.memory_space<vmem>>
        %dma_start3A_974 = tpu.memref_squeeze %dma_start3A_973 : memref<1x80xi32, #tpu.memory_space<vmem>> -> memref<80xi32, #tpu.memory_space<vmem>>
        %dma_start3A_975 = arith.constant 0 : i32
        %dma_start3A_976 = tpu.memref_slice %arg2[%add3A, %add3A_970, %dma_start3A_975] : memref<32x128x80xi32, #tpu.memory_space<hbm>> -> memref<1x1x80xi32, #tpu.memory_space<hbm>>
        %dma_start3A_977 = tpu.memref_squeeze %dma_start3A_976 : memref<1x1x80xi32, #tpu.memory_space<hbm>> -> memref<80xi32, #tpu.memory_space<hbm>>
        %dma_start3A_978 = arith.constant 0 : i32
        %dma_start3A_979 = tpu.memref_slice %arg6[%dma_start3A_971, %dma_start3A_978] : memref<8x80xi32, #tpu.memory_space<vmem>> -> memref<1x80xi32, #tpu.memory_space<vmem>>
        %dma_start3A_980 = tpu.memref_squeeze %dma_start3A_979 : memref<1x80xi32, #tpu.memory_space<vmem>> -> memref<80xi32, #tpu.memory_space<vmem>>
        %dma_start3A_981 = arith.constant 0 : i32
        %dma_start3A_982 = tpu.memref_slice %arg2[%add3A, %add3A_970, %dma_start3A_981] : memref<32x128x80xi32, #tpu.memory_space<hbm>> -> memref<1x1x80xi32, #tpu.memory_space<hbm>>
        %dma_start3A_983 = tpu.memref_squeeze %dma_start3A_982 : memref<1x1x80xi32, #tpu.memory_space<hbm>> -> memref<80xi32, #tpu.memory_space<hbm>>
        tpu.enqueue_dma source(%dma_start3A_983 : memref<80xi32, #tpu.memory_space<hbm>>) target(%dma_start3A_980 : memref<80xi32, #tpu.memory_space<vmem>>) target_semaphore(%arg10 : memref<!tpu.dma_semaphore, #tpu.memory_space<semaphore_mem>>)
        %dma_start3A_984 = arith.constant 0 : i32
        %dma_start3A_985 = arith.constant 0 : i32
        %dma_start3A_986 = tpu.memref_slice %arg7[%dma_start3A_984, %dma_start3A_985] : memref<8x80xi32, #tpu.memory_space<vmem>> -> memref<1x80xi32, #tpu.memory_space<vmem>>
        %dma_start3A_987 = tpu.memref_squeeze %dma_start3A_986 : memref<1x80xi32, #tpu.memory_space<vmem>> -> memref<80xi32, #tpu.memory_space<vmem>>
        %dma_start3A_988 = arith.constant 0 : i32
        %dma_start3A_989 = tpu.memref_slice %arg3[%add3A, %add3A_970, %dma_start3A_988] : memref<32x128x80xi32, #tpu.memory_space<hbm>> -> memref<1x1x80xi32, #tpu.memory_space<hbm>>
        %dma_start3A_990 = tpu.memref_squeeze %dma_start3A_989 : memref<1x1x80xi32, #tpu.memory_space<hbm>> -> memref<80xi32, #tpu.memory_space<hbm>>
        %dma_start3A_991 = arith.constant 0 : i32
        %dma_start3A_992 = tpu.memref_slice %arg7[%dma_start3A_984, %dma_start3A_991] : memref<8x80xi32, #tpu.memory_space<vmem>> -> memref<1x80xi32, #tpu.memory_space<vmem>>
        %dma_start3A_993 = tpu.memref_squeeze %dma_start3A_992 : memref<1x80xi32, #tpu.memory_space<vmem>> -> memref<80xi32, #tpu.memory_space<vmem>>
        %dma_start3A_994 = arith.constant 0 : i32
        %dma_start3A_995 = tpu.memref_slice %arg3[%add3A, %add3A_970, %dma_start3A_994] : memref<32x128x80xi32, #tpu.memory_space<hbm>> -> memref<1x1x80xi32, #tpu.memory_space<hbm>>
        %dma_start3A_996 = tpu.memref_squeeze %dma_start3A_995 : memref<1x1x80xi32, #tpu.memory_space<hbm>> -> memref<80xi32, #tpu.memory_space<hbm>>
        tpu.enqueue_dma source(%dma_start3A_996 : memref<80xi32, #tpu.memory_space<hbm>>) target(%dma_start3A_993 : memref<80xi32, #tpu.memory_space<vmem>>) target_semaphore(%arg10 : memref<!tpu.dma_semaphore, #tpu.memory_space<semaphore_mem>>)
      } else {
      }
      %dma_wait3A_586 = arith.constant 2 : i32
      %dma_wait3A_587 = arith.constant 2 : i32
      %dma_wait3A_588 = arith.constant 0 : i32
      %dma_wait3A_589 = arith.constant 0 : i32
      %dma_wait3A_590 = tpu.memref_slice %arg8[%dma_wait3A_587, %dma_wait3A_588, %dma_wait3A_589] : memref<4x80x128xf32, #tpu.memory_space<vmem>> -> memref<1x80x128xf32, #tpu.memory_space<vmem>>
      %dma_wait3A_591 = tpu.memref_squeeze %dma_wait3A_590 : memref<1x80x128xf32, #tpu.memory_space<vmem>> -> memref<80x128xf32, #tpu.memory_space<vmem>>
      %dma_wait3A_592 = arith.constant 0 : i32
      %dma_wait3A_593 = tpu.memref_slice %arg6[%dma_wait3A_586, %dma_wait3A_592] : memref<8x80xi32, #tpu.memory_space<vmem>> -> memref<1x80xi32, #tpu.memory_space<vmem>>
      %dma_wait3A_594 = tpu.memref_squeeze %dma_wait3A_593 : memref<1x80xi32, #tpu.memory_space<vmem>> -> memref<80xi32, #tpu.memory_space<vmem>>
      %dma_wait3A_595 = arith.constant 0 : i32
      %dma_wait3A_596 = arith.constant 0 : i32
      %dma_wait3A_597 = tpu.memref_slice %arg4[%dma_wait3A_595, %dma_wait3A_596] : memref<10000x128xf32, #tpu.memory_space<hbm>> -> memref<10000x128xf32, #tpu.memory_space<hbm>>
      tpu.wait_indirect_dma semaphore(%arg20 : memref<!tpu.dma_semaphore, #tpu.memory_space<semaphore_mem>>) src(%dma_wait3A_597 : memref<10000x128xf32, #tpu.memory_space<hbm>>) dst(%dma_wait3A_591 : memref<80x128xf32, #tpu.memory_space<vmem>>)
      %dma_start3A_598 = arith.constant 2 : i32
      %dma_start3A_599 = arith.constant 2 : i32
      %dma_start3A_600 = arith.constant 0 : i32
      %dma_start3A_601 = arith.constant 0 : i32
      %dma_start3A_602 = tpu.memref_slice %arg8[%dma_start3A_598, %dma_start3A_600, %dma_start3A_601] : memref<4x80x128xf32, #tpu.memory_space<vmem>> -> memref<1x80x128xf32, #tpu.memory_space<vmem>>
      %dma_start3A_603 = tpu.memref_squeeze %dma_start3A_602 : memref<1x80x128xf32, #tpu.memory_space<vmem>> -> memref<80x128xf32, #tpu.memory_space<vmem>>
      %dma_start3A_604 = arith.constant 0 : i32
      %dma_start3A_605 = tpu.memref_slice %arg7[%dma_start3A_599, %dma_start3A_604] : memref<8x80xi32, #tpu.memory_space<vmem>> -> memref<1x80xi32, #tpu.memory_space<vmem>>
      %dma_start3A_606 = tpu.memref_squeeze %dma_start3A_605 : memref<1x80xi32, #tpu.memory_space<vmem>> -> memref<80xi32, #tpu.memory_space<vmem>>
      %dma_start3A_607 = arith.constant 0 : i32
      %dma_start3A_608 = arith.constant 0 : i32
      %dma_start3A_609 = tpu.memref_slice %arg9[%dma_start3A_607, %dma_start3A_608] : memref<10240x128xf32, #tpu.memory_space<vmem_shared>> -> memref<10240x128xf32, #tpu.memory_space<vmem_shared>>
      tpu.enqueue_indirect_dma source(%dma_start3A_603 : memref<80x128xf32, #tpu.memory_space<vmem>>) target(%dma_start3A_609 : memref<10240x128xf32, #tpu.memory_space<vmem_shared>>) offsets(%dma_start3A_606 : memref<80xi32, #tpu.memory_space<vmem>>) semaphore(%arg24 : memref<!tpu.dma_semaphore, #tpu.memory_space<semaphore_mem>>) {add = true}
      %add3A_610 = arith.constant 3 : i32
      %add3A_611 = arith.addi %add3A_330, %add3A_610 : i32
      %dma_wait3A_612 = arith.constant 1 : i32
      %dma_wait3A_613 = arith.constant 1 : i32
      %dma_wait3A_614 = arith.constant 0 : i32
      %dma_wait3A_615 = arith.constant 0 : i32
      %dma_wait3A_616 = tpu.memref_slice %arg8[%dma_wait3A_612, %dma_wait3A_614, %dma_wait3A_615] : memref<4x80x128xf32, #tpu.memory_space<vmem>> -> memref<1x80x128xf32, #tpu.memory_space<vmem>>
      %dma_wait3A_617 = tpu.memref_squeeze %dma_wait3A_616 : memref<1x80x128xf32, #tpu.memory_space<vmem>> -> memref<80x128xf32, #tpu.memory_space<vmem>>
      %dma_wait3A_618 = arith.constant 0 : i32
      %dma_wait3A_619 = tpu.memref_slice %arg7[%dma_wait3A_613, %dma_wait3A_618] : memref<8x80xi32, #tpu.memory_space<vmem>> -> memref<1x80xi32, #tpu.memory_space<vmem>>
      %dma_wait3A_620 = tpu.memref_squeeze %dma_wait3A_619 : memref<1x80xi32, #tpu.memory_space<vmem>> -> memref<80xi32, #tpu.memory_space<vmem>>
      %dma_wait3A_621 = arith.constant 0 : i32
      %dma_wait3A_622 = arith.constant 0 : i32
      %dma_wait3A_623 = tpu.memref_slice %arg9[%dma_wait3A_621, %dma_wait3A_622] : memref<10240x128xf32, #tpu.memory_space<vmem_shared>> -> memref<10240x128xf32, #tpu.memory_space<vmem_shared>>
      tpu.wait_indirect_dma semaphore(%arg23 : memref<!tpu.dma_semaphore, #tpu.memory_space<semaphore_mem>>) src(%dma_wait3A_617 : memref<80x128xf32, #tpu.memory_space<vmem>>) dst(%dma_wait3A_623 : memref<10240x128xf32, #tpu.memory_space<vmem_shared>>)
      %add3A_624 = arith.constant 2 : i32
      %add3A_625 = arith.addi %add3A_611, %add3A_624 : i32
      %dma_wait3A_626 = arith.constant 5 : i32
      %dma_wait3A_627 = arith.constant 0 : i32
      %dma_wait3A_628 = tpu.memref_slice %arg6[%dma_wait3A_626, %dma_wait3A_627] : memref<8x80xi32, #tpu.memory_space<vmem>> -> memref<1x80xi32, #tpu.memory_space<vmem>>
      %dma_wait3A_629 = tpu.memref_squeeze %dma_wait3A_628 : memref<1x80xi32, #tpu.memory_space<vmem>> -> memref<80xi32, #tpu.memory_space<vmem>>
      %dma_wait3A_630 = arith.constant 0 : i32
      %dma_wait3A_631 = tpu.memref_slice %arg2[%add3A, %add3A_625, %dma_wait3A_630] : memref<32x128x80xi32, #tpu.memory_space<hbm>> -> memref<1x1x80xi32, #tpu.memory_space<hbm>>
      %dma_wait3A_632 = tpu.memref_squeeze %dma_wait3A_631 : memref<1x1x80xi32, #tpu.memory_space<hbm>> -> memref<80xi32, #tpu.memory_space<hbm>>
      %dma_wait3A_633 = arith.constant 0 : i32
      %dma_wait3A_634 = tpu.memref_slice %arg6[%dma_wait3A_626, %dma_wait3A_633] : memref<8x80xi32, #tpu.memory_space<vmem>> -> memref<1x80xi32, #tpu.memory_space<vmem>>
      %dma_wait3A_635 = tpu.memref_squeeze %dma_wait3A_634 : memref<1x80xi32, #tpu.memory_space<vmem>> -> memref<80xi32, #tpu.memory_space<vmem>>
      %dma_wait3A_636 = arith.constant 0 : i32
      %dma_wait3A_637 = tpu.memref_slice %arg2[%add3A, %add3A_625, %dma_wait3A_636] : memref<32x128x80xi32, #tpu.memory_space<hbm>> -> memref<1x1x80xi32, #tpu.memory_space<hbm>>
      %dma_wait3A_638 = tpu.memref_squeeze %dma_wait3A_637 : memref<1x1x80xi32, #tpu.memory_space<hbm>> -> memref<80xi32, #tpu.memory_space<hbm>>
      tpu.wait_dma2 semaphore(%arg15 : memref<!tpu.dma_semaphore, #tpu.memory_space<semaphore_mem>>) src(%dma_wait3A_638 : memref<80xi32, #tpu.memory_space<hbm>>) dst(%dma_wait3A_635 : memref<80xi32, #tpu.memory_space<vmem>>)
      %dma_wait3A_639 = arith.constant 5 : i32
      %dma_wait3A_640 = arith.constant 0 : i32
      %dma_wait3A_641 = tpu.memref_slice %arg7[%dma_wait3A_639, %dma_wait3A_640] : memref<8x80xi32, #tpu.memory_space<vmem>> -> memref<1x80xi32, #tpu.memory_space<vmem>>
      %dma_wait3A_642 = tpu.memref_squeeze %dma_wait3A_641 : memref<1x80xi32, #tpu.memory_space<vmem>> -> memref<80xi32, #tpu.memory_space<vmem>>
      %dma_wait3A_643 = arith.constant 0 : i32
      %dma_wait3A_644 = tpu.memref_slice %arg3[%add3A, %add3A_625, %dma_wait3A_643] : memref<32x128x80xi32, #tpu.memory_space<hbm>> -> memref<1x1x80xi32, #tpu.memory_space<hbm>>
      %dma_wait3A_645 = tpu.memref_squeeze %dma_wait3A_644 : memref<1x1x80xi32, #tpu.memory_space<hbm>> -> memref<80xi32, #tpu.memory_space<hbm>>
      %dma_wait3A_646 = arith.constant 0 : i32
      %dma_wait3A_647 = tpu.memref_slice %arg7[%dma_wait3A_639, %dma_wait3A_646] : memref<8x80xi32, #tpu.memory_space<vmem>> -> memref<1x80xi32, #tpu.memory_space<vmem>>
      %dma_wait3A_648 = tpu.memref_squeeze %dma_wait3A_647 : memref<1x80xi32, #tpu.memory_space<vmem>> -> memref<80xi32, #tpu.memory_space<vmem>>
      %dma_wait3A_649 = arith.constant 0 : i32
      %dma_wait3A_650 = tpu.memref_slice %arg3[%add3A, %add3A_625, %dma_wait3A_649] : memref<32x128x80xi32, #tpu.memory_space<hbm>> -> memref<1x1x80xi32, #tpu.memory_space<hbm>>
      %dma_wait3A_651 = tpu.memref_squeeze %dma_wait3A_650 : memref<1x1x80xi32, #tpu.memory_space<hbm>> -> memref<80xi32, #tpu.memory_space<hbm>>
      tpu.wait_dma2 semaphore(%arg15 : memref<!tpu.dma_semaphore, #tpu.memory_space<semaphore_mem>>) src(%dma_wait3A_651 : memref<80xi32, #tpu.memory_space<hbm>>) dst(%dma_wait3A_648 : memref<80xi32, #tpu.memory_space<vmem>>)
      %dma_start3A_652 = arith.constant 5 : i32
      %dma_start3A_653 = arith.constant 1 : i32
      %dma_start3A_654 = arith.constant 0 : i32
      %dma_start3A_655 = arith.constant 0 : i32
      %dma_start3A_656 = tpu.memref_slice %arg8[%dma_start3A_653, %dma_start3A_654, %dma_start3A_655] : memref<4x80x128xf32, #tpu.memory_space<vmem>> -> memref<1x80x128xf32, #tpu.memory_space<vmem>>
      %dma_start3A_657 = tpu.memref_squeeze %dma_start3A_656 : memref<1x80x128xf32, #tpu.memory_space<vmem>> -> memref<80x128xf32, #tpu.memory_space<vmem>>
      %dma_start3A_658 = arith.constant 0 : i32
      %dma_start3A_659 = tpu.memref_slice %arg6[%dma_start3A_652, %dma_start3A_658] : memref<8x80xi32, #tpu.memory_space<vmem>> -> memref<1x80xi32, #tpu.memory_space<vmem>>
      %dma_start3A_660 = tpu.memref_squeeze %dma_start3A_659 : memref<1x80xi32, #tpu.memory_space<vmem>> -> memref<80xi32, #tpu.memory_space<vmem>>
      %dma_start3A_661 = arith.constant 0 : i32
      %dma_start3A_662 = arith.constant 0 : i32
      %dma_start3A_663 = tpu.memref_slice %arg4[%dma_start3A_661, %dma_start3A_662] : memref<10000x128xf32, #tpu.memory_space<hbm>> -> memref<10000x128xf32, #tpu.memory_space<hbm>>
      tpu.enqueue_indirect_dma source(%dma_start3A_663 : memref<10000x128xf32, #tpu.memory_space<hbm>>) target(%dma_start3A_657 : memref<80x128xf32, #tpu.memory_space<vmem>>) offsets(%dma_start3A_660 : memref<80xi32, #tpu.memory_space<vmem>>) semaphore(%arg19 : memref<!tpu.dma_semaphore, #tpu.memory_space<semaphore_mem>>)
      %add3A_664 = arith.constant 6 : i32
      %add3A_665 = arith.addi %add3A_611, %add3A_664 : i32
      %lt3A_666 = arith.constant 128 : i32
      %lt3A_667 = arith.cmpi slt, %add3A_665, %lt3A_666 : i32
      %convert_element_type3A_668 = arith.extui %lt3A_667 : i1 to i32
      %cond3A_669 = arith.constant 0 : i32
      %cond3A_670 = arith.cmpi ne, %convert_element_type3A_668, %cond3A_669 : i32
      scf.if %cond3A_670 {
        %add3A_969 = arith.constant 6 : i32
        %add3A_970 = arith.addi %add3A_611, %add3A_969 : i32
        %dma_start3A_971 = arith.constant 1 : i32
        %dma_start3A_972 = arith.constant 0 : i32
        %dma_start3A_973 = tpu.memref_slice %arg6[%dma_start3A_971, %dma_start3A_972] : memref<8x80xi32, #tpu.memory_space<vmem>> -> memref<1x80xi32, #tpu.memory_space<vmem>>
        %dma_start3A_974 = tpu.memref_squeeze %dma_start3A_973 : memref<1x80xi32, #tpu.memory_space<vmem>> -> memref<80xi32, #tpu.memory_space<vmem>>
        %dma_start3A_975 = arith.constant 0 : i32
        %dma_start3A_976 = tpu.memref_slice %arg2[%add3A, %add3A_970, %dma_start3A_975] : memref<32x128x80xi32, #tpu.memory_space<hbm>> -> memref<1x1x80xi32, #tpu.memory_space<hbm>>
        %dma_start3A_977 = tpu.memref_squeeze %dma_start3A_976 : memref<1x1x80xi32, #tpu.memory_space<hbm>> -> memref<80xi32, #tpu.memory_space<hbm>>
        %dma_start3A_978 = arith.constant 0 : i32
        %dma_start3A_979 = tpu.memref_slice %arg6[%dma_start3A_971, %dma_start3A_978] : memref<8x80xi32, #tpu.memory_space<vmem>> -> memref<1x80xi32, #tpu.memory_space<vmem>>
        %dma_start3A_980 = tpu.memref_squeeze %dma_start3A_979 : memref<1x80xi32, #tpu.memory_space<vmem>> -> memref<80xi32, #tpu.memory_space<vmem>>
        %dma_start3A_981 = arith.constant 0 : i32
        %dma_start3A_982 = tpu.memref_slice %arg2[%add3A, %add3A_970, %dma_start3A_981] : memref<32x128x80xi32, #tpu.memory_space<hbm>> -> memref<1x1x80xi32, #tpu.memory_space<hbm>>
        %dma_start3A_983 = tpu.memref_squeeze %dma_start3A_982 : memref<1x1x80xi32, #tpu.memory_space<hbm>> -> memref<80xi32, #tpu.memory_space<hbm>>
        tpu.enqueue_dma source(%dma_start3A_983 : memref<80xi32, #tpu.memory_space<hbm>>) target(%dma_start3A_980 : memref<80xi32, #tpu.memory_space<vmem>>) target_semaphore(%arg11 : memref<!tpu.dma_semaphore, #tpu.memory_space<semaphore_mem>>)
        %dma_start3A_984 = arith.constant 1 : i32
        %dma_start3A_985 = arith.constant 0 : i32
        %dma_start3A_986 = tpu.memref_slice %arg7[%dma_start3A_984, %dma_start3A_985] : memref<8x80xi32, #tpu.memory_space<vmem>> -> memref<1x80xi32, #tpu.memory_space<vmem>>
        %dma_start3A_987 = tpu.memref_squeeze %dma_start3A_986 : memref<1x80xi32, #tpu.memory_space<vmem>> -> memref<80xi32, #tpu.memory_space<vmem>>
        %dma_start3A_988 = arith.constant 0 : i32
        %dma_start3A_989 = tpu.memref_slice %arg3[%add3A, %add3A_970, %dma_start3A_988] : memref<32x128x80xi32, #tpu.memory_space<hbm>> -> memref<1x1x80xi32, #tpu.memory_space<hbm>>
        %dma_start3A_990 = tpu.memref_squeeze %dma_start3A_989 : memref<1x1x80xi32, #tpu.memory_space<hbm>> -> memref<80xi32, #tpu.memory_space<hbm>>
        %dma_start3A_991 = arith.constant 0 : i32
        %dma_start3A_992 = tpu.memref_slice %arg7[%dma_start3A_984, %dma_start3A_991] : memref<8x80xi32, #tpu.memory_space<vmem>> -> memref<1x80xi32, #tpu.memory_space<vmem>>
        %dma_start3A_993 = tpu.memref_squeeze %dma_start3A_992 : memref<1x80xi32, #tpu.memory_space<vmem>> -> memref<80xi32, #tpu.memory_space<vmem>>
        %dma_start3A_994 = arith.constant 0 : i32
        %dma_start3A_995 = tpu.memref_slice %arg3[%add3A, %add3A_970, %dma_start3A_994] : memref<32x128x80xi32, #tpu.memory_space<hbm>> -> memref<1x1x80xi32, #tpu.memory_space<hbm>>
        %dma_start3A_996 = tpu.memref_squeeze %dma_start3A_995 : memref<1x1x80xi32, #tpu.memory_space<hbm>> -> memref<80xi32, #tpu.memory_space<hbm>>
        tpu.enqueue_dma source(%dma_start3A_996 : memref<80xi32, #tpu.memory_space<hbm>>) target(%dma_start3A_993 : memref<80xi32, #tpu.memory_space<vmem>>) target_semaphore(%arg11 : memref<!tpu.dma_semaphore, #tpu.memory_space<semaphore_mem>>)
      } else {
      }
      %dma_wait3A_671 = arith.constant 3 : i32
      %dma_wait3A_672 = arith.constant 3 : i32
      %dma_wait3A_673 = arith.constant 0 : i32
      %dma_wait3A_674 = arith.constant 0 : i32
      %dma_wait3A_675 = tpu.memref_slice %arg8[%dma_wait3A_672, %dma_wait3A_673, %dma_wait3A_674] : memref<4x80x128xf32, #tpu.memory_space<vmem>> -> memref<1x80x128xf32, #tpu.memory_space<vmem>>
      %dma_wait3A_676 = tpu.memref_squeeze %dma_wait3A_675 : memref<1x80x128xf32, #tpu.memory_space<vmem>> -> memref<80x128xf32, #tpu.memory_space<vmem>>
      %dma_wait3A_677 = arith.constant 0 : i32
      %dma_wait3A_678 = tpu.memref_slice %arg6[%dma_wait3A_671, %dma_wait3A_677] : memref<8x80xi32, #tpu.memory_space<vmem>> -> memref<1x80xi32, #tpu.memory_space<vmem>>
      %dma_wait3A_679 = tpu.memref_squeeze %dma_wait3A_678 : memref<1x80xi32, #tpu.memory_space<vmem>> -> memref<80xi32, #tpu.memory_space<vmem>>
      %dma_wait3A_680 = arith.constant 0 : i32
      %dma_wait3A_681 = arith.constant 0 : i32
      %dma_wait3A_682 = tpu.memref_slice %arg4[%dma_wait3A_680, %dma_wait3A_681] : memref<10000x128xf32, #tpu.memory_space<hbm>> -> memref<10000x128xf32, #tpu.memory_space<hbm>>
      tpu.wait_indirect_dma semaphore(%arg21 : memref<!tpu.dma_semaphore, #tpu.memory_space<semaphore_mem>>) src(%dma_wait3A_682 : memref<10000x128xf32, #tpu.memory_space<hbm>>) dst(%dma_wait3A_676 : memref<80x128xf32, #tpu.memory_space<vmem>>)
      %dma_start3A_683 = arith.constant 3 : i32
      %dma_start3A_684 = arith.constant 3 : i32
      %dma_start3A_685 = arith.constant 0 : i32
      %dma_start3A_686 = arith.constant 0 : i32
      %dma_start3A_687 = tpu.memref_slice %arg8[%dma_start3A_683, %dma_start3A_685, %dma_start3A_686] : memref<4x80x128xf32, #tpu.memory_space<vmem>> -> memref<1x80x128xf32, #tpu.memory_space<vmem>>
      %dma_start3A_688 = tpu.memref_squeeze %dma_start3A_687 : memref<1x80x128xf32, #tpu.memory_space<vmem>> -> memref<80x128xf32, #tpu.memory_space<vmem>>
      %dma_start3A_689 = arith.constant 0 : i32
      %dma_start3A_690 = tpu.memref_slice %arg7[%dma_start3A_684, %dma_start3A_689] : memref<8x80xi32, #tpu.memory_space<vmem>> -> memref<1x80xi32, #tpu.memory_space<vmem>>
      %dma_start3A_691 = tpu.memref_squeeze %dma_start3A_690 : memref<1x80xi32, #tpu.memory_space<vmem>> -> memref<80xi32, #tpu.memory_space<vmem>>
      %dma_start3A_692 = arith.constant 0 : i32
      %dma_start3A_693 = arith.constant 0 : i32
      %dma_start3A_694 = tpu.memref_slice %arg9[%dma_start3A_692, %dma_start3A_693] : memref<10240x128xf32, #tpu.memory_space<vmem_shared>> -> memref<10240x128xf32, #tpu.memory_space<vmem_shared>>
      tpu.enqueue_indirect_dma source(%dma_start3A_688 : memref<80x128xf32, #tpu.memory_space<vmem>>) target(%dma_start3A_694 : memref<10240x128xf32, #tpu.memory_space<vmem_shared>>) offsets(%dma_start3A_691 : memref<80xi32, #tpu.memory_space<vmem>>) semaphore(%arg25 : memref<!tpu.dma_semaphore, #tpu.memory_space<semaphore_mem>>) {add = true}
      %add3A_695 = arith.constant 4 : i32
      %add3A_696 = arith.addi %add3A_330, %add3A_695 : i32
      %dma_wait3A_697 = arith.constant 2 : i32
      %dma_wait3A_698 = arith.constant 2 : i32
      %dma_wait3A_699 = arith.constant 0 : i32
      %dma_wait3A_700 = arith.constant 0 : i32
      %dma_wait3A_701 = tpu.memref_slice %arg8[%dma_wait3A_697, %dma_wait3A_699, %dma_wait3A_700] : memref<4x80x128xf32, #tpu.memory_space<vmem>> -> memref<1x80x128xf32, #tpu.memory_space<vmem>>
      %dma_wait3A_702 = tpu.memref_squeeze %dma_wait3A_701 : memref<1x80x128xf32, #tpu.memory_space<vmem>> -> memref<80x128xf32, #tpu.memory_space<vmem>>
      %dma_wait3A_703 = arith.constant 0 : i32
      %dma_wait3A_704 = tpu.memref_slice %arg7[%dma_wait3A_698, %dma_wait3A_703] : memref<8x80xi32, #tpu.memory_space<vmem>> -> memref<1x80xi32, #tpu.memory_space<vmem>>
      %dma_wait3A_705 = tpu.memref_squeeze %dma_wait3A_704 : memref<1x80xi32, #tpu.memory_space<vmem>> -> memref<80xi32, #tpu.memory_space<vmem>>
      %dma_wait3A_706 = arith.constant 0 : i32
      %dma_wait3A_707 = arith.constant 0 : i32
      %dma_wait3A_708 = tpu.memref_slice %arg9[%dma_wait3A_706, %dma_wait3A_707] : memref<10240x128xf32, #tpu.memory_space<vmem_shared>> -> memref<10240x128xf32, #tpu.memory_space<vmem_shared>>
      tpu.wait_indirect_dma semaphore(%arg24 : memref<!tpu.dma_semaphore, #tpu.memory_space<semaphore_mem>>) src(%dma_wait3A_702 : memref<80x128xf32, #tpu.memory_space<vmem>>) dst(%dma_wait3A_708 : memref<10240x128xf32, #tpu.memory_space<vmem_shared>>)
      %add3A_709 = arith.constant 2 : i32
      %add3A_710 = arith.addi %add3A_696, %add3A_709 : i32
      %dma_wait3A_711 = arith.constant 6 : i32
      %dma_wait3A_712 = arith.constant 0 : i32
      %dma_wait3A_713 = tpu.memref_slice %arg6[%dma_wait3A_711, %dma_wait3A_712] : memref<8x80xi32, #tpu.memory_space<vmem>> -> memref<1x80xi32, #tpu.memory_space<vmem>>
      %dma_wait3A_714 = tpu.memref_squeeze %dma_wait3A_713 : memref<1x80xi32, #tpu.memory_space<vmem>> -> memref<80xi32, #tpu.memory_space<vmem>>
      %dma_wait3A_715 = arith.constant 0 : i32
      %dma_wait3A_716 = tpu.memref_slice %arg2[%add3A, %add3A_710, %dma_wait3A_715] : memref<32x128x80xi32, #tpu.memory_space<hbm>> -> memref<1x1x80xi32, #tpu.memory_space<hbm>>
      %dma_wait3A_717 = tpu.memref_squeeze %dma_wait3A_716 : memref<1x1x80xi32, #tpu.memory_space<hbm>> -> memref<80xi32, #tpu.memory_space<hbm>>
      %dma_wait3A_718 = arith.constant 0 : i32
      %dma_wait3A_719 = tpu.memref_slice %arg6[%dma_wait3A_711, %dma_wait3A_718] : memref<8x80xi32, #tpu.memory_space<vmem>> -> memref<1x80xi32, #tpu.memory_space<vmem>>
      %dma_wait3A_720 = tpu.memref_squeeze %dma_wait3A_719 : memref<1x80xi32, #tpu.memory_space<vmem>> -> memref<80xi32, #tpu.memory_space<vmem>>
      %dma_wait3A_721 = arith.constant 0 : i32
      %dma_wait3A_722 = tpu.memref_slice %arg2[%add3A, %add3A_710, %dma_wait3A_721] : memref<32x128x80xi32, #tpu.memory_space<hbm>> -> memref<1x1x80xi32, #tpu.memory_space<hbm>>
      %dma_wait3A_723 = tpu.memref_squeeze %dma_wait3A_722 : memref<1x1x80xi32, #tpu.memory_space<hbm>> -> memref<80xi32, #tpu.memory_space<hbm>>
      tpu.wait_dma2 semaphore(%arg16 : memref<!tpu.dma_semaphore, #tpu.memory_space<semaphore_mem>>) src(%dma_wait3A_723 : memref<80xi32, #tpu.memory_space<hbm>>) dst(%dma_wait3A_720 : memref<80xi32, #tpu.memory_space<vmem>>)
      %dma_wait3A_724 = arith.constant 6 : i32
      %dma_wait3A_725 = arith.constant 0 : i32
      %dma_wait3A_726 = tpu.memref_slice %arg7[%dma_wait3A_724, %dma_wait3A_725] : memref<8x80xi32, #tpu.memory_space<vmem>> -> memref<1x80xi32, #tpu.memory_space<vmem>>
      %dma_wait3A_727 = tpu.memref_squeeze %dma_wait3A_726 : memref<1x80xi32, #tpu.memory_space<vmem>> -> memref<80xi32, #tpu.memory_space<vmem>>
      %dma_wait3A_728 = arith.constant 0 : i32
      %dma_wait3A_729 = tpu.memref_slice %arg3[%add3A, %add3A_710, %dma_wait3A_728] : memref<32x128x80xi32, #tpu.memory_space<hbm>> -> memref<1x1x80xi32, #tpu.memory_space<hbm>>
      %dma_wait3A_730 = tpu.memref_squeeze %dma_wait3A_729 : memref<1x1x80xi32, #tpu.memory_space<hbm>> -> memref<80xi32, #tpu.memory_space<hbm>>
      %dma_wait3A_731 = arith.constant 0 : i32
      %dma_wait3A_732 = tpu.memref_slice %arg7[%dma_wait3A_724, %dma_wait3A_731] : memref<8x80xi32, #tpu.memory_space<vmem>> -> memref<1x80xi32, #tpu.memory_space<vmem>>
      %dma_wait3A_733 = tpu.memref_squeeze %dma_wait3A_732 : memref<1x80xi32, #tpu.memory_space<vmem>> -> memref<80xi32, #tpu.memory_space<vmem>>
      %dma_wait3A_734 = arith.constant 0 : i32
      %dma_wait3A_735 = tpu.memref_slice %arg3[%add3A, %add3A_710, %dma_wait3A_734] : memref<32x128x80xi32, #tpu.memory_space<hbm>> -> memref<1x1x80xi32, #tpu.memory_space<hbm>>
      %dma_wait3A_736 = tpu.memref_squeeze %dma_wait3A_735 : memref<1x1x80xi32, #tpu.memory_space<hbm>> -> memref<80xi32, #tpu.memory_space<hbm>>
      tpu.wait_dma2 semaphore(%arg16 : memref<!tpu.dma_semaphore, #tpu.memory_space<semaphore_mem>>) src(%dma_wait3A_736 : memref<80xi32, #tpu.memory_space<hbm>>) dst(%dma_wait3A_733 : memref<80xi32, #tpu.memory_space<vmem>>)
      %dma_start3A_737 = arith.constant 6 : i32
      %dma_start3A_738 = arith.constant 2 : i32
      %dma_start3A_739 = arith.constant 0 : i32
      %dma_start3A_740 = arith.constant 0 : i32
      %dma_start3A_741 = tpu.memref_slice %arg8[%dma_start3A_738, %dma_start3A_739, %dma_start3A_740] : memref<4x80x128xf32, #tpu.memory_space<vmem>> -> memref<1x80x128xf32, #tpu.memory_space<vmem>>
      %dma_start3A_742 = tpu.memref_squeeze %dma_start3A_741 : memref<1x80x128xf32, #tpu.memory_space<vmem>> -> memref<80x128xf32, #tpu.memory_space<vmem>>
      %dma_start3A_743 = arith.constant 0 : i32
      %dma_start3A_744 = tpu.memref_slice %arg6[%dma_start3A_737, %dma_start3A_743] : memref<8x80xi32, #tpu.memory_space<vmem>> -> memref<1x80xi32, #tpu.memory_space<vmem>>
      %dma_start3A_745 = tpu.memref_squeeze %dma_start3A_744 : memref<1x80xi32, #tpu.memory_space<vmem>> -> memref<80xi32, #tpu.memory_space<vmem>>
      %dma_start3A_746 = arith.constant 0 : i32
      %dma_start3A_747 = arith.constant 0 : i32
      %dma_start3A_748 = tpu.memref_slice %arg4[%dma_start3A_746, %dma_start3A_747] : memref<10000x128xf32, #tpu.memory_space<hbm>> -> memref<10000x128xf32, #tpu.memory_space<hbm>>
      tpu.enqueue_indirect_dma source(%dma_start3A_748 : memref<10000x128xf32, #tpu.memory_space<hbm>>) target(%dma_start3A_742 : memref<80x128xf32, #tpu.memory_space<vmem>>) offsets(%dma_start3A_745 : memref<80xi32, #tpu.memory_space<vmem>>) semaphore(%arg20 : memref<!tpu.dma_semaphore, #tpu.memory_space<semaphore_mem>>)
      %add3A_749 = arith.constant 6 : i32
      %add3A_750 = arith.addi %add3A_696, %add3A_749 : i32
      %lt3A_751 = arith.constant 128 : i32
      %lt3A_752 = arith.cmpi slt, %add3A_750, %lt3A_751 : i32
      %convert_element_type3A_753 = arith.extui %lt3A_752 : i1 to i32
      %cond3A_754 = arith.constant 0 : i32
      %cond3A_755 = arith.cmpi ne, %convert_element_type3A_753, %cond3A_754 : i32
      scf.if %cond3A_755 {
        %add3A_969 = arith.constant 6 : i32
        %add3A_970 = arith.addi %add3A_696, %add3A_969 : i32
        %dma_start3A_971 = arith.constant 2 : i32
        %dma_start3A_972 = arith.constant 0 : i32
        %dma_start3A_973 = tpu.memref_slice %arg6[%dma_start3A_971, %dma_start3A_972] : memref<8x80xi32, #tpu.memory_space<vmem>> -> memref<1x80xi32, #tpu.memory_space<vmem>>
        %dma_start3A_974 = tpu.memref_squeeze %dma_start3A_973 : memref<1x80xi32, #tpu.memory_space<vmem>> -> memref<80xi32, #tpu.memory_space<vmem>>
        %dma_start3A_975 = arith.constant 0 : i32
        %dma_start3A_976 = tpu.memref_slice %arg2[%add3A, %add3A_970, %dma_start3A_975] : memref<32x128x80xi32, #tpu.memory_space<hbm>> -> memref<1x1x80xi32, #tpu.memory_space<hbm>>
        %dma_start3A_977 = tpu.memref_squeeze %dma_start3A_976 : memref<1x1x80xi32, #tpu.memory_space<hbm>> -> memref<80xi32, #tpu.memory_space<hbm>>
        %dma_start3A_978 = arith.constant 0 : i32
        %dma_start3A_979 = tpu.memref_slice %arg6[%dma_start3A_971, %dma_start3A_978] : memref<8x80xi32, #tpu.memory_space<vmem>> -> memref<1x80xi32, #tpu.memory_space<vmem>>
        %dma_start3A_980 = tpu.memref_squeeze %dma_start3A_979 : memref<1x80xi32, #tpu.memory_space<vmem>> -> memref<80xi32, #tpu.memory_space<vmem>>
        %dma_start3A_981 = arith.constant 0 : i32
        %dma_start3A_982 = tpu.memref_slice %arg2[%add3A, %add3A_970, %dma_start3A_981] : memref<32x128x80xi32, #tpu.memory_space<hbm>> -> memref<1x1x80xi32, #tpu.memory_space<hbm>>
        %dma_start3A_983 = tpu.memref_squeeze %dma_start3A_982 : memref<1x1x80xi32, #tpu.memory_space<hbm>> -> memref<80xi32, #tpu.memory_space<hbm>>
        tpu.enqueue_dma source(%dma_start3A_983 : memref<80xi32, #tpu.memory_space<hbm>>) target(%dma_start3A_980 : memref<80xi32, #tpu.memory_space<vmem>>) target_semaphore(%arg12 : memref<!tpu.dma_semaphore, #tpu.memory_space<semaphore_mem>>)
        %dma_start3A_984 = arith.constant 2 : i32
        %dma_start3A_985 = arith.constant 0 : i32
        %dma_start3A_986 = tpu.memref_slice %arg7[%dma_start3A_984, %dma_start3A_985] : memref<8x80xi32, #tpu.memory_space<vmem>> -> memref<1x80xi32, #tpu.memory_space<vmem>>
        %dma_start3A_987 = tpu.memref_squeeze %dma_start3A_986 : memref<1x80xi32, #tpu.memory_space<vmem>> -> memref<80xi32, #tpu.memory_space<vmem>>
        %dma_start3A_988 = arith.constant 0 : i32
        %dma_start3A_989 = tpu.memref_slice %arg3[%add3A, %add3A_970, %dma_start3A_988] : memref<32x128x80xi32, #tpu.memory_space<hbm>> -> memref<1x1x80xi32, #tpu.memory_space<hbm>>
        %dma_start3A_990 = tpu.memref_squeeze %dma_start3A_989 : memref<1x1x80xi32, #tpu.memory_space<hbm>> -> memref<80xi32, #tpu.memory_space<hbm>>
        %dma_start3A_991 = arith.constant 0 : i32
        %dma_start3A_992 = tpu.memref_slice %arg7[%dma_start3A_984, %dma_start3A_991] : memref<8x80xi32, #tpu.memory_space<vmem>> -> memref<1x80xi32, #tpu.memory_space<vmem>>
        %dma_start3A_993 = tpu.memref_squeeze %dma_start3A_992 : memref<1x80xi32, #tpu.memory_space<vmem>> -> memref<80xi32, #tpu.memory_space<vmem>>
        %dma_start3A_994 = arith.constant 0 : i32
        %dma_start3A_995 = tpu.memref_slice %arg3[%add3A, %add3A_970, %dma_start3A_994] : memref<32x128x80xi32, #tpu.memory_space<hbm>> -> memref<1x1x80xi32, #tpu.memory_space<hbm>>
        %dma_start3A_996 = tpu.memref_squeeze %dma_start3A_995 : memref<1x1x80xi32, #tpu.memory_space<hbm>> -> memref<80xi32, #tpu.memory_space<hbm>>
        tpu.enqueue_dma source(%dma_start3A_996 : memref<80xi32, #tpu.memory_space<hbm>>) target(%dma_start3A_993 : memref<80xi32, #tpu.memory_space<vmem>>) target_semaphore(%arg12 : memref<!tpu.dma_semaphore, #tpu.memory_space<semaphore_mem>>)
      } else {
      }
      %dma_wait3A_756 = arith.constant 4 : i32
      %dma_wait3A_757 = arith.constant 0 : i32
      %dma_wait3A_758 = arith.constant 0 : i32
      %dma_wait3A_759 = arith.constant 0 : i32
      %dma_wait3A_760 = tpu.memref_slice %arg8[%dma_wait3A_757, %dma_wait3A_758, %dma_wait3A_759] : memref<4x80x128xf32, #tpu.memory_space<vmem>> -> memref<1x80x128xf32, #tpu.memory_space<vmem>>
      %dma_wait3A_761 = tpu.memref_squeeze %dma_wait3A_760 : memref<1x80x128xf32, #tpu.memory_space<vmem>> -> memref<80x128xf32, #tpu.memory_space<vmem>>
      %dma_wait3A_762 = arith.constant 0 : i32
      %dma_wait3A_763 = tpu.memref_slice %arg6[%dma_wait3A_756, %dma_wait3A_762] : memref<8x80xi32, #tpu.memory_space<vmem>> -> memref<1x80xi32, #tpu.memory_space<vmem>>
      %dma_wait3A_764 = tpu.memref_squeeze %dma_wait3A_763 : memref<1x80xi32, #tpu.memory_space<vmem>> -> memref<80xi32, #tpu.memory_space<vmem>>
      %dma_wait3A_765 = arith.constant 0 : i32
      %dma_wait3A_766 = arith.constant 0 : i32
      %dma_wait3A_767 = tpu.memref_slice %arg4[%dma_wait3A_765, %dma_wait3A_766] : memref<10000x128xf32, #tpu.memory_space<hbm>> -> memref<10000x128xf32, #tpu.memory_space<hbm>>
      tpu.wait_indirect_dma semaphore(%arg18 : memref<!tpu.dma_semaphore, #tpu.memory_space<semaphore_mem>>) src(%dma_wait3A_767 : memref<10000x128xf32, #tpu.memory_space<hbm>>) dst(%dma_wait3A_761 : memref<80x128xf32, #tpu.memory_space<vmem>>)
      %dma_start3A_768 = arith.constant 0 : i32
      %dma_start3A_769 = arith.constant 4 : i32
      %dma_start3A_770 = arith.constant 0 : i32
      %dma_start3A_771 = arith.constant 0 : i32
      %dma_start3A_772 = tpu.memref_slice %arg8[%dma_start3A_768, %dma_start3A_770, %dma_start3A_771] : memref<4x80x128xf32, #tpu.memory_space<vmem>> -> memref<1x80x128xf32, #tpu.memory_space<vmem>>
      %dma_start3A_773 = tpu.memref_squeeze %dma_start3A_772 : memref<1x80x128xf32, #tpu.memory_space<vmem>> -> memref<80x128xf32, #tpu.memory_space<vmem>>
      %dma_start3A_774 = arith.constant 0 : i32
      %dma_start3A_775 = tpu.memref_slice %arg7[%dma_start3A_769, %dma_start3A_774] : memref<8x80xi32, #tpu.memory_space<vmem>> -> memref<1x80xi32, #tpu.memory_space<vmem>>
      %dma_start3A_776 = tpu.memref_squeeze %dma_start3A_775 : memref<1x80xi32, #tpu.memory_space<vmem>> -> memref<80xi32, #tpu.memory_space<vmem>>
      %dma_start3A_777 = arith.constant 0 : i32
      %dma_start3A_778 = arith.constant 0 : i32
      %dma_start3A_779 = tpu.memref_slice %arg9[%dma_start3A_777, %dma_start3A_778] : memref<10240x128xf32, #tpu.memory_space<vmem_shared>> -> memref<10240x128xf32, #tpu.memory_space<vmem_shared>>
      tpu.enqueue_indirect_dma source(%dma_start3A_773 : memref<80x128xf32, #tpu.memory_space<vmem>>) target(%dma_start3A_779 : memref<10240x128xf32, #tpu.memory_space<vmem_shared>>) offsets(%dma_start3A_776 : memref<80xi32, #tpu.memory_space<vmem>>) semaphore(%arg22 : memref<!tpu.dma_semaphore, #tpu.memory_space<semaphore_mem>>) {add = true}
      %add3A_780 = arith.constant 5 : i32
      %add3A_781 = arith.addi %add3A_330, %add3A_780 : i32
      %dma_wait3A_782 = arith.constant 3 : i32
      %dma_wait3A_783 = arith.constant 3 : i32
      %dma_wait3A_784 = arith.constant 0 : i32
      %dma_wait3A_785 = arith.constant 0 : i32
      %dma_wait3A_786 = tpu.memref_slice %arg8[%dma_wait3A_782, %dma_wait3A_784, %dma_wait3A_785] : memref<4x80x128xf32, #tpu.memory_space<vmem>> -> memref<1x80x128xf32, #tpu.memory_space<vmem>>
      %dma_wait3A_787 = tpu.memref_squeeze %dma_wait3A_786 : memref<1x80x128xf32, #tpu.memory_space<vmem>> -> memref<80x128xf32, #tpu.memory_space<vmem>>
      %dma_wait3A_788 = arith.constant 0 : i32
      %dma_wait3A_789 = tpu.memref_slice %arg7[%dma_wait3A_783, %dma_wait3A_788] : memref<8x80xi32, #tpu.memory_space<vmem>> -> memref<1x80xi32, #tpu.memory_space<vmem>>
      %dma_wait3A_790 = tpu.memref_squeeze %dma_wait3A_789 : memref<1x80xi32, #tpu.memory_space<vmem>> -> memref<80xi32, #tpu.memory_space<vmem>>
      %dma_wait3A_791 = arith.constant 0 : i32
      %dma_wait3A_792 = arith.constant 0 : i32
      %dma_wait3A_793 = tpu.memref_slice %arg9[%dma_wait3A_791, %dma_wait3A_792] : memref<10240x128xf32, #tpu.memory_space<vmem_shared>> -> memref<10240x128xf32, #tpu.memory_space<vmem_shared>>
      tpu.wait_indirect_dma semaphore(%arg25 : memref<!tpu.dma_semaphore, #tpu.memory_space<semaphore_mem>>) src(%dma_wait3A_787 : memref<80x128xf32, #tpu.memory_space<vmem>>) dst(%dma_wait3A_793 : memref<10240x128xf32, #tpu.memory_space<vmem_shared>>)
      %add3A_794 = arith.constant 2 : i32
      %add3A_795 = arith.addi %add3A_781, %add3A_794 : i32
      %dma_wait3A_796 = arith.constant 7 : i32
      %dma_wait3A_797 = arith.constant 0 : i32
      %dma_wait3A_798 = tpu.memref_slice %arg6[%dma_wait3A_796, %dma_wait3A_797] : memref<8x80xi32, #tpu.memory_space<vmem>> -> memref<1x80xi32, #tpu.memory_space<vmem>>
      %dma_wait3A_799 = tpu.memref_squeeze %dma_wait3A_798 : memref<1x80xi32, #tpu.memory_space<vmem>> -> memref<80xi32, #tpu.memory_space<vmem>>
      %dma_wait3A_800 = arith.constant 0 : i32
      %dma_wait3A_801 = tpu.memref_slice %arg2[%add3A, %add3A_795, %dma_wait3A_800] : memref<32x128x80xi32, #tpu.memory_space<hbm>> -> memref<1x1x80xi32, #tpu.memory_space<hbm>>
      %dma_wait3A_802 = tpu.memref_squeeze %dma_wait3A_801 : memref<1x1x80xi32, #tpu.memory_space<hbm>> -> memref<80xi32, #tpu.memory_space<hbm>>
      %dma_wait3A_803 = arith.constant 0 : i32
      %dma_wait3A_804 = tpu.memref_slice %arg6[%dma_wait3A_796, %dma_wait3A_803] : memref<8x80xi32, #tpu.memory_space<vmem>> -> memref<1x80xi32, #tpu.memory_space<vmem>>
      %dma_wait3A_805 = tpu.memref_squeeze %dma_wait3A_804 : memref<1x80xi32, #tpu.memory_space<vmem>> -> memref<80xi32, #tpu.memory_space<vmem>>
      %dma_wait3A_806 = arith.constant 0 : i32
      %dma_wait3A_807 = tpu.memref_slice %arg2[%add3A, %add3A_795, %dma_wait3A_806] : memref<32x128x80xi32, #tpu.memory_space<hbm>> -> memref<1x1x80xi32, #tpu.memory_space<hbm>>
      %dma_wait3A_808 = tpu.memref_squeeze %dma_wait3A_807 : memref<1x1x80xi32, #tpu.memory_space<hbm>> -> memref<80xi32, #tpu.memory_space<hbm>>
      tpu.wait_dma2 semaphore(%arg17 : memref<!tpu.dma_semaphore, #tpu.memory_space<semaphore_mem>>) src(%dma_wait3A_808 : memref<80xi32, #tpu.memory_space<hbm>>) dst(%dma_wait3A_805 : memref<80xi32, #tpu.memory_space<vmem>>)
      %dma_wait3A_809 = arith.constant 7 : i32
      %dma_wait3A_810 = arith.constant 0 : i32
      %dma_wait3A_811 = tpu.memref_slice %arg7[%dma_wait3A_809, %dma_wait3A_810] : memref<8x80xi32, #tpu.memory_space<vmem>> -> memref<1x80xi32, #tpu.memory_space<vmem>>
      %dma_wait3A_812 = tpu.memref_squeeze %dma_wait3A_811 : memref<1x80xi32, #tpu.memory_space<vmem>> -> memref<80xi32, #tpu.memory_space<vmem>>
      %dma_wait3A_813 = arith.constant 0 : i32
      %dma_wait3A_814 = tpu.memref_slice %arg3[%add3A, %add3A_795, %dma_wait3A_813] : memref<32x128x80xi32, #tpu.memory_space<hbm>> -> memref<1x1x80xi32, #tpu.memory_space<hbm>>
      %dma_wait3A_815 = tpu.memref_squeeze %dma_wait3A_814 : memref<1x1x80xi32, #tpu.memory_space<hbm>> -> memref<80xi32, #tpu.memory_space<hbm>>
      %dma_wait3A_816 = arith.constant 0 : i32
      %dma_wait3A_817 = tpu.memref_slice %arg7[%dma_wait3A_809, %dma_wait3A_816] : memref<8x80xi32, #tpu.memory_space<vmem>> -> memref<1x80xi32, #tpu.memory_space<vmem>>
      %dma_wait3A_818 = tpu.memref_squeeze %dma_wait3A_817 : memref<1x80xi32, #tpu.memory_space<vmem>> -> memref<80xi32, #tpu.memory_space<vmem>>
      %dma_wait3A_819 = arith.constant 0 : i32
      %dma_wait3A_820 = tpu.memref_slice %arg3[%add3A, %add3A_795, %dma_wait3A_819] : memref<32x128x80xi32, #tpu.memory_space<hbm>> -> memref<1x1x80xi32, #tpu.memory_space<hbm>>
      %dma_wait3A_821 = tpu.memref_squeeze %dma_wait3A_820 : memref<1x1x80xi32, #tpu.memory_space<hbm>> -> memref<80xi32, #tpu.memory_space<hbm>>
      tpu.wait_dma2 semaphore(%arg17 : memref<!tpu.dma_semaphore, #tpu.memory_space<semaphore_mem>>) src(%dma_wait3A_821 : memref<80xi32, #tpu.memory_space<hbm>>) dst(%dma_wait3A_818 : memref<80xi32, #tpu.memory_space<vmem>>)
      %dma_start3A_822 = arith.constant 7 : i32
      %dma_start3A_823 = arith.constant 3 : i32
      %dma_start3A_824 = arith.constant 0 : i32
      %dma_start3A_825 = arith.constant 0 : i32
      %dma_start3A_826 = tpu.memref_slice %arg8[%dma_start3A_823, %dma_start3A_824, %dma_start3A_825] : memref<4x80x128xf32, #tpu.memory_space<vmem>> -> memref<1x80x128xf32, #tpu.memory_space<vmem>>
      %dma_start3A_827 = tpu.memref_squeeze %dma_start3A_826 : memref<1x80x128xf32, #tpu.memory_space<vmem>> -> memref<80x128xf32, #tpu.memory_space<vmem>>
      %dma_start3A_828 = arith.constant 0 : i32
      %dma_start3A_829 = tpu.memref_slice %arg6[%dma_start3A_822, %dma_start3A_828] : memref<8x80xi32, #tpu.memory_space<vmem>> -> memref<1x80xi32, #tpu.memory_space<vmem>>
      %dma_start3A_830 = tpu.memref_squeeze %dma_start3A_829 : memref<1x80xi32, #tpu.memory_space<vmem>> -> memref<80xi32, #tpu.memory_space<vmem>>
      %dma_start3A_831 = arith.constant 0 : i32
      %dma_start3A_832 = arith.constant 0 : i32
      %dma_start3A_833 = tpu.memref_slice %arg4[%dma_start3A_831, %dma_start3A_832] : memref<10000x128xf32, #tpu.memory_space<hbm>> -> memref<10000x128xf32, #tpu.memory_space<hbm>>
      tpu.enqueue_indirect_dma source(%dma_start3A_833 : memref<10000x128xf32, #tpu.memory_space<hbm>>) target(%dma_start3A_827 : memref<80x128xf32, #tpu.memory_space<vmem>>) offsets(%dma_start3A_830 : memref<80xi32, #tpu.memory_space<vmem>>) semaphore(%arg21 : memref<!tpu.dma_semaphore, #tpu.memory_space<semaphore_mem>>)
      %add3A_834 = arith.constant 6 : i32
      %add3A_835 = arith.addi %add3A_781, %add3A_834 : i32
      %lt3A_836 = arith.constant 128 : i32
      %lt3A_837 = arith.cmpi slt, %add3A_835, %lt3A_836 : i32
      %convert_element_type3A_838 = arith.extui %lt3A_837 : i1 to i32
      %cond3A_839 = arith.constant 0 : i32
      %cond3A_840 = arith.cmpi ne, %convert_element_type3A_838, %cond3A_839 : i32
      scf.if %cond3A_840 {
        %add3A_969 = arith.constant 6 : i32
        %add3A_970 = arith.addi %add3A_781, %add3A_969 : i32
        %dma_start3A_971 = arith.constant 3 : i32
        %dma_start3A_972 = arith.constant 0 : i32
        %dma_start3A_973 = tpu.memref_slice %arg6[%dma_start3A_971, %dma_start3A_972] : memref<8x80xi32, #tpu.memory_space<vmem>> -> memref<1x80xi32, #tpu.memory_space<vmem>>
        %dma_start3A_974 = tpu.memref_squeeze %dma_start3A_973 : memref<1x80xi32, #tpu.memory_space<vmem>> -> memref<80xi32, #tpu.memory_space<vmem>>
        %dma_start3A_975 = arith.constant 0 : i32
        %dma_start3A_976 = tpu.memref_slice %arg2[%add3A, %add3A_970, %dma_start3A_975] : memref<32x128x80xi32, #tpu.memory_space<hbm>> -> memref<1x1x80xi32, #tpu.memory_space<hbm>>
        %dma_start3A_977 = tpu.memref_squeeze %dma_start3A_976 : memref<1x1x80xi32, #tpu.memory_space<hbm>> -> memref<80xi32, #tpu.memory_space<hbm>>
        %dma_start3A_978 = arith.constant 0 : i32
        %dma_start3A_979 = tpu.memref_slice %arg6[%dma_start3A_971, %dma_start3A_978] : memref<8x80xi32, #tpu.memory_space<vmem>> -> memref<1x80xi32, #tpu.memory_space<vmem>>
        %dma_start3A_980 = tpu.memref_squeeze %dma_start3A_979 : memref<1x80xi32, #tpu.memory_space<vmem>> -> memref<80xi32, #tpu.memory_space<vmem>>
        %dma_start3A_981 = arith.constant 0 : i32
        %dma_start3A_982 = tpu.memref_slice %arg2[%add3A, %add3A_970, %dma_start3A_981] : memref<32x128x80xi32, #tpu.memory_space<hbm>> -> memref<1x1x80xi32, #tpu.memory_space<hbm>>
        %dma_start3A_983 = tpu.memref_squeeze %dma_start3A_982 : memref<1x1x80xi32, #tpu.memory_space<hbm>> -> memref<80xi32, #tpu.memory_space<hbm>>
        tpu.enqueue_dma source(%dma_start3A_983 : memref<80xi32, #tpu.memory_space<hbm>>) target(%dma_start3A_980 : memref<80xi32, #tpu.memory_space<vmem>>) target_semaphore(%arg13 : memref<!tpu.dma_semaphore, #tpu.memory_space<semaphore_mem>>)
        %dma_start3A_984 = arith.constant 3 : i32
        %dma_start3A_985 = arith.constant 0 : i32
        %dma_start3A_986 = tpu.memref_slice %arg7[%dma_start3A_984, %dma_start3A_985] : memref<8x80xi32, #tpu.memory_space<vmem>> -> memref<1x80xi32, #tpu.memory_space<vmem>>
        %dma_start3A_987 = tpu.memref_squeeze %dma_start3A_986 : memref<1x80xi32, #tpu.memory_space<vmem>> -> memref<80xi32, #tpu.memory_space<vmem>>
        %dma_start3A_988 = arith.constant 0 : i32
        %dma_start3A_989 = tpu.memref_slice %arg3[%add3A, %add3A_970, %dma_start3A_988] : memref<32x128x80xi32, #tpu.memory_space<hbm>> -> memref<1x1x80xi32, #tpu.memory_space<hbm>>
        %dma_start3A_990 = tpu.memref_squeeze %dma_start3A_989 : memref<1x1x80xi32, #tpu.memory_space<hbm>> -> memref<80xi32, #tpu.memory_space<hbm>>
        %dma_start3A_991 = arith.constant 0 : i32
        %dma_start3A_992 = tpu.memref_slice %arg7[%dma_start3A_984, %dma_start3A_991] : memref<8x80xi32, #tpu.memory_space<vmem>> -> memref<1x80xi32, #tpu.memory_space<vmem>>
        %dma_start3A_993 = tpu.memref_squeeze %dma_start3A_992 : memref<1x80xi32, #tpu.memory_space<vmem>> -> memref<80xi32, #tpu.memory_space<vmem>>
        %dma_start3A_994 = arith.constant 0 : i32
        %dma_start3A_995 = tpu.memref_slice %arg3[%add3A, %add3A_970, %dma_start3A_994] : memref<32x128x80xi32, #tpu.memory_space<hbm>> -> memref<1x1x80xi32, #tpu.memory_space<hbm>>
        %dma_start3A_996 = tpu.memref_squeeze %dma_start3A_995 : memref<1x1x80xi32, #tpu.memory_space<hbm>> -> memref<80xi32, #tpu.memory_space<hbm>>
        tpu.enqueue_dma source(%dma_start3A_996 : memref<80xi32, #tpu.memory_space<hbm>>) target(%dma_start3A_993 : memref<80xi32, #tpu.memory_space<vmem>>) target_semaphore(%arg13 : memref<!tpu.dma_semaphore, #tpu.memory_space<semaphore_mem>>)
      } else {
      }
      %dma_wait3A_841 = arith.constant 5 : i32
      %dma_wait3A_842 = arith.constant 1 : i32
      %dma_wait3A_843 = arith.constant 0 : i32
      %dma_wait3A_844 = arith.constant 0 : i32
      %dma_wait3A_845 = tpu.memref_slice %arg8[%dma_wait3A_842, %dma_wait3A_843, %dma_wait3A_844] : memref<4x80x128xf32, #tpu.memory_space<vmem>> -> memref<1x80x128xf32, #tpu.memory_space<vmem>>
      %dma_wait3A_846 = tpu.memref_squeeze %dma_wait3A_845 : memref<1x80x128xf32, #tpu.memory_space<vmem>> -> memref<80x128xf32, #tpu.memory_space<vmem>>
      %dma_wait3A_847 = arith.constant 0 : i32
      %dma_wait3A_848 = tpu.memref_slice %arg6[%dma_wait3A_841, %dma_wait3A_847] : memref<8x80xi32, #tpu.memory_space<vmem>> -> memref<1x80xi32, #tpu.memory_space<vmem>>
      %dma_wait3A_849 = tpu.memref_squeeze %dma_wait3A_848 : memref<1x80xi32, #tpu.memory_space<vmem>> -> memref<80xi32, #tpu.memory_space<vmem>>
      %dma_wait3A_850 = arith.constant 0 : i32
      %dma_wait3A_851 = arith.constant 0 : i32
      %dma_wait3A_852 = tpu.memref_slice %arg4[%dma_wait3A_850, %dma_wait3A_851] : memref<10000x128xf32, #tpu.memory_space<hbm>> -> memref<10000x128xf32, #tpu.memory_space<hbm>>
      tpu.wait_indirect_dma semaphore(%arg19 : memref<!tpu.dma_semaphore, #tpu.memory_space<semaphore_mem>>) src(%dma_wait3A_852 : memref<10000x128xf32, #tpu.memory_space<hbm>>) dst(%dma_wait3A_846 : memref<80x128xf32, #tpu.memory_space<vmem>>)
      %dma_start3A_853 = arith.constant 1 : i32
      %dma_start3A_854 = arith.constant 5 : i32
      %dma_start3A_855 = arith.constant 0 : i32
      %dma_start3A_856 = arith.constant 0 : i32
      %dma_start3A_857 = tpu.memref_slice %arg8[%dma_start3A_853, %dma_start3A_855, %dma_start3A_856] : memref<4x80x128xf32, #tpu.memory_space<vmem>> -> memref<1x80x128xf32, #tpu.memory_space<vmem>>
      %dma_start3A_858 = tpu.memref_squeeze %dma_start3A_857 : memref<1x80x128xf32, #tpu.memory_space<vmem>> -> memref<80x128xf32, #tpu.memory_space<vmem>>
      %dma_start3A_859 = arith.constant 0 : i32
      %dma_start3A_860 = tpu.memref_slice %arg7[%dma_start3A_854, %dma_start3A_859] : memref<8x80xi32, #tpu.memory_space<vmem>> -> memref<1x80xi32, #tpu.memory_space<vmem>>
      %dma_start3A_861 = tpu.memref_squeeze %dma_start3A_860 : memref<1x80xi32, #tpu.memory_space<vmem>> -> memref<80xi32, #tpu.memory_space<vmem>>
      %dma_start3A_862 = arith.constant 0 : i32
      %dma_start3A_863 = arith.constant 0 : i32
      %dma_start3A_864 = tpu.memref_slice %arg9[%dma_start3A_862, %dma_start3A_863] : memref<10240x128xf32, #tpu.memory_space<vmem_shared>> -> memref<10240x128xf32, #tpu.memory_space<vmem_shared>>
      tpu.enqueue_indirect_dma source(%dma_start3A_858 : memref<80x128xf32, #tpu.memory_space<vmem>>) target(%dma_start3A_864 : memref<10240x128xf32, #tpu.memory_space<vmem_shared>>) offsets(%dma_start3A_861 : memref<80xi32, #tpu.memory_space<vmem>>) semaphore(%arg23 : memref<!tpu.dma_semaphore, #tpu.memory_space<semaphore_mem>>) {add = true}
      %add3A_865 = arith.constant 6 : i32
      %add3A_866 = arith.addi %add3A_330, %add3A_865 : i32
      %dma_wait3A_867 = arith.constant 0 : i32
      %dma_wait3A_868 = arith.constant 4 : i32
      %dma_wait3A_869 = arith.constant 0 : i32
      %dma_wait3A_870 = arith.constant 0 : i32
      %dma_wait3A_871 = tpu.memref_slice %arg8[%dma_wait3A_867, %dma_wait3A_869, %dma_wait3A_870] : memref<4x80x128xf32, #tpu.memory_space<vmem>> -> memref<1x80x128xf32, #tpu.memory_space<vmem>>
      %dma_wait3A_872 = tpu.memref_squeeze %dma_wait3A_871 : memref<1x80x128xf32, #tpu.memory_space<vmem>> -> memref<80x128xf32, #tpu.memory_space<vmem>>
      %dma_wait3A_873 = arith.constant 0 : i32
      %dma_wait3A_874 = tpu.memref_slice %arg7[%dma_wait3A_868, %dma_wait3A_873] : memref<8x80xi32, #tpu.memory_space<vmem>> -> memref<1x80xi32, #tpu.memory_space<vmem>>
      %dma_wait3A_875 = tpu.memref_squeeze %dma_wait3A_874 : memref<1x80xi32, #tpu.memory_space<vmem>> -> memref<80xi32, #tpu.memory_space<vmem>>
      %dma_wait3A_876 = arith.constant 0 : i32
      %dma_wait3A_877 = arith.constant 0 : i32
      %dma_wait3A_878 = tpu.memref_slice %arg9[%dma_wait3A_876, %dma_wait3A_877] : memref<10240x128xf32, #tpu.memory_space<vmem_shared>> -> memref<10240x128xf32, #tpu.memory_space<vmem_shared>>
      tpu.wait_indirect_dma semaphore(%arg22 : memref<!tpu.dma_semaphore, #tpu.memory_space<semaphore_mem>>) src(%dma_wait3A_872 : memref<80x128xf32, #tpu.memory_space<vmem>>) dst(%dma_wait3A_878 : memref<10240x128xf32, #tpu.memory_space<vmem_shared>>)
      %add3A_879 = arith.constant 2 : i32
      %add3A_880 = arith.addi %add3A_866, %add3A_879 : i32
      %lt3A_881 = arith.constant 128 : i32
      %lt3A_882 = arith.cmpi slt, %add3A_880, %lt3A_881 : i32
      %convert_element_type3A_883 = arith.extui %lt3A_882 : i1 to i32
      %cond3A_884 = arith.constant 0 : i32
      %cond3A_885 = arith.cmpi ne, %convert_element_type3A_883, %cond3A_884 : i32
      scf.if %cond3A_885 {
        %add3A_969 = arith.constant 2 : i32
        %add3A_970 = arith.addi %add3A_866, %add3A_969 : i32
        %dma_wait3A_971 = arith.constant 0 : i32
        %dma_wait3A_972 = arith.constant 0 : i32
        %dma_wait3A_973 = tpu.memref_slice %arg6[%dma_wait3A_971, %dma_wait3A_972] : memref<8x80xi32, #tpu.memory_space<vmem>> -> memref<1x80xi32, #tpu.memory_space<vmem>>
        %dma_wait3A_974 = tpu.memref_squeeze %dma_wait3A_973 : memref<1x80xi32, #tpu.memory_space<vmem>> -> memref<80xi32, #tpu.memory_space<vmem>>
        %dma_wait3A_975 = arith.constant 0 : i32
        %dma_wait3A_976 = tpu.memref_slice %arg2[%add3A, %add3A_970, %dma_wait3A_975] : memref<32x128x80xi32, #tpu.memory_space<hbm>> -> memref<1x1x80xi32, #tpu.memory_space<hbm>>
        %dma_wait3A_977 = tpu.memref_squeeze %dma_wait3A_976 : memref<1x1x80xi32, #tpu.memory_space<hbm>> -> memref<80xi32, #tpu.memory_space<hbm>>
        %dma_wait3A_978 = arith.constant 0 : i32
        %dma_wait3A_979 = tpu.memref_slice %arg6[%dma_wait3A_971, %dma_wait3A_978] : memref<8x80xi32, #tpu.memory_space<vmem>> -> memref<1x80xi32, #tpu.memory_space<vmem>>
        %dma_wait3A_980 = tpu.memref_squeeze %dma_wait3A_979 : memref<1x80xi32, #tpu.memory_space<vmem>> -> memref<80xi32, #tpu.memory_space<vmem>>
        %dma_wait3A_981 = arith.constant 0 : i32
        %dma_wait3A_982 = tpu.memref_slice %arg2[%add3A, %add3A_970, %dma_wait3A_981] : memref<32x128x80xi32, #tpu.memory_space<hbm>> -> memref<1x1x80xi32, #tpu.memory_space<hbm>>
        %dma_wait3A_983 = tpu.memref_squeeze %dma_wait3A_982 : memref<1x1x80xi32, #tpu.memory_space<hbm>> -> memref<80xi32, #tpu.memory_space<hbm>>
        tpu.wait_dma2 semaphore(%arg10 : memref<!tpu.dma_semaphore, #tpu.memory_space<semaphore_mem>>) src(%dma_wait3A_983 : memref<80xi32, #tpu.memory_space<hbm>>) dst(%dma_wait3A_980 : memref<80xi32, #tpu.memory_space<vmem>>)
        %dma_wait3A_984 = arith.constant 0 : i32
        %dma_wait3A_985 = arith.constant 0 : i32
        %dma_wait3A_986 = tpu.memref_slice %arg7[%dma_wait3A_984, %dma_wait3A_985] : memref<8x80xi32, #tpu.memory_space<vmem>> -> memref<1x80xi32, #tpu.memory_space<vmem>>
        %dma_wait3A_987 = tpu.memref_squeeze %dma_wait3A_986 : memref<1x80xi32, #tpu.memory_space<vmem>> -> memref<80xi32, #tpu.memory_space<vmem>>
        %dma_wait3A_988 = arith.constant 0 : i32
        %dma_wait3A_989 = tpu.memref_slice %arg3[%add3A, %add3A_970, %dma_wait3A_988] : memref<32x128x80xi32, #tpu.memory_space<hbm>> -> memref<1x1x80xi32, #tpu.memory_space<hbm>>
        %dma_wait3A_990 = tpu.memref_squeeze %dma_wait3A_989 : memref<1x1x80xi32, #tpu.memory_space<hbm>> -> memref<80xi32, #tpu.memory_space<hbm>>
        %dma_wait3A_991 = arith.constant 0 : i32
        %dma_wait3A_992 = tpu.memref_slice %arg7[%dma_wait3A_984, %dma_wait3A_991] : memref<8x80xi32, #tpu.memory_space<vmem>> -> memref<1x80xi32, #tpu.memory_space<vmem>>
        %dma_wait3A_993 = tpu.memref_squeeze %dma_wait3A_992 : memref<1x80xi32, #tpu.memory_space<vmem>> -> memref<80xi32, #tpu.memory_space<vmem>>
        %dma_wait3A_994 = arith.constant 0 : i32
        %dma_wait3A_995 = tpu.memref_slice %arg3[%add3A, %add3A_970, %dma_wait3A_994] : memref<32x128x80xi32, #tpu.memory_space<hbm>> -> memref<1x1x80xi32, #tpu.memory_space<hbm>>
        %dma_wait3A_996 = tpu.memref_squeeze %dma_wait3A_995 : memref<1x1x80xi32, #tpu.memory_space<hbm>> -> memref<80xi32, #tpu.memory_space<hbm>>
        tpu.wait_dma2 semaphore(%arg10 : memref<!tpu.dma_semaphore, #tpu.memory_space<semaphore_mem>>) src(%dma_wait3A_996 : memref<80xi32, #tpu.memory_space<hbm>>) dst(%dma_wait3A_993 : memref<80xi32, #tpu.memory_space<vmem>>)
        %dma_start3A_997 = arith.constant 0 : i32
        %dma_start3A_998 = arith.constant 0 : i32
        %dma_start3A_999 = arith.constant 0 : i32
        %dma_start3A_1000 = arith.constant 0 : i32
        %dma_start3A_1001 = tpu.memref_slice %arg8[%dma_start3A_998, %dma_start3A_999, %dma_start3A_1000] : memref<4x80x128xf32, #tpu.memory_space<vmem>> -> memref<1x80x128xf32, #tpu.memory_space<vmem>>
        %dma_start3A_1002 = tpu.memref_squeeze %dma_start3A_1001 : memref<1x80x128xf32, #tpu.memory_space<vmem>> -> memref<80x128xf32, #tpu.memory_space<vmem>>
        %dma_start3A_1003 = arith.constant 0 : i32
        %dma_start3A_1004 = tpu.memref_slice %arg6[%dma_start3A_997, %dma_start3A_1003] : memref<8x80xi32, #tpu.memory_space<vmem>> -> memref<1x80xi32, #tpu.memory_space<vmem>>
        %dma_start3A_1005 = tpu.memref_squeeze %dma_start3A_1004 : memref<1x80xi32, #tpu.memory_space<vmem>> -> memref<80xi32, #tpu.memory_space<vmem>>
        %dma_start3A_1006 = arith.constant 0 : i32
        %dma_start3A_1007 = arith.constant 0 : i32
        %dma_start3A_1008 = tpu.memref_slice %arg4[%dma_start3A_1006, %dma_start3A_1007] : memref<10000x128xf32, #tpu.memory_space<hbm>> -> memref<10000x128xf32, #tpu.memory_space<hbm>>
        tpu.enqueue_indirect_dma source(%dma_start3A_1008 : memref<10000x128xf32, #tpu.memory_space<hbm>>) target(%dma_start3A_1002 : memref<80x128xf32, #tpu.memory_space<vmem>>) offsets(%dma_start3A_1005 : memref<80xi32, #tpu.memory_space<vmem>>) semaphore(%arg18 : memref<!tpu.dma_semaphore, #tpu.memory_space<semaphore_mem>>)
      } else {
      }
      %add3A_886 = arith.constant 6 : i32
      %add3A_887 = arith.addi %add3A_866, %add3A_886 : i32
      %lt3A_888 = arith.constant 128 : i32
      %lt3A_889 = arith.cmpi slt, %add3A_887, %lt3A_888 : i32
      %convert_element_type3A_890 = arith.extui %lt3A_889 : i1 to i32
      %cond3A_891 = arith.constant 0 : i32
      %cond3A_892 = arith.cmpi ne, %convert_element_type3A_890, %cond3A_891 : i32
      scf.if %cond3A_892 {
        %add3A_969 = arith.constant 6 : i32
        %add3A_970 = arith.addi %add3A_866, %add3A_969 : i32
        %dma_start3A_971 = arith.constant 4 : i32
        %dma_start3A_972 = arith.constant 0 : i32
        %dma_start3A_973 = tpu.memref_slice %arg6[%dma_start3A_971, %dma_start3A_972] : memref<8x80xi32, #tpu.memory_space<vmem>> -> memref<1x80xi32, #tpu.memory_space<vmem>>
        %dma_start3A_974 = tpu.memref_squeeze %dma_start3A_973 : memref<1x80xi32, #tpu.memory_space<vmem>> -> memref<80xi32, #tpu.memory_space<vmem>>
        %dma_start3A_975 = arith.constant 0 : i32
        %dma_start3A_976 = tpu.memref_slice %arg2[%add3A, %add3A_970, %dma_start3A_975] : memref<32x128x80xi32, #tpu.memory_space<hbm>> -> memref<1x1x80xi32, #tpu.memory_space<hbm>>
        %dma_start3A_977 = tpu.memref_squeeze %dma_start3A_976 : memref<1x1x80xi32, #tpu.memory_space<hbm>> -> memref<80xi32, #tpu.memory_space<hbm>>
        %dma_start3A_978 = arith.constant 0 : i32
        %dma_start3A_979 = tpu.memref_slice %arg6[%dma_start3A_971, %dma_start3A_978] : memref<8x80xi32, #tpu.memory_space<vmem>> -> memref<1x80xi32, #tpu.memory_space<vmem>>
        %dma_start3A_980 = tpu.memref_squeeze %dma_start3A_979 : memref<1x80xi32, #tpu.memory_space<vmem>> -> memref<80xi32, #tpu.memory_space<vmem>>
        %dma_start3A_981 = arith.constant 0 : i32
        %dma_start3A_982 = tpu.memref_slice %arg2[%add3A, %add3A_970, %dma_start3A_981] : memref<32x128x80xi32, #tpu.memory_space<hbm>> -> memref<1x1x80xi32, #tpu.memory_space<hbm>>
        %dma_start3A_983 = tpu.memref_squeeze %dma_start3A_982 : memref<1x1x80xi32, #tpu.memory_space<hbm>> -> memref<80xi32, #tpu.memory_space<hbm>>
        tpu.enqueue_dma source(%dma_start3A_983 : memref<80xi32, #tpu.memory_space<hbm>>) target(%dma_start3A_980 : memref<80xi32, #tpu.memory_space<vmem>>) target_semaphore(%arg14 : memref<!tpu.dma_semaphore, #tpu.memory_space<semaphore_mem>>)
        %dma_start3A_984 = arith.constant 4 : i32
        %dma_start3A_985 = arith.constant 0 : i32
        %dma_start3A_986 = tpu.memref_slice %arg7[%dma_start3A_984, %dma_start3A_985] : memref<8x80xi32, #tpu.memory_space<vmem>> -> memref<1x80xi32, #tpu.memory_space<vmem>>
        %dma_start3A_987 = tpu.memref_squeeze %dma_start3A_986 : memref<1x80xi32, #tpu.memory_space<vmem>> -> memref<80xi32, #tpu.memory_space<vmem>>
        %dma_start3A_988 = arith.constant 0 : i32
        %dma_start3A_989 = tpu.memref_slice %arg3[%add3A, %add3A_970, %dma_start3A_988] : memref<32x128x80xi32, #tpu.memory_space<hbm>> -> memref<1x1x80xi32, #tpu.memory_space<hbm>>
        %dma_start3A_990 = tpu.memref_squeeze %dma_start3A_989 : memref<1x1x80xi32, #tpu.memory_space<hbm>> -> memref<80xi32, #tpu.memory_space<hbm>>
        %dma_start3A_991 = arith.constant 0 : i32
        %dma_start3A_992 = tpu.memref_slice %arg7[%dma_start3A_984, %dma_start3A_991] : memref<8x80xi32, #tpu.memory_space<vmem>> -> memref<1x80xi32, #tpu.memory_space<vmem>>
        %dma_start3A_993 = tpu.memref_squeeze %dma_start3A_992 : memref<1x80xi32, #tpu.memory_space<vmem>> -> memref<80xi32, #tpu.memory_space<vmem>>
        %dma_start3A_994 = arith.constant 0 : i32
        %dma_start3A_995 = tpu.memref_slice %arg3[%add3A, %add3A_970, %dma_start3A_994] : memref<32x128x80xi32, #tpu.memory_space<hbm>> -> memref<1x1x80xi32, #tpu.memory_space<hbm>>
        %dma_start3A_996 = tpu.memref_squeeze %dma_start3A_995 : memref<1x1x80xi32, #tpu.memory_space<hbm>> -> memref<80xi32, #tpu.memory_space<hbm>>
        tpu.enqueue_dma source(%dma_start3A_996 : memref<80xi32, #tpu.memory_space<hbm>>) target(%dma_start3A_993 : memref<80xi32, #tpu.memory_space<vmem>>) target_semaphore(%arg14 : memref<!tpu.dma_semaphore, #tpu.memory_space<semaphore_mem>>)
      } else {
      }
      %dma_wait3A_893 = arith.constant 6 : i32
      %dma_wait3A_894 = arith.constant 2 : i32
      %dma_wait3A_895 = arith.constant 0 : i32
      %dma_wait3A_896 = arith.constant 0 : i32
      %dma_wait3A_897 = tpu.memref_slice %arg8[%dma_wait3A_894, %dma_wait3A_895, %dma_wait3A_896] : memref<4x80x128xf32, #tpu.memory_space<vmem>> -> memref<1x80x128xf32, #tpu.memory_space<vmem>>
      %dma_wait3A_898 = tpu.memref_squeeze %dma_wait3A_897 : memref<1x80x128xf32, #tpu.memory_space<vmem>> -> memref<80x128xf32, #tpu.memory_space<vmem>>
      %dma_wait3A_899 = arith.constant 0 : i32
      %dma_wait3A_900 = tpu.memref_slice %arg6[%dma_wait3A_893, %dma_wait3A_899] : memref<8x80xi32, #tpu.memory_space<vmem>> -> memref<1x80xi32, #tpu.memory_space<vmem>>
      %dma_wait3A_901 = tpu.memref_squeeze %dma_wait3A_900 : memref<1x80xi32, #tpu.memory_space<vmem>> -> memref<80xi32, #tpu.memory_space<vmem>>
      %dma_wait3A_902 = arith.constant 0 : i32
      %dma_wait3A_903 = arith.constant 0 : i32
      %dma_wait3A_904 = tpu.memref_slice %arg4[%dma_wait3A_902, %dma_wait3A_903] : memref<10000x128xf32, #tpu.memory_space<hbm>> -> memref<10000x128xf32, #tpu.memory_space<hbm>>
      tpu.wait_indirect_dma semaphore(%arg20 : memref<!tpu.dma_semaphore, #tpu.memory_space<semaphore_mem>>) src(%dma_wait3A_904 : memref<10000x128xf32, #tpu.memory_space<hbm>>) dst(%dma_wait3A_898 : memref<80x128xf32, #tpu.memory_space<vmem>>)
      %dma_start3A_905 = arith.constant 2 : i32
      %dma_start3A_906 = arith.constant 6 : i32
      %dma_start3A_907 = arith.constant 0 : i32
      %dma_start3A_908 = arith.constant 0 : i32
      %dma_start3A_909 = tpu.memref_slice %arg8[%dma_start3A_905, %dma_start3A_907, %dma_start3A_908] : memref<4x80x128xf32, #tpu.memory_space<vmem>> -> memref<1x80x128xf32, #tpu.memory_space<vmem>>
      %dma_start3A_910 = tpu.memref_squeeze %dma_start3A_909 : memref<1x80x128xf32, #tpu.memory_space<vmem>> -> memref<80x128xf32, #tpu.memory_space<vmem>>
      %dma_start3A_911 = arith.constant 0 : i32
      %dma_start3A_912 = tpu.memref_slice %arg7[%dma_start3A_906, %dma_start3A_911] : memref<8x80xi32, #tpu.memory_space<vmem>> -> memref<1x80xi32, #tpu.memory_space<vmem>>
      %dma_start3A_913 = tpu.memref_squeeze %dma_start3A_912 : memref<1x80xi32, #tpu.memory_space<vmem>> -> memref<80xi32, #tpu.memory_space<vmem>>
      %dma_start3A_914 = arith.constant 0 : i32
      %dma_start3A_915 = arith.constant 0 : i32
      %dma_start3A_916 = tpu.memref_slice %arg9[%dma_start3A_914, %dma_start3A_915] : memref<10240x128xf32, #tpu.memory_space<vmem_shared>> -> memref<10240x128xf32, #tpu.memory_space<vmem_shared>>
      tpu.enqueue_indirect_dma source(%dma_start3A_910 : memref<80x128xf32, #tpu.memory_space<vmem>>) target(%dma_start3A_916 : memref<10240x128xf32, #tpu.memory_space<vmem_shared>>) offsets(%dma_start3A_913 : memref<80xi32, #tpu.memory_space<vmem>>) semaphore(%arg24 : memref<!tpu.dma_semaphore, #tpu.memory_space<semaphore_mem>>) {add = true}
      %add3A_917 = arith.constant 7 : i32
      %add3A_918 = arith.addi %add3A_330, %add3A_917 : i32
      %dma_wait3A_919 = arith.constant 1 : i32
      %dma_wait3A_920 = arith.constant 5 : i32
      %dma_wait3A_921 = arith.constant 0 : i32
      %dma_wait3A_922 = arith.constant 0 : i32
      %dma_wait3A_923 = tpu.memref_slice %arg8[%dma_wait3A_919, %dma_wait3A_921, %dma_wait3A_922] : memref<4x80x128xf32, #tpu.memory_space<vmem>> -> memref<1x80x128xf32, #tpu.memory_space<vmem>>
      %dma_wait3A_924 = tpu.memref_squeeze %dma_wait3A_923 : memref<1x80x128xf32, #tpu.memory_space<vmem>> -> memref<80x128xf32, #tpu.memory_space<vmem>>
      %dma_wait3A_925 = arith.constant 0 : i32
      %dma_wait3A_926 = tpu.memref_slice %arg7[%dma_wait3A_920, %dma_wait3A_925] : memref<8x80xi32, #tpu.memory_space<vmem>> -> memref<1x80xi32, #tpu.memory_space<vmem>>
      %dma_wait3A_927 = tpu.memref_squeeze %dma_wait3A_926 : memref<1x80xi32, #tpu.memory_space<vmem>> -> memref<80xi32, #tpu.memory_space<vmem>>
      %dma_wait3A_928 = arith.constant 0 : i32
      %dma_wait3A_929 = arith.constant 0 : i32
      %dma_wait3A_930 = tpu.memref_slice %arg9[%dma_wait3A_928, %dma_wait3A_929] : memref<10240x128xf32, #tpu.memory_space<vmem_shared>> -> memref<10240x128xf32, #tpu.memory_space<vmem_shared>>
      tpu.wait_indirect_dma semaphore(%arg23 : memref<!tpu.dma_semaphore, #tpu.memory_space<semaphore_mem>>) src(%dma_wait3A_924 : memref<80x128xf32, #tpu.memory_space<vmem>>) dst(%dma_wait3A_930 : memref<10240x128xf32, #tpu.memory_space<vmem_shared>>)
      %add3A_931 = arith.constant 2 : i32
      %add3A_932 = arith.addi %add3A_918, %add3A_931 : i32
      %lt3A_933 = arith.constant 128 : i32
      %lt3A_934 = arith.cmpi slt, %add3A_932, %lt3A_933 : i32
      %convert_element_type3A_935 = arith.extui %lt3A_934 : i1 to i32
      %cond3A_936 = arith.constant 0 : i32
      %cond3A_937 = arith.cmpi ne, %convert_element_type3A_935, %cond3A_936 : i32
      scf.if %cond3A_937 {
        %add3A_969 = arith.constant 2 : i32
        %add3A_970 = arith.addi %add3A_918, %add3A_969 : i32
        %dma_wait3A_971 = arith.constant 1 : i32
        %dma_wait3A_972 = arith.constant 0 : i32
        %dma_wait3A_973 = tpu.memref_slice %arg6[%dma_wait3A_971, %dma_wait3A_972] : memref<8x80xi32, #tpu.memory_space<vmem>> -> memref<1x80xi32, #tpu.memory_space<vmem>>
        %dma_wait3A_974 = tpu.memref_squeeze %dma_wait3A_973 : memref<1x80xi32, #tpu.memory_space<vmem>> -> memref<80xi32, #tpu.memory_space<vmem>>
        %dma_wait3A_975 = arith.constant 0 : i32
        %dma_wait3A_976 = tpu.memref_slice %arg2[%add3A, %add3A_970, %dma_wait3A_975] : memref<32x128x80xi32, #tpu.memory_space<hbm>> -> memref<1x1x80xi32, #tpu.memory_space<hbm>>
        %dma_wait3A_977 = tpu.memref_squeeze %dma_wait3A_976 : memref<1x1x80xi32, #tpu.memory_space<hbm>> -> memref<80xi32, #tpu.memory_space<hbm>>
        %dma_wait3A_978 = arith.constant 0 : i32
        %dma_wait3A_979 = tpu.memref_slice %arg6[%dma_wait3A_971, %dma_wait3A_978] : memref<8x80xi32, #tpu.memory_space<vmem>> -> memref<1x80xi32, #tpu.memory_space<vmem>>
        %dma_wait3A_980 = tpu.memref_squeeze %dma_wait3A_979 : memref<1x80xi32, #tpu.memory_space<vmem>> -> memref<80xi32, #tpu.memory_space<vmem>>
        %dma_wait3A_981 = arith.constant 0 : i32
        %dma_wait3A_982 = tpu.memref_slice %arg2[%add3A, %add3A_970, %dma_wait3A_981] : memref<32x128x80xi32, #tpu.memory_space<hbm>> -> memref<1x1x80xi32, #tpu.memory_space<hbm>>
        %dma_wait3A_983 = tpu.memref_squeeze %dma_wait3A_982 : memref<1x1x80xi32, #tpu.memory_space<hbm>> -> memref<80xi32, #tpu.memory_space<hbm>>
        tpu.wait_dma2 semaphore(%arg11 : memref<!tpu.dma_semaphore, #tpu.memory_space<semaphore_mem>>) src(%dma_wait3A_983 : memref<80xi32, #tpu.memory_space<hbm>>) dst(%dma_wait3A_980 : memref<80xi32, #tpu.memory_space<vmem>>)
        %dma_wait3A_984 = arith.constant 1 : i32
        %dma_wait3A_985 = arith.constant 0 : i32
        %dma_wait3A_986 = tpu.memref_slice %arg7[%dma_wait3A_984, %dma_wait3A_985] : memref<8x80xi32, #tpu.memory_space<vmem>> -> memref<1x80xi32, #tpu.memory_space<vmem>>
        %dma_wait3A_987 = tpu.memref_squeeze %dma_wait3A_986 : memref<1x80xi32, #tpu.memory_space<vmem>> -> memref<80xi32, #tpu.memory_space<vmem>>
        %dma_wait3A_988 = arith.constant 0 : i32
        %dma_wait3A_989 = tpu.memref_slice %arg3[%add3A, %add3A_970, %dma_wait3A_988] : memref<32x128x80xi32, #tpu.memory_space<hbm>> -> memref<1x1x80xi32, #tpu.memory_space<hbm>>
        %dma_wait3A_990 = tpu.memref_squeeze %dma_wait3A_989 : memref<1x1x80xi32, #tpu.memory_space<hbm>> -> memref<80xi32, #tpu.memory_space<hbm>>
        %dma_wait3A_991 = arith.constant 0 : i32
        %dma_wait3A_992 = tpu.memref_slice %arg7[%dma_wait3A_984, %dma_wait3A_991] : memref<8x80xi32, #tpu.memory_space<vmem>> -> memref<1x80xi32, #tpu.memory_space<vmem>>
        %dma_wait3A_993 = tpu.memref_squeeze %dma_wait3A_992 : memref<1x80xi32, #tpu.memory_space<vmem>> -> memref<80xi32, #tpu.memory_space<vmem>>
        %dma_wait3A_994 = arith.constant 0 : i32
        %dma_wait3A_995 = tpu.memref_slice %arg3[%add3A, %add3A_970, %dma_wait3A_994] : memref<32x128x80xi32, #tpu.memory_space<hbm>> -> memref<1x1x80xi32, #tpu.memory_space<hbm>>
        %dma_wait3A_996 = tpu.memref_squeeze %dma_wait3A_995 : memref<1x1x80xi32, #tpu.memory_space<hbm>> -> memref<80xi32, #tpu.memory_space<hbm>>
        tpu.wait_dma2 semaphore(%arg11 : memref<!tpu.dma_semaphore, #tpu.memory_space<semaphore_mem>>) src(%dma_wait3A_996 : memref<80xi32, #tpu.memory_space<hbm>>) dst(%dma_wait3A_993 : memref<80xi32, #tpu.memory_space<vmem>>)
        %dma_start3A_997 = arith.constant 1 : i32
        %dma_start3A_998 = arith.constant 1 : i32
        %dma_start3A_999 = arith.constant 0 : i32
        %dma_start3A_1000 = arith.constant 0 : i32
        %dma_start3A_1001 = tpu.memref_slice %arg8[%dma_start3A_998, %dma_start3A_999, %dma_start3A_1000] : memref<4x80x128xf32, #tpu.memory_space<vmem>> -> memref<1x80x128xf32, #tpu.memory_space<vmem>>
        %dma_start3A_1002 = tpu.memref_squeeze %dma_start3A_1001 : memref<1x80x128xf32, #tpu.memory_space<vmem>> -> memref<80x128xf32, #tpu.memory_space<vmem>>
        %dma_start3A_1003 = arith.constant 0 : i32
        %dma_start3A_1004 = tpu.memref_slice %arg6[%dma_start3A_997, %dma_start3A_1003] : memref<8x80xi32, #tpu.memory_space<vmem>> -> memref<1x80xi32, #tpu.memory_space<vmem>>
        %dma_start3A_1005 = tpu.memref_squeeze %dma_start3A_1004 : memref<1x80xi32, #tpu.memory_space<vmem>> -> memref<80xi32, #tpu.memory_space<vmem>>
        %dma_start3A_1006 = arith.constant 0 : i32
        %dma_start3A_1007 = arith.constant 0 : i32
        %dma_start3A_1008 = tpu.memref_slice %arg4[%dma_start3A_1006, %dma_start3A_1007] : memref<10000x128xf32, #tpu.memory_space<hbm>> -> memref<10000x128xf32, #tpu.memory_space<hbm>>
        tpu.enqueue_indirect_dma source(%dma_start3A_1008 : memref<10000x128xf32, #tpu.memory_space<hbm>>) target(%dma_start3A_1002 : memref<80x128xf32, #tpu.memory_space<vmem>>) offsets(%dma_start3A_1005 : memref<80xi32, #tpu.memory_space<vmem>>) semaphore(%arg19 : memref<!tpu.dma_semaphore, #tpu.memory_space<semaphore_mem>>)
      } else {
      }
      %add3A_938 = arith.constant 6 : i32
      %add3A_939 = arith.addi %add3A_918, %add3A_938 : i32
      %lt3A_940 = arith.constant 128 : i32
      %lt3A_941 = arith.cmpi slt, %add3A_939, %lt3A_940 : i32
      %convert_element_type3A_942 = arith.extui %lt3A_941 : i1 to i32
      %cond3A_943 = arith.constant 0 : i32
      %cond3A_944 = arith.cmpi ne, %convert_element_type3A_942, %cond3A_943 : i32
      scf.if %cond3A_944 {
        %add3A_969 = arith.constant 6 : i32
        %add3A_970 = arith.addi %add3A_918, %add3A_969 : i32
        %dma_start3A_971 = arith.constant 5 : i32
        %dma_start3A_972 = arith.constant 0 : i32
        %dma_start3A_973 = tpu.memref_slice %arg6[%dma_start3A_971, %dma_start3A_972] : memref<8x80xi32, #tpu.memory_space<vmem>> -> memref<1x80xi32, #tpu.memory_space<vmem>>
        %dma_start3A_974 = tpu.memref_squeeze %dma_start3A_973 : memref<1x80xi32, #tpu.memory_space<vmem>> -> memref<80xi32, #tpu.memory_space<vmem>>
        %dma_start3A_975 = arith.constant 0 : i32
        %dma_start3A_976 = tpu.memref_slice %arg2[%add3A, %add3A_970, %dma_start3A_975] : memref<32x128x80xi32, #tpu.memory_space<hbm>> -> memref<1x1x80xi32, #tpu.memory_space<hbm>>
        %dma_start3A_977 = tpu.memref_squeeze %dma_start3A_976 : memref<1x1x80xi32, #tpu.memory_space<hbm>> -> memref<80xi32, #tpu.memory_space<hbm>>
        %dma_start3A_978 = arith.constant 0 : i32
        %dma_start3A_979 = tpu.memref_slice %arg6[%dma_start3A_971, %dma_start3A_978] : memref<8x80xi32, #tpu.memory_space<vmem>> -> memref<1x80xi32, #tpu.memory_space<vmem>>
        %dma_start3A_980 = tpu.memref_squeeze %dma_start3A_979 : memref<1x80xi32, #tpu.memory_space<vmem>> -> memref<80xi32, #tpu.memory_space<vmem>>
        %dma_start3A_981 = arith.constant 0 : i32
        %dma_start3A_982 = tpu.memref_slice %arg2[%add3A, %add3A_970, %dma_start3A_981] : memref<32x128x80xi32, #tpu.memory_space<hbm>> -> memref<1x1x80xi32, #tpu.memory_space<hbm>>
        %dma_start3A_983 = tpu.memref_squeeze %dma_start3A_982 : memref<1x1x80xi32, #tpu.memory_space<hbm>> -> memref<80xi32, #tpu.memory_space<hbm>>
        tpu.enqueue_dma source(%dma_start3A_983 : memref<80xi32, #tpu.memory_space<hbm>>) target(%dma_start3A_980 : memref<80xi32, #tpu.memory_space<vmem>>) target_semaphore(%arg15 : memref<!tpu.dma_semaphore, #tpu.memory_space<semaphore_mem>>)
        %dma_start3A_984 = arith.constant 5 : i32
        %dma_start3A_985 = arith.constant 0 : i32
        %dma_start3A_986 = tpu.memref_slice %arg7[%dma_start3A_984, %dma_start3A_985] : memref<8x80xi32, #tpu.memory_space<vmem>> -> memref<1x80xi32, #tpu.memory_space<vmem>>
        %dma_start3A_987 = tpu.memref_squeeze %dma_start3A_986 : memref<1x80xi32, #tpu.memory_space<vmem>> -> memref<80xi32, #tpu.memory_space<vmem>>
        %dma_start3A_988 = arith.constant 0 : i32
        %dma_start3A_989 = tpu.memref_slice %arg3[%add3A, %add3A_970, %dma_start3A_988] : memref<32x128x80xi32, #tpu.memory_space<hbm>> -> memref<1x1x80xi32, #tpu.memory_space<hbm>>
        %dma_start3A_990 = tpu.memref_squeeze %dma_start3A_989 : memref<1x1x80xi32, #tpu.memory_space<hbm>> -> memref<80xi32, #tpu.memory_space<hbm>>
        %dma_start3A_991 = arith.constant 0 : i32
        %dma_start3A_992 = tpu.memref_slice %arg7[%dma_start3A_984, %dma_start3A_991] : memref<8x80xi32, #tpu.memory_space<vmem>> -> memref<1x80xi32, #tpu.memory_space<vmem>>
        %dma_start3A_993 = tpu.memref_squeeze %dma_start3A_992 : memref<1x80xi32, #tpu.memory_space<vmem>> -> memref<80xi32, #tpu.memory_space<vmem>>
        %dma_start3A_994 = arith.constant 0 : i32
        %dma_start3A_995 = tpu.memref_slice %arg3[%add3A, %add3A_970, %dma_start3A_994] : memref<32x128x80xi32, #tpu.memory_space<hbm>> -> memref<1x1x80xi32, #tpu.memory_space<hbm>>
        %dma_start3A_996 = tpu.memref_squeeze %dma_start3A_995 : memref<1x1x80xi32, #tpu.memory_space<hbm>> -> memref<80xi32, #tpu.memory_space<hbm>>
        tpu.enqueue_dma source(%dma_start3A_996 : memref<80xi32, #tpu.memory_space<hbm>>) target(%dma_start3A_993 : memref<80xi32, #tpu.memory_space<vmem>>) target_semaphore(%arg15 : memref<!tpu.dma_semaphore, #tpu.memory_space<semaphore_mem>>)
      } else {
      }
      %dma_wait3A_945 = arith.constant 7 : i32
      %dma_wait3A_946 = arith.constant 3 : i32
      %dma_wait3A_947 = arith.constant 0 : i32
      %dma_wait3A_948 = arith.constant 0 : i32
      %dma_wait3A_949 = tpu.memref_slice %arg8[%dma_wait3A_946, %dma_wait3A_947, %dma_wait3A_948] : memref<4x80x128xf32, #tpu.memory_space<vmem>> -> memref<1x80x128xf32, #tpu.memory_space<vmem>>
      %dma_wait3A_950 = tpu.memref_squeeze %dma_wait3A_949 : memref<1x80x128xf32, #tpu.memory_space<vmem>> -> memref<80x128xf32, #tpu.memory_space<vmem>>
      %dma_wait3A_951 = arith.constant 0 : i32
      %dma_wait3A_952 = tpu.memref_slice %arg6[%dma_wait3A_945, %dma_wait3A_951] : memref<8x80xi32, #tpu.memory_space<vmem>> -> memref<1x80xi32, #tpu.memory_space<vmem>>
      %dma_wait3A_953 = tpu.memref_squeeze %dma_wait3A_952 : memref<1x80xi32, #tpu.memory_space<vmem>> -> memref<80xi32, #tpu.memory_space<vmem>>
      %dma_wait3A_954 = arith.constant 0 : i32
      %dma_wait3A_955 = arith.constant 0 : i32
      %dma_wait3A_956 = tpu.memref_slice %arg4[%dma_wait3A_954, %dma_wait3A_955] : memref<10000x128xf32, #tpu.memory_space<hbm>> -> memref<10000x128xf32, #tpu.memory_space<hbm>>
      tpu.wait_indirect_dma semaphore(%arg21 : memref<!tpu.dma_semaphore, #tpu.memory_space<semaphore_mem>>) src(%dma_wait3A_956 : memref<10000x128xf32, #tpu.memory_space<hbm>>) dst(%dma_wait3A_950 : memref<80x128xf32, #tpu.memory_space<vmem>>)
      %dma_start3A_957 = arith.constant 3 : i32
      %dma_start3A_958 = arith.constant 7 : i32
      %dma_start3A_959 = arith.constant 0 : i32
      %dma_start3A_960 = arith.constant 0 : i32
      %dma_start3A_961 = tpu.memref_slice %arg8[%dma_start3A_957, %dma_start3A_959, %dma_start3A_960] : memref<4x80x128xf32, #tpu.memory_space<vmem>> -> memref<1x80x128xf32, #tpu.memory_space<vmem>>
      %dma_start3A_962 = tpu.memref_squeeze %dma_start3A_961 : memref<1x80x128xf32, #tpu.memory_space<vmem>> -> memref<80x128xf32, #tpu.memory_space<vmem>>
      %dma_start3A_963 = arith.constant 0 : i32
      %dma_start3A_964 = tpu.memref_slice %arg7[%dma_start3A_958, %dma_start3A_963] : memref<8x80xi32, #tpu.memory_space<vmem>> -> memref<1x80xi32, #tpu.memory_space<vmem>>
      %dma_start3A_965 = tpu.memref_squeeze %dma_start3A_964 : memref<1x80xi32, #tpu.memory_space<vmem>> -> memref<80xi32, #tpu.memory_space<vmem>>
      %dma_start3A_966 = arith.constant 0 : i32
      %dma_start3A_967 = arith.constant 0 : i32
      %dma_start3A_968 = tpu.memref_slice %arg9[%dma_start3A_966, %dma_start3A_967] : memref<10240x128xf32, #tpu.memory_space<vmem_shared>> -> memref<10240x128xf32, #tpu.memory_space<vmem_shared>>
      tpu.enqueue_indirect_dma source(%dma_start3A_962 : memref<80x128xf32, #tpu.memory_space<vmem>>) target(%dma_start3A_968 : memref<10240x128xf32, #tpu.memory_space<vmem_shared>>) offsets(%dma_start3A_965 : memref<80xi32, #tpu.memory_space<vmem>>) semaphore(%arg25 : memref<!tpu.dma_semaphore, #tpu.memory_space<semaphore_mem>>) {add = true}
    }
    %scan3A_296 = arith.constant 16 : i32
    %dma_wait3A_297 = arith.constant 2 : i32
    %dma_wait3A_298 = arith.constant 6 : i32
    %dma_wait3A_299 = arith.constant 0 : i32
    %dma_wait3A_300 = arith.constant 0 : i32
    %dma_wait3A_301 = tpu.memref_slice %arg8[%dma_wait3A_297, %dma_wait3A_299, %dma_wait3A_300] : memref<4x80x128xf32, #tpu.memory_space<vmem>> -> memref<1x80x128xf32, #tpu.memory_space<vmem>>
    %dma_wait3A_302 = tpu.memref_squeeze %dma_wait3A_301 : memref<1x80x128xf32, #tpu.memory_space<vmem>> -> memref<80x128xf32, #tpu.memory_space<vmem>>
    %dma_wait3A_303 = arith.constant 0 : i32
    %dma_wait3A_304 = tpu.memref_slice %arg7[%dma_wait3A_298, %dma_wait3A_303] : memref<8x80xi32, #tpu.memory_space<vmem>> -> memref<1x80xi32, #tpu.memory_space<vmem>>
    %dma_wait3A_305 = tpu.memref_squeeze %dma_wait3A_304 : memref<1x80xi32, #tpu.memory_space<vmem>> -> memref<80xi32, #tpu.memory_space<vmem>>
    %dma_wait3A_306 = arith.constant 0 : i32
    %dma_wait3A_307 = arith.constant 0 : i32
    %dma_wait3A_308 = tpu.memref_slice %arg9[%dma_wait3A_306, %dma_wait3A_307] : memref<10240x128xf32, #tpu.memory_space<vmem_shared>> -> memref<10240x128xf32, #tpu.memory_space<vmem_shared>>
    tpu.wait_indirect_dma semaphore(%arg24 : memref<!tpu.dma_semaphore, #tpu.memory_space<semaphore_mem>>) src(%dma_wait3A_302 : memref<80x128xf32, #tpu.memory_space<vmem>>) dst(%dma_wait3A_308 : memref<10240x128xf32, #tpu.memory_space<vmem_shared>>)
    %dma_wait3A_309 = arith.constant 3 : i32
    %dma_wait3A_310 = arith.constant 7 : i32
    %dma_wait3A_311 = arith.constant 0 : i32
    %dma_wait3A_312 = arith.constant 0 : i32
    %dma_wait3A_313 = tpu.memref_slice %arg8[%dma_wait3A_309, %dma_wait3A_311, %dma_wait3A_312] : memref<4x80x128xf32, #tpu.memory_space<vmem>> -> memref<1x80x128xf32, #tpu.memory_space<vmem>>
    %dma_wait3A_314 = tpu.memref_squeeze %dma_wait3A_313 : memref<1x80x128xf32, #tpu.memory_space<vmem>> -> memref<80x128xf32, #tpu.memory_space<vmem>>
    %dma_wait3A_315 = arith.constant 0 : i32
    %dma_wait3A_316 = tpu.memref_slice %arg7[%dma_wait3A_310, %dma_wait3A_315] : memref<8x80xi32, #tpu.memory_space<vmem>> -> memref<1x80xi32, #tpu.memory_space<vmem>>
    %dma_wait3A_317 = tpu.memref_squeeze %dma_wait3A_316 : memref<1x80xi32, #tpu.memory_space<vmem>> -> memref<80xi32, #tpu.memory_space<vmem>>
    %dma_wait3A_318 = arith.constant 0 : i32
    %dma_wait3A_319 = arith.constant 0 : i32
    %dma_wait3A_320 = tpu.memref_slice %arg9[%dma_wait3A_318, %dma_wait3A_319] : memref<10240x128xf32, #tpu.memory_space<vmem_shared>> -> memref<10240x128xf32, #tpu.memory_space<vmem_shared>>
    tpu.wait_indirect_dma semaphore(%arg25 : memref<!tpu.dma_semaphore, #tpu.memory_space<semaphore_mem>>) src(%dma_wait3A_314 : memref<80x128xf32, #tpu.memory_space<vmem>>) dst(%dma_wait3A_320 : memref<10240x128xf32, #tpu.memory_space<vmem_shared>>)
    %barrier3A_321 = arith.constant 0 : index
    tpu.barrier barrier_id(%barrier3A_321)
    %mul3A_322 = arith.constant 640 : i32
    %mul3A_323 = arith.muli %arg1, %mul3A_322 : i32
    %mul3A_324 = arith.constant 640 : i32
    %mul3A_325 = arith.muli %arg1, %mul3A_324 : i32
    "tpu.region"() ({
      %run_scoped3A_326 = tpu.sem_alloc : memref<!tpu.dma_semaphore, #tpu.memory_space<semaphore_mem>>
      %dma_start3A_327 = arith.constant 0 : i32
      %dma_start3A_328 = tpu.memref_slice %arg5[%arg0, %mul3A_325, %dma_start3A_327] : memref<2x10240x128xf32, #tpu.memory_space<hbm>> -> memref<1x640x128xf32, #tpu.memory_space<hbm>>
      %dma_start3A_329 = tpu.memref_squeeze %dma_start3A_328 : memref<1x640x128xf32, #tpu.memory_space<hbm>> -> memref<640x128xf32, #tpu.memory_space<hbm>>
      %dma_start3A_330 = arith.constant 0 : i32
      %dma_start3A_331 = tpu.memref_slice %arg9[%mul3A_323, %dma_start3A_330] : memref<10240x128xf32, #tpu.memory_space<vmem_shared>> -> memref<640x128xf32, #tpu.memory_space<vmem_shared>>
      tpu.enqueue_dma source(%dma_start3A_331 : memref<640x128xf32, #tpu.memory_space<vmem_shared>>) target(%dma_start3A_329 : memref<640x128xf32, #tpu.memory_space<hbm>>) target_semaphore(%run_scoped3A_326 : memref<!tpu.dma_semaphore, #tpu.memory_space<semaphore_mem>>)
      %dma_wait3A_332 = arith.constant 0 : i32
      %dma_wait3A_333 = tpu.memref_slice %arg5[%arg0, %mul3A_325, %dma_wait3A_332] : memref<2x10240x128xf32, #tpu.memory_space<hbm>> -> memref<1x640x128xf32, #tpu.memory_space<hbm>>
      %dma_wait3A_334 = tpu.memref_squeeze %dma_wait3A_333 : memref<1x640x128xf32, #tpu.memory_space<hbm>> -> memref<640x128xf32, #tpu.memory_space<hbm>>
      %dma_wait3A_335 = arith.constant 0 : i32
      %dma_wait3A_336 = tpu.memref_slice %arg9[%mul3A_323, %dma_wait3A_335] : memref<10240x128xf32, #tpu.memory_space<vmem_shared>> -> memref<640x128xf32, #tpu.memory_space<vmem_shared>>
      tpu.wait_dma2 semaphore(%run_scoped3A_326 : memref<!tpu.dma_semaphore, #tpu.memory_space<semaphore_mem>>) src(%dma_wait3A_336 : memref<640x128xf32, #tpu.memory_space<vmem_shared>>) dst(%dma_wait3A_334 : memref<640x128xf32, #tpu.memory_space<hbm>>)
      tpu.yield
    }) : () -> ()
    return
  }
}

module attributes {stable_mosaic.version = 14 : i64} {
  func.func @_prep_body(%arg0: memref<10000x128xf32, #tpu.memory_space<vmem>>, %arg1: memref<128x128xf32, #tpu.memory_space<vmem>>, %arg2: memref<10000x1xf32, #tpu.memory_space<vmem>>, %arg3: memref<10000x128xf32, #tpu.memory_space<vmem>>, %arg4: memref<10000x1xf32, #tpu.memory_space<vmem>>) attributes {dimension_semantics = [], scalar_prefetch = 0 : i64, scratch_operands = 0 : i64, tpu.core_type = #tpu.core_type<tc>} {
    %get3A = arith.constant 0 : index
    %get3A_0 = arith.constant 0 : index
    %get3A_1 = vector.load %arg2[%get3A, %get3A_0] : memref<10000x1xf32, #tpu.memory_space<vmem>>, vector<10000x1xf32>
    %add3A = arith.constant 1.000000e+00 : f32
    %add3A_2 = vector.broadcast %add3A : f32 to vector<10000x1xf32>
    %add3A_3 = arith.addf %get3A_1, %add3A_2 : vector<10000x1xf32>
    %rsqrt3A = math.rsqrt %add3A_3 : vector<10000x1xf32>
    %swap3A = arith.constant 0 : index
    %swap3A_4 = arith.constant 0 : index
    %swap3A_5 = vector.load %arg4[%swap3A, %swap3A_4] : memref<10000x1xf32, #tpu.memory_space<vmem>>, vector<10000x1xf32>
    tpu.vector_store %arg4[%swap3A, %swap3A_4], %rsqrt3A {strides = array<i32>} : memref<10000x1xf32, #tpu.memory_space<vmem>>, vector<10000x1xf32>,
    %get3A_6 = arith.constant 0 : index
    %get3A_7 = arith.constant 0 : index
    %get3A_8 = vector.load %arg0[%get3A_6, %get3A_7] : memref<10000x128xf32, #tpu.memory_space<vmem>>, vector<10000x128xf32>
    %get3A_9 = arith.constant 0 : index
    %get3A_10 = arith.constant 0 : index
    %get3A_11 = vector.load %arg1[%get3A_9, %get3A_10] : memref<128x128xf32, #tpu.memory_space<vmem>>, vector<128x128xf32>
    %dot_general3A = arith.constant dense<0.000000e+00> : vector<10000x128xf32>
    %dot_general3A_12 = tpu.matmul %get3A_8, %get3A_11, %dot_general3A {dimension_numbers = #tpu.dot_dimension_numbers<[1], [0], [0], [1], [0, 0, 1, 1], [], []>, transpose_lhs_hint = false} : vector<10000x128xf32>, vector<128x128xf32>, vector<10000x128xf32> -> vector<10000x128xf32>
    %mul3A = vector.broadcast %rsqrt3A : vector<10000x1xf32> to vector<10000x128xf32>
    %mul3A_13 = arith.mulf %dot_general3A_12, %mul3A : vector<10000x128xf32>
    %swap3A_14 = arith.constant 0 : index
    %swap3A_15 = arith.constant 0 : index
    %swap3A_16 = vector.load %arg3[%swap3A_14, %swap3A_15] : memref<10000x128xf32, #tpu.memory_space<vmem>>, vector<10000x128xf32>
    tpu.vector_store %arg3[%swap3A_14, %swap3A_15], %mul3A_13 {strides = array<i32>} : memref<10000x128xf32, #tpu.memory_space<vmem>>, vector<10000x128xf32>,
    return
  }
}

module attributes {stable_mosaic.version = 14 : i64} {
  func.func @_final_body(%arg0: memref<2x10240x128xf32, #tpu.memory_space<vmem>>, %arg1: memref<10000x128xf32, #tpu.memory_space<vmem>>, %arg2: memref<10000x1xf32, #tpu.memory_space<vmem>>, %arg3: memref<10000x128xf32, #tpu.memory_space<vmem>>, %arg4: memref<1x128xf32, #tpu.memory_space<vmem>>, %arg5: memref<1x128xf32, #tpu.memory_space<vmem>>, %arg6: memref<1x128xf32, #tpu.memory_space<vmem>>, %arg7: memref<10000x128xf32, #tpu.memory_space<vmem>>) attributes {dimension_semantics = [], scalar_prefetch = 0 : i64, scratch_operands = 0 : i64, tpu.core_type = #tpu.core_type<tc>} {
    %get3A = arith.constant 0 : index
    %get3A_0 = arith.constant 0 : index
    %get3A_1 = arith.constant 0 : index
    %get3A_2 = vector.load %arg0[%get3A, %get3A_0, %get3A_1] : memref<2x10240x128xf32, #tpu.memory_space<vmem>>, vector<1x10000x128xf32>
    %get3A_3 = vector.shape_cast %get3A_2 : vector<1x10000x128xf32> to vector<10000x128xf32>
    %get3A_4 = arith.constant 1 : index
    %get3A_5 = arith.constant 0 : index
    %get3A_6 = arith.constant 0 : index
    %get3A_7 = vector.load %arg0[%get3A_4, %get3A_5, %get3A_6] : memref<2x10240x128xf32, #tpu.memory_space<vmem>>, vector<1x10000x128xf32>
    %get3A_8 = vector.shape_cast %get3A_7 : vector<1x10000x128xf32> to vector<10000x128xf32>
    %add3A = arith.addf %get3A_3, %get3A_8 : vector<10000x128xf32>
    %get3A_9 = arith.constant 0 : index
    %get3A_10 = arith.constant 0 : index
    %get3A_11 = vector.load %arg1[%get3A_9, %get3A_10] : memref<10000x128xf32, #tpu.memory_space<vmem>>, vector<10000x128xf32>
    %add3A_12 = arith.addf %add3A, %get3A_11 : vector<10000x128xf32>
    %get3A_13 = arith.constant 0 : index
    %get3A_14 = arith.constant 0 : index
    %get3A_15 = vector.load %arg2[%get3A_13, %get3A_14] : memref<10000x1xf32, #tpu.memory_space<vmem>>, vector<10000x1xf32>
    %mul3A = vector.broadcast %get3A_15 : vector<10000x1xf32> to vector<10000x128xf32>
    %mul3A_16 = arith.mulf %add3A_12, %mul3A : vector<10000x128xf32>
    %get3A_17 = arith.constant 0 : index
    %get3A_18 = arith.constant 0 : index
    %get3A_19 = vector.load %arg4[%get3A_17, %get3A_18] : memref<1x128xf32, #tpu.memory_space<vmem>>, vector<1x128xf32>
    %add3A_20 = vector.broadcast %get3A_19 : vector<1x128xf32> to vector<10000x128xf32>
    %add3A_21 = arith.addf %mul3A_16, %add3A_20 : vector<10000x128xf32>
    %reduce_sum3A = arith.constant dense<0.000000e+00> : vector<128xf32>
    %reduce_sum3A_22 = vector.multi_reduction <add>, %add3A_21, %reduce_sum3A [0] : vector<10000x128xf32> to vector<128xf32>
    %broadcast_in_dim3A = vector.shape_cast %reduce_sum3A_22 : vector<128xf32> to vector<1x128xf32>
    %div3A = arith.constant 1.000000e+04 : f32
    %div3A_23 = vector.broadcast %div3A : f32 to vector<1x128xf32>
    %div3A_24 = arith.divf %broadcast_in_dim3A, %div3A_23 : vector<1x128xf32>
    %sub3A = vector.broadcast %div3A_24 : vector<1x128xf32> to vector<10000x128xf32>
    %sub3A_25 = arith.subf %add3A_21, %sub3A : vector<10000x128xf32>
    %mul3A_26 = arith.mulf %sub3A_25, %sub3A_25 : vector<10000x128xf32>
    %reduce_sum3A_27 = arith.constant dense<0.000000e+00> : vector<128xf32>
    %reduce_sum3A_28 = vector.multi_reduction <add>, %mul3A_26, %reduce_sum3A_27 [0] : vector<10000x128xf32> to vector<128xf32>
    %broadcast_in_dim3A_29 = vector.shape_cast %reduce_sum3A_28 : vector<128xf32> to vector<1x128xf32>
    %div3A_30 = arith.constant 1.000000e+04 : f32
    %div3A_31 = vector.broadcast %div3A_30 : f32 to vector<1x128xf32>
    %div3A_32 = arith.divf %broadcast_in_dim3A_29, %div3A_31 : vector<1x128xf32>
    %add3A_33 = arith.constant 9.99999974E-6 : f32
    %add3A_34 = vector.broadcast %add3A_33 : f32 to vector<1x128xf32>
    %add3A_35 = arith.addf %div3A_32, %add3A_34 : vector<1x128xf32>
    %rsqrt3A = math.rsqrt %add3A_35 : vector<1x128xf32>
    %mul3A_36 = vector.broadcast %rsqrt3A : vector<1x128xf32> to vector<10000x128xf32>
    %mul3A_37 = arith.mulf %sub3A_25, %mul3A_36 : vector<10000x128xf32>
    %get3A_38 = arith.constant 0 : index
    %get3A_39 = arith.constant 0 : index
    %get3A_40 = vector.load %arg5[%get3A_38, %get3A_39] : memref<1x128xf32, #tpu.memory_space<vmem>>, vector<1x128xf32>
    %mul3A_41 = vector.broadcast %get3A_40 : vector<1x128xf32> to vector<10000x128xf32>
    %mul3A_42 = arith.mulf %mul3A_37, %mul3A_41 : vector<10000x128xf32>
    %get3A_43 = arith.constant 0 : index
    %get3A_44 = arith.constant 0 : index
    %get3A_45 = vector.load %arg6[%get3A_43, %get3A_44] : memref<1x128xf32, #tpu.memory_space<vmem>>, vector<1x128xf32>
    %add3A_46 = vector.broadcast %get3A_45 : vector<1x128xf32> to vector<10000x128xf32>
    %add3A_47 = arith.addf %mul3A_42, %add3A_46 : vector<10000x128xf32>
    %max3A = arith.constant 0.000000e+00 : f32
    %max3A_48 = vector.broadcast %max3A : f32 to vector<10000x128xf32>
    %max3A_49 = arith.maximumf %add3A_47, %max3A_48 : vector<10000x128xf32>
    %get3A_50 = arith.constant 0 : index
    %get3A_51 = arith.constant 0 : index
    %get3A_52 = vector.load %arg3[%get3A_50, %get3A_51] : memref<10000x128xf32, #tpu.memory_space<vmem>>, vector<10000x128xf32>
    %add3A_53 = arith.addf %max3A_49, %get3A_52 : vector<10000x128xf32>
    %swap3A = arith.constant 0 : index
    %swap3A_54 = arith.constant 0 : index
    %swap3A_55 = vector.load %arg7[%swap3A, %swap3A_54] : memref<10000x128xf32, #tpu.memory_space<vmem>>, vector<10000x128xf32>
    tpu.vector_store %arg7[%swap3A, %swap3A_54], %add3A_53 {strides = array<i32>} : memref<10000x128xf32, #tpu.memory_space<vmem>>, vector<10000x128xf32>,
    return
  }
}

</mosaic_0001>

<sc_bundles>
// kernel: kernel.6.cloned.1.call-start
scs
__scs_entry_jumppad:
0x0: {  	(pc) =	sbr.rel $0x88, $3  }
0x1: {  	(tag) =	ssettag $0x0;
	lr =	simm.s32 $0x1  }
0x2: {  	[smem:$0x3F9B] =	sst lr;
	_ =	strace $0xD0000000  }
0x3: {  	_ = 	snop  }
0x4: {  	_ = 	snop  }
0x5: {  	_ = 	snop  }
0x6: {  	_ = 	snop  }
0x7: {  	_ = 	snop  }
__scs_overlays_trampoline_lowered:
0x8: {  	[smem:$0x3FAA] =	sst s0  }
0x9: {  	[smem:$0x3FAB] =	sst s1  }
0xa: {  	[smem:$0x3FAC] =	sst s2  }
0xb: {  	[smem:$0x3FAD] =	sst s3  }
0xc: {  	[smem:$0x3FAE] =	sst s4  }
0xd: {  	[smem:$0x3FAF] =	sst s5  }
0xe: {  	[smem:$0x3FB0] =	sst s6  }
0xf: {  	[smem:$0x3FB1] =	sst s7  }
0x10: {  	[smem:$0x3FB2] =	sst s8  }
0x11: {  	[smem:$0x3FB3] =	sst s9;
	s0 =	simm.s32 @!p0 $0x0  }
0x12: {  	s1 =	sld [smem:$0x3F99];
	s0 =	simm.s32 @p0 $0x1  }
0x13: {  	[smem:$0x3FB4] =	sst s0;
	s0 =	simm.s32 @!p1 $0x0  }
0x14: {  	s2 =	sld [smem:$0x3F98];
	s0 =	simm.s32 @p1 $0x1  }
0x15: {  	[smem:$0x3FB5] =	sst s0;
	s0 =	simm.s32 @!p2 $0x0  }
0x16: {  	s3 =	sld [smem:$0x3FDB];
	s0 =	simm.s32 @p2 $0x1  }
0x17: {  	s4 =	simm.s32 $0x1BF5;
	[smem:$0x3FB7] =	sst s0  }
0x18: {  	s0 =	sld [smem:$0x3F9A];
	_ =	swait.ge [sflag:s4], $0x0  }
0x19: {  	s7 =	sld [smem:$0x3F9B]  }
0x1a: {  	s8 =	sadd.s32 $0xFFFFE003, lr  }
0x1b: {  	s9 =	sadd.s32 $0xFFFFFEF7, lr;
	s5 =	simm.s32 $0xFFFFFFFF;
	p2 =	slt.u32 s8, $0xFFFFF086  }
0x1c: {  	p1 =	slt.u32 s9, $0xF7A;
	s5 =	simm.s32 @!p2 $0x0  }
0x1d: {  	s5 =	simm.s32 @p1 $0x1;
	p0 =	seq.s32 s7, s2  }
0x1e: {  	s7 =	smul.u32 @!p0 $0xF7A, s2;
	p2 =	seq.s32 @!p0 s5, $0x0  }
0x1f: {  	s9 =	smul.u32 $0xF7A, s1;
	s8 =	simm.s32 @!p0 $0x1BF5;
	p2 =	por !p2, p0  }
0x20: {  	[sflag:s8] =	ssyncset.s32 @!p0 $0xFFFFF086;
	s6 =	sadd.s32 @!p0 s3, s7;
	s7 =	simm.s32 @!p0 $0x108  }
0x21: {  	s3 =	sadd.s32 s3, s9;
	s6 =	sadd.s32 @!p0 $0x88, s6;
	s7 =	simm.s32 @p2 $0x1082  }
0x22: {  	[simem:s7], [sflag:s8] =	dma.local @!p0 [hbm:s6], $0xF7A  }
0x23: {  	s9 =	sor.u32 $0xD0000000, s2;
	s6 =	simm.s32 $0x108;
	_ =	swait.ge @!p0 [sflag:s8], $0x0  }
0x24: {  	s3 =	sadd.s32 $0x88, s3;
	s6 =	simm.s32 @!p1 $0x1082;
	[sflag:s4] =	ssyncset.s32 $0xFFFFF086  }
0x25: {  	[simem:s6], [sflag:s4] =	dma.local [hbm:s3], $0xF7A  }
0x26: {  	[smem:$0x3F9B] =	sst s1;
	(tag) =	ssettag s2;
	_ =	strace s9  }
0x27: {  	s1 =	sld [smem:$0x3FAB]  }
0x28: {  	s2 =	sld [smem:$0x3FAC]  }
0x29: {  	s4 =	sld [smem:$0x3FAE]  }
0x2a: {  	p0 =	seq.s32 s5, $0x0;
	s5 =	sld [smem:$0x3FAF]  }
0x2b: {  	s6 =	sld [smem:$0x3FB0]  }
0x2c: {  	s7 =	sld [smem:$0x3FB1]  }
0x2d: {  	s3 =	simm.s32 $0x108;
	s8 =	sld [smem:$0x3FB2]  }
0x2e: {  	s3 =	simm.s32 @!p0 $0x1082;
	s9 =	sld [smem:$0x3FB3]  }
0x2f: {  	lr =	sadd.s32 s0, s3;
	s0 =	sld [smem:$0x3FAA]  }
0x30: {  	s3 =	sld [smem:$0x3FAD]  }
0x31: {  	[smem:$0x3FB6] =	sst s10  }
0x32: {  	s10 =	sld [smem:$0x3FB4];
	_ =	sdelay $0x3  }
0x33: {  	p0 =	seq.s32 s10, $0x1;
	s10 =	sld [smem:$0x3FB6];
	_ =	sdelay $0x3  }
0x34: {  	[smem:$0x3FB6] =	sst s10  }
0x35: {  	s10 =	sld [smem:$0x3FB5];
	_ =	sdelay $0x3  }
0x36: {  	p1 =	seq.s32 s10, $0x1;
	s10 =	sld [smem:$0x3FB6];
	_ =	sdelay $0x3  }
0x37: {  	[smem:$0x3FB6] =	sst s10  }
0x38: {  	s10 =	sld [smem:$0x3FB7]  }
0x39: {  	_ = 	snop;
	(pc) =	sbr.ind lr, $3  }
0x3a: {  	_ = 	snop  }
0x3b: {  	_ = 	snop  }
0x3c: {  	p2 =	seq.s32 s10, $0x1;
	s10 =	sld [smem:$0x3FB6]  }
0x3d: {  	_ =	shalt  }
0x3e: {  	_ =	shalt  }
0x3f: {  	_ =	shalt  }
0x40: {  	_ =	shalt  }
0x41: {  	_ =	shalt  }
0x42: {  	_ =	shalt  }
0x43: {  	_ =	shalt  }
0x44: {  	_ =	shalt  }
0x45: {  	_ =	shalt  }
0x46: {  	_ =	shalt  }
0x47: {  	_ =	shalt  }
0x48: {  	_ =	shalt  }
0x49: {  	_ =	shalt  }
0x4a: {  	_ =	shalt  }
0x4b: {  	_ =	shalt  }
0x4c: {  	_ =	shalt  }
0x4d: {  	_ =	shalt  }
0x4e: {  	_ =	shalt  }
0x4f: {  	_ =	shalt  }
0x50: {  	_ =	shalt  }
0x51: {  	_ =	shalt  }
0x52: {  	_ =	shalt  }
0x53: {  	_ =	shalt  }
0x54: {  	_ =	shalt  }
0x55: {  	_ =	shalt  }
0x56: {  	_ =	shalt  }
0x57: {  	_ =	shalt  }
0x58: {  	_ =	shalt  }
0x59: {  	_ =	shalt  }
0x5a: {  	_ =	shalt  }
0x5b: {  	_ =	shalt  }
0x5c: {  	_ =	shalt  }
0x5d: {  	_ =	shalt  }
0x5e: {  	_ =	shalt  }
0x5f: {  	_ =	shalt  }
0x60: {  	_ =	shalt  }
0x61: {  	_ =	shalt  }
0x62: {  	_ =	shalt  }
0x63: {  	_ =	shalt  }
0x64: {  	_ =	shalt  }
0x65: {  	_ =	shalt  }
0x66: {  	_ =	shalt  }
0x67: {  	_ =	shalt  }
0x68: {  	_ =	shalt  }
0x69: {  	_ =	shalt  }
0x6a: {  	_ =	shalt  }
0x6b: {  	_ =	shalt  }
0x6c: {  	_ =	shalt  }
0x6d: {  	_ =	shalt  }
0x6e: {  	_ =	shalt  }
0x6f: {  	_ =	shalt  }
0x70: {  	_ =	shalt  }
0x71: {  	_ =	shalt  }
0x72: {  	_ =	shalt  }
0x73: {  	_ =	shalt  }
0x74: {  	_ =	shalt  }
0x75: {  	_ =	shalt  }
0x76: {  	_ =	shalt  }
0x77: {  	_ =	shalt  }
0x78: {  	_ =	shalt  }
0x79: {  	_ =	shalt  }
0x7a: {  	_ =	shalt  }
0x7b: {  	_ =	shalt  }
0x7c: {  	_ =	shalt  }
0x7d: {  	_ =	shalt  }
0x7e: {  	_ =	shalt  }
0x7f: {  	_ =	shalt  }
0x80: {  	_ =	shalt  }
0x81: {  	_ =	shalt  }
0x82: {  	_ =	shalt  }
0x83: {  	_ =	shalt  }
0x84: {  	_ =	shalt  }
0x85: {  	_ =	shalt  }
0x86: {  	_ =	shalt  }
0x87: {  	_ =	shalt  }
.Lfunc_end0:
.L_simem_size_0:
called_computation_lowered:
.L_overlay_start_0:
0x88: {  	s0 =	sld [smem:$0x3FD9]  }
0x89: {  	s1 =	sld [smem:$0x3FFE];
	_ =	sdelay $0x3  }
0x8a: {  	s0 =	sadd.s32 s1, s0  }
0x8b: {  	[smem:$0x3FC2] =	sst s0  }
0x8c: {  	_ = 	snop  }
0x8d: {  	s0 =	sld [smem:$0x3FD0];
	(tm) =	ssettm $0x1  }
0x8e: {  	s16 =	sld [smem:$0x3FFB];
	_ =	sdelay $0x3  }
0x8f: {  	_ =	strace s16  }
0x90: {  	s1 =	sld [smem:$0x3FFC];
	_ =	sdelay $0x3  }
0x91: {  	_ =	strace s1  }
0x92: {  	s1 =	sld [smem:$0x3FFD];
	_ =	sdelay $0x3  }
0x93: {  	_ =	strace s1  }
0x94: {  	_ =	strace $0x8FFFFFFF  }
0x95: {  	s17 =	sld [smem:$0x3FDB];
	_ =	sdelay $0x1  }
0x96: {  	s2 =	simm.s32 $_scs_section_size  }
0x97: {  	s3 =	simm.s32 $_size__tile_overlayer_lowered;
	s4 =	simm.s32 $_tile_overlayer_lowered  }
0x98: {  	s20 =	simm.s32 $0x1BFF;
	s19 =	sshll.u32 s4, $0x1;
	s1 =	sadd.s32 s2, s17  }
0x99: {  	s5 =	simm.s32 $0x0;
	s18 =	sshll.u32 s3, $0x1;
	s3 =	sadd.s32 s19, s1  }
0x9a: {  	[timem:s5], [sflag:s20] =	dma.local [hbm:s3], s18  }
0x9b: {  	_ =	swait.ge [sflag:s20], s18  }
0x9c: {  	s2 =	ssub.s32 $0x0, s18;
	[sflag:s20] =	ssyncset.done $0x0  }
0x9d: {  	[sflag:s20] =	ssyncadd.s32 s2;
	_ =	sdelay $0x1  }
0x9e: {  	s21 =	simm.s32 $0x1B8B  }
0x9f: {  	_ =	swait.ge [sflag:s21], $0x1  }
0xa0: {  	[sflag:s21] =	ssyncset.done $0x0  }
0xa1: {  	s23 =	simm.s32 $0x1B8E;
	s22 =	sld [smem:$0x3FFE];
	[sflag:s21] =	ssyncadd.s32 $0xFFFFFFFF  }
0xa2: {  	s24 =	simm.s32 $execute0_lowered;
	[smem:$0x3FD2] =	sst s23  }
0xa3: {  	s3 =	sshll.u32 s24, $0x1;
	_ =	strace $0x80000046;
	[dreg:$0x1] =	wrdreg $0xFFFFFFFF  }
0xa4: {  	s25 =	simm.s32 $_size_execute0_lowered;
	s1 =	sadd.s32 s1, s3;
	[dreg:$0x0] =	wrdreg $0x0  }
0xa5: {  	s3 =	sshll.u32 s25, $0x1;
	[dreg:$0x2] =	wrdreg s1  }
0xa6: {  	[dreg:$0x3] =	wrdreg s3  }
0xa7: {  	[dreg:$0x4] =	wrdreg $0xC0  }
0xa8: {  	_ =	task [dreg:s5], $0x5FFFF  }
0xa9: {  	[dreg:$0x1] =	wrdreg $0xFFFFFFFF  }
0xaa: {  	[dreg:$0x0] =	wrdreg $0x60  }
0xab: {  	[dreg:$0x2] =	wrdreg s0  }
0xac: {  	[dreg:$0x3] =	wrdreg s22  }
0xad: {  	[dreg:$0x4] =	wrdreg $0x53000  }
0xae: {  	[dreg:$0x5] =	wrdreg $0x9  }
0xaf: {  	_ =	task.clear_ibuf [dreg:s5], $0x6FFFF;
	_ =	strace $0x90000046  }
0xb0: {  	s26 =	simm.s32 $0x9;
	_ =	strace $0x80000048  }
0xb1: {  	_ =	swait.ge [sflag:s26], $0x1  }
0xb2: {  	[sflag:s26] =	ssyncadd.s32 $0xFFFFFFFF  }
0xb3: {  	_ =	strace $0x90000048  }
0xb4: {  	_ =	sfence  }
0xb5: {  	s28 =	sld [smem:$0x0];
	_ =	sdelay $0x1  }
0xb6: {  	s29 =	srdreg.scid  }
0xb7: {  	s30 =	sshll.u32 s29, $0xD;
	s31 =	sshrl.u32 s29, $0x2  }
0xb8: {  	s2 =	sand.u32 $0x4000, s30;
	s1 =	sand.u32 $0x1, s29;
	s0 =	sadd.s32 s31, s28  }
0xb9: {  	s1 =	sor.u32 s2, s1;
	s0 =	sshll.u32 s0, $0x11  }
0xba: {  	s0 =	sor.u32 s0, s1  }
0xbb: {  	s0 =	sadd.s32 $0x8F2B, s0  }
0xbc: {  	[sflag:s0] =	ssyncadd.remote.s32 $0x1  }
0xbd: {  	_ =	sfence.sel $0xFFFF  }
0xbe: {  	[dreg:$0x0] =	wrdreg $0xFFFFFFFF;
	(pc) =	sbr.abs _section_cstart, $3  }
0xbf: {  	[dreg:$0x1] =	wrdreg $0xFFFFFFFF  }
0xc0: {  	_ =	task.clear_ibuf [dreg:s5], $0x2FFFF;
	_ =	strace $0x9FFFFFFF  }
0xc1: {  	(tm) =	ssettm $0x7FFFFFFF  }
tec
execute0_lowered:
.L_overlay_start_1:
0x0: {  	(tag) =	ssettag $0x1  }
0x1: {  	s4 =	rddreg [dreg:$0x0]  }
0x2: {  	s3 =	rddreg [dreg:$0x1]  }
0x3: {  	s1 =	rddreg [dreg:$0x2];
	s2 =	simm.s32 $0x0  }
0x4: {  	v0 =	vimm.f32 $1.000000000e+00;
	[smem:$0x7FF] =	sst s2  }
0x5: {  	s0 =	rddreg [dreg:$0x3];
	_ =	strace $0x80000047;
	[tilespmem:$0x5000] =	vst v0  }
0x6: {  	[tilespmem:$0x5010] =	vst v0  }
0x7: {  	[tilespmem:$0x5020] =	vst v0  }
0x8: {  	[tilespmem:$0x5030] =	vst v0  }
0x9: {  	[tilespmem:$0x5040] =	vst v0  }
0xa: {  	[tilespmem:$0x5050] =	vst v0  }
0xb: {  	[tilespmem:$0x5060] =	vst v0  }
0xc: {  	v63 =	vimm.f32 $0.0e+00;
	[tilespmem:$0x5070] =	vst v0  }
0xd: {  	[tilespmem:$0x5080] =	vst v63  }
0xe: {  	[tilespmem:$0x5090] =	vst v63  }
0xf: {  	[tilespmem:$0x50A0] =	vst v63  }
0x10: {  	[tilespmem:$0x50B0] =	vst v63  }
0x11: {  	[tilespmem:$0x50C0] =	vst v63  }
0x12: {  	[tilespmem:$0x50D0] =	vst v63  }
0x13: {  	[tilespmem:$0x50E0] =	vst v63  }
0x14: {  	[tilespmem:$0x50F0] =	vst v63  }
0x15: {  	[tilespmem:$0x5100] =	vst v63  }
0x16: {  	[tilespmem:$0x5110] =	vst v63  }
0x17: {  	[tilespmem:$0x5120] =	vst v63  }
0x18: {  	[tilespmem:$0x5130] =	vst v63  }
0x19: {  	[tilespmem:$0x5140] =	vst v63  }
0x1a: {  	[tilespmem:$0x5150] =	vst v63  }
0x1b: {  	[tilespmem:$0x5160] =	vst v63  }
0x1c: {  	[tilespmem:$0x5170] =	vst v63  }
0x1d: {  	[tilespmem:$0x5180] =	vst v63  }
0x1e: {  	[tilespmem:$0x5190] =	vst v63  }
0x1f: {  	[tilespmem:$0x51A0] =	vst v63  }
0x20: {  	[tilespmem:$0x51B0] =	vst v63  }
0x21: {  	[tilespmem:$0x51C0] =	vst v63  }
0x22: {  	[tilespmem:$0x51D0] =	vst v63  }
0x23: {  	[tilespmem:$0x51E0] =	vst v63  }
0x24: {  	[tilespmem:$0x51F0] =	vst v63  }
0x25: {  	[tilespmem:$0x5200] =	vst v63  }
0x26: {  	[tilespmem:$0x5210] =	vst v63  }
0x27: {  	[tilespmem:$0x5220] =	vst v63  }
0x28: {  	[tilespmem:$0x5230] =	vst v63  }
0x29: {  	[tilespmem:$0x5240] =	vst v63  }
0x2a: {  	[tilespmem:$0x5250] =	vst v63  }
0x2b: {  	[tilespmem:$0x5260] =	vst v63  }
0x2c: {  	[tilespmem:$0x5270] =	vst v63  }
0x2d: {  	[tilespmem:$0x5280] =	vst v63  }
0x2e: {  	[tilespmem:$0x5290] =	vst v63  }
0x2f: {  	[tilespmem:$0x52A0] =	vst v63  }
0x30: {  	[tilespmem:$0x52B0] =	vst v63  }
0x31: {  	s5 =	stileid.u32;
	[tilespmem:$0x52C0] =	vst v63  }
0x32: {  	s7 =	smul.u32 $0x280, s5;
	[tilespmem:$0x52D0] =	vst v63  }
0x33: {  	[tilespmem:$0x52E0] =	vst v63  }
0x34: {  	s8 =	simm.s32 $0x5080;
	s31 =	simm.s32 $0x2;
	[tilespmem:$0x52F0] =	vst v63;
	s6 =	sadd.s32 s7, s1  }
0x35: {  	[spmem:s6] =	stream.linear.scatter [tilespmem:s8], [sflag:$0x2], $0x280, $0x38;
	[tilespmem:$0x5580] =	vst v63  }
0x36: {  	s9 =	smul.u32 $0xA00, s5;
	_ =	swait.ge [sflag:s31], $0x280  }
0x37: {  	[sflag:s31] =	ssyncset.done $0x0  }
0x38: {  	s4 =	sadd.s32 s4, s9;
	[sflag:s31] =	ssyncadd.s32 $0xFFFFFD80  }
0x39: {  	[tilespmem:s2], [sflag:$0x2] =	stream.linear.gather [hbm4b:s4+s2], $0x5000, $0x38;
	[tilespmem:$0x5580] =	vst v63  }
0x3a: {  	_ =	swait.ge [sflag:s31], $0x5000  }
0x3b: {  	[sflag:s31] =	ssyncset.done $0x0  }
0x3c: {  	s3 =	sadd.s32 $0x2000, s3;
	[sflag:s31] =	ssyncadd.s32 $0xFFFFB000  }
0x3d: {  	s8 =	simm.s32 $0x5000;
	s4 =	simm.s32 $0x80;
	[bflag:$0x0] =	sbarrier.arrive $0xFFFF  }
.LBB2_1:
0x3e: {  	p0 =	sne.s32 s2, $0x13E00  }
.Ltmp0:
0x3f: {  	_ = 	snop;
	(pc) =	sbr.rel @p0 .LBB2_1-.Ltmp0, $3  }
0x40: {  	_ =	sdelay $0x1  }
0x41: {  	s9 =	sshra.s32 s2, $0x2;
	s2 =	sadd.s32 $0x200, s2  }
0x42: {  	[spmem:s1] =	stream.indirect.scatter.add.f32 [tilespmem:s8], [sflag:$0x1], $0x1, s9, s4, $0xb8;
	[tilespmem:$0x5580] =	vst v63  }
0x43: {  	s1 =	simm.s32 $0x1  }
0x44: {  	_ =	swait.ge [sflag:s1], $0x80  }
0x45: {  	s2 =	simm.s32 $0x9F;
	[sflag:s1] =	ssyncset.done $0x0  }
.LBB2_3:
0x46: {  	p0 =	sne.s32 s2, $0x1;
	s2 =	sadd.s32 $0xFFFFFFFF, s2;
	[sflag:s1] =	ssyncadd.s32 $0xFFFFFF80  }
.Ltmp1:
0x47: {  	(pc) =	sbr.rel @p0 .LBB2_3-.Ltmp1, $3  }
0x48: {  	_ =	sdelay $0x1  }
0x49: {  	_ =	swait.ge [sflag:s1], $0x80  }
0x4a: {  	[sflag:s1] =	ssyncset.done $0x0  }
0x4b: {  	s2 =	sshrl.u32 s7, $0x3;
	[sflag:s1] =	ssyncadd.s32 $0xFFFFFF80  }
0x4c: {  	s29 =	sshll.u32 s5, $0x6;
	s30 =	sshrl.u32 s6, $0x3;
	s31 =	simm.s32 $0x2  }
0x4d: {  	s28 =	sadd.s32 s3, s2;
	[bflag:$0x0] =	sbarrier.arrive $0xFFFF;
	s2 =	sor.u32 $0x1C02, s29  }
0x4e: {  	[hbm:s28], [sflag:s2] =	dma.local [spmem:s30], $0x50  }
0x4f: {  	_ =	swait.ge [sflag:s31], $0x50  }
0x50: {  	[sflag:s31] =	ssyncset.done $0x0  }
0x51: {  	[sflag:s31] =	ssyncadd.s32 $0xFFFFFFB0  }
0x52: {  	_ =	sfence.sel $0x180000  }
0x53: {  	[bflag:$0x0] =	sbarrier.arrive $0xFFFF  }
0x54: {  	p0 =	sne.s32 s5, $0x0;
	_ =	strace $0x90000047  }
0x55: {  	s0 =	sadd.s32 @!p0 $0x100000, s0;
	[bflag:$0x2] =	sbarrier.arrive $0xFFFF  }
0x56: {  	[sflag:s0] =	ssyncadd.tile.s32 @!p0 $0x1;
	_ =	shalt  }
.Lfunc_end2:
_tile_overlayer_lowered:
.L_overlay_start_2:
0x57: {  	(tag) =	ssettag $0x2  }
0x58: {  	s0 =	rddreg [dreg:$0x0];
	s2 =	stileid.u32  }
0x59: {  	s1 =	rddreg [dreg:$0x1];
	p0 =	sne.s32 s2, $0x0  }
0x5a: {  	s3 =	rddreg [dreg:$0x2];
	[bflag:$0x3] =	sbarrier.arrive $0xFFFF;
	s2 =	simm.s32 @!p0 $0x1C02  }
0x5b: {  	[timem:s3], [sflag:s2] =	dma.local @!p0 [hbm:s0], s1  }
0x5c: {  	s0 =	simm.s32 @!p0 $0x2  }
0x5d: {  	_ =	swait.ge @!p0 [sflag:s0], s1  }
0x5e: {  	s1 =	ssub.s32 @!p0 $0x0, s1;
	[sflag:s0] =	ssyncset.done @!p0 $0x0  }
0x5f: {  	[sflag:s0] =	ssyncadd.s32 @!p0 s1  }
0x60: {  	[bflag:$0x3] =	sbarrier.arrive $0xFFFF  }
0x61: {  	_ =	shalt  }

// kernel: kernel.9.cloned.1.call-start
scs
__scs_entry_jumppad:
0x0: {  	(pc) =	sbr.rel $0x88, $3  }
0x1: {  	(tag) =	ssettag $0x0;
	lr =	simm.s32 $0x1  }
0x2: {  	[smem:$0x3F9B] =	sst lr;
	_ =	strace $0xD0000000  }
0x3: {  	_ = 	snop  }
0x4: {  	_ = 	snop  }
0x5: {  	_ = 	snop  }
0x6: {  	_ = 	snop  }
0x7: {  	_ = 	snop  }
__scs_overlays_trampoline_lowered:
0x8: {  	[smem:$0x3FAA] =	sst s0  }
0x9: {  	[smem:$0x3FAB] =	sst s1  }
0xa: {  	[smem:$0x3FAC] =	sst s2  }
0xb: {  	[smem:$0x3FAD] =	sst s3  }
0xc: {  	[smem:$0x3FAE] =	sst s4  }
0xd: {  	[smem:$0x3FAF] =	sst s5  }
0xe: {  	[smem:$0x3FB0] =	sst s6  }
0xf: {  	[smem:$0x3FB1] =	sst s7  }
0x10: {  	[smem:$0x3FB2] =	sst s8  }
0x11: {  	[smem:$0x3FB3] =	sst s9;
	s0 =	simm.s32 @!p0 $0x0  }
0x12: {  	s1 =	sld [smem:$0x3F99];
	s0 =	simm.s32 @p0 $0x1  }
0x13: {  	[smem:$0x3FB4] =	sst s0;
	s0 =	simm.s32 @!p1 $0x0  }
0x14: {  	s2 =	sld [smem:$0x3F98];
	s0 =	simm.s32 @p1 $0x1  }
0x15: {  	[smem:$0x3FB5] =	sst s0;
	s0 =	simm.s32 @!p2 $0x0  }
0x16: {  	s3 =	sld [smem:$0x3FDB];
	s0 =	simm.s32 @p2 $0x1  }
0x17: {  	s4 =	simm.s32 $0x1BF5;
	[smem:$0x3FB7] =	sst s0  }
0x18: {  	s0 =	sld [smem:$0x3F9A];
	_ =	swait.ge [sflag:s4], $0x0  }
0x19: {  	s7 =	sld [smem:$0x3F9B]  }
0x1a: {  	s8 =	sadd.s32 $0xFFFFE003, lr  }
0x1b: {  	s9 =	sadd.s32 $0xFFFFFEF7, lr;
	s5 =	simm.s32 $0xFFFFFFFF;
	p2 =	slt.u32 s8, $0xFFFFF086  }
0x1c: {  	p1 =	slt.u32 s9, $0xF7A;
	s5 =	simm.s32 @!p2 $0x0  }
0x1d: {  	s5 =	simm.s32 @p1 $0x1;
	p0 =	seq.s32 s7, s2  }
0x1e: {  	s7 =	smul.u32 @!p0 $0xF7A, s2;
	p2 =	seq.s32 @!p0 s5, $0x0  }
0x1f: {  	s9 =	smul.u32 $0xF7A, s1;
	s8 =	simm.s32 @!p0 $0x1BF5;
	p2 =	por !p2, p0  }
0x20: {  	[sflag:s8] =	ssyncset.s32 @!p0 $0xFFFFF086;
	s6 =	sadd.s32 @!p0 s3, s7;
	s7 =	simm.s32 @!p0 $0x108  }
0x21: {  	s3 =	sadd.s32 s3, s9;
	s6 =	sadd.s32 @!p0 $0x88, s6;
	s7 =	simm.s32 @p2 $0x1082  }
0x22: {  	[simem:s7], [sflag:s8] =	dma.local @!p0 [hbm:s6], $0xF7A  }
0x23: {  	s9 =	sor.u32 $0xD0000000, s2;
	s6 =	simm.s32 $0x108;
	_ =	swait.ge @!p0 [sflag:s8], $0x0  }
0x24: {  	s3 =	sadd.s32 $0x88, s3;
	s6 =	simm.s32 @!p1 $0x1082;
	[sflag:s4] =	ssyncset.s32 $0xFFFFF086  }
0x25: {  	[simem:s6], [sflag:s4] =	dma.local [hbm:s3], $0xF7A  }
0x26: {  	[smem:$0x3F9B] =	sst s1;
	(tag) =	ssettag s2;
	_ =	strace s9  }
0x27: {  	s1 =	sld [smem:$0x3FAB]  }
0x28: {  	s2 =	sld [smem:$0x3FAC]  }
0x29: {  	s4 =	sld [smem:$0x3FAE]  }
0x2a: {  	p0 =	seq.s32 s5, $0x0;
	s5 =	sld [smem:$0x3FAF]  }
0x2b: {  	s6 =	sld [smem:$0x3FB0]  }
0x2c: {  	s7 =	sld [smem:$0x3FB1]  }
0x2d: {  	s3 =	simm.s32 $0x108;
	s8 =	sld [smem:$0x3FB2]  }
0x2e: {  	s3 =	simm.s32 @!p0 $0x1082;
	s9 =	sld [smem:$0x3FB3]  }
0x2f: {  	lr =	sadd.s32 s0, s3;
	s0 =	sld [smem:$0x3FAA]  }
0x30: {  	s3 =	sld [smem:$0x3FAD]  }
0x31: {  	[smem:$0x3FB6] =	sst s10  }
0x32: {  	s10 =	sld [smem:$0x3FB4];
	_ =	sdelay $0x3  }
0x33: {  	p0 =	seq.s32 s10, $0x1;
	s10 =	sld [smem:$0x3FB6];
	_ =	sdelay $0x3  }
0x34: {  	[smem:$0x3FB6] =	sst s10  }
0x35: {  	s10 =	sld [smem:$0x3FB5];
	_ =	sdelay $0x3  }
0x36: {  	p1 =	seq.s32 s10, $0x1;
	s10 =	sld [smem:$0x3FB6];
	_ =	sdelay $0x3  }
0x37: {  	[smem:$0x3FB6] =	sst s10  }
0x38: {  	s10 =	sld [smem:$0x3FB7]  }
0x39: {  	_ = 	snop;
	(pc) =	sbr.ind lr, $3  }
0x3a: {  	_ = 	snop  }
0x3b: {  	_ = 	snop  }
0x3c: {  	p2 =	seq.s32 s10, $0x1;
	s10 =	sld [smem:$0x3FB6]  }
0x3d: {  	_ =	shalt  }
0x3e: {  	_ =	shalt  }
0x3f: {  	_ =	shalt  }
0x40: {  	_ =	shalt  }
0x41: {  	_ =	shalt  }
0x42: {  	_ =	shalt  }
0x43: {  	_ =	shalt  }
0x44: {  	_ =	shalt  }
0x45: {  	_ =	shalt  }
0x46: {  	_ =	shalt  }
0x47: {  	_ =	shalt  }
0x48: {  	_ =	shalt  }
0x49: {  	_ =	shalt  }
0x4a: {  	_ =	shalt  }
0x4b: {  	_ =	shalt  }
0x4c: {  	_ =	shalt  }
0x4d: {  	_ =	shalt  }
0x4e: {  	_ =	shalt  }
0x4f: {  	_ =	shalt  }
0x50: {  	_ =	shalt  }
0x51: {  	_ =	shalt  }
0x52: {  	_ =	shalt  }
0x53: {  	_ =	shalt  }
0x54: {  	_ =	shalt  }
0x55: {  	_ =	shalt  }
0x56: {  	_ =	shalt  }
0x57: {  	_ =	shalt  }
0x58: {  	_ =	shalt  }
0x59: {  	_ =	shalt  }
0x5a: {  	_ =	shalt  }
0x5b: {  	_ =	shalt  }
0x5c: {  	_ =	shalt  }
0x5d: {  	_ =	shalt  }
0x5e: {  	_ =	shalt  }
0x5f: {  	_ =	shalt  }
0x60: {  	_ =	shalt  }
0x61: {  	_ =	shalt  }
0x62: {  	_ =	shalt  }
0x63: {  	_ =	shalt  }
0x64: {  	_ =	shalt  }
0x65: {  	_ =	shalt  }
0x66: {  	_ =	shalt  }
0x67: {  	_ =	shalt  }
0x68: {  	_ =	shalt  }
0x69: {  	_ =	shalt  }
0x6a: {  	_ =	shalt  }
0x6b: {  	_ =	shalt  }
0x6c: {  	_ =	shalt  }
0x6d: {  	_ =	shalt  }
0x6e: {  	_ =	shalt  }
0x6f: {  	_ =	shalt  }
0x70: {  	_ =	shalt  }
0x71: {  	_ =	shalt  }
0x72: {  	_ =	shalt  }
0x73: {  	_ =	shalt  }
0x74: {  	_ =	shalt  }
0x75: {  	_ =	shalt  }
0x76: {  	_ =	shalt  }
0x77: {  	_ =	shalt  }
0x78: {  	_ =	shalt  }
0x79: {  	_ =	shalt  }
0x7a: {  	_ =	shalt  }
0x7b: {  	_ =	shalt  }
0x7c: {  	_ =	shalt  }
0x7d: {  	_ =	shalt  }
0x7e: {  	_ =	shalt  }
0x7f: {  	_ =	shalt  }
0x80: {  	_ =	shalt  }
0x81: {  	_ =	shalt  }
0x82: {  	_ =	shalt  }
0x83: {  	_ =	shalt  }
0x84: {  	_ =	shalt  }
0x85: {  	_ =	shalt  }
0x86: {  	_ =	shalt  }
0x87: {  	_ =	shalt  }
.Lfunc_end0:
.L_simem_size_0:
called_computation.1_lowered:
.L_overlay_start_0:
0x88: {  	s2 =	sld [smem:$0x3FD9]  }
0x89: {  	s3 =	sld [smem:$0x3FFE];
	_ =	sdelay $0x1  }
0x8a: {  	s1 =	srdreg.scid  }
0x8b: {  	s0 =	sand.u32 $0x1, s1  }
0x8c: {  	s17 =	sshll.u32 s0, $0xA;
	s2 =	sadd.s32 s3, s2  }
0x8d: {  	s2 =	sadd.s32 s2, s17  }
0x8e: {  	[smem:$0x3FC2] =	sst s2  }
0x8f: {  	_ = 	snop  }
0x90: {  	s2 =	sld [smem:$0x3FD0];
	(tm) =	ssettm $0x1  }
0x91: {  	s18 =	sld [smem:$0x3FFB];
	_ =	sdelay $0x3  }
0x92: {  	_ =	strace s18  }
0x93: {  	s3 =	sld [smem:$0x3FFC];
	_ =	sdelay $0x3  }
0x94: {  	_ =	strace s3  }
0x95: {  	s3 =	sld [smem:$0x3FFD];
	_ =	sdelay $0x3  }
0x96: {  	_ =	strace s3  }
0x97: {  	_ =	strace $0x8FFFFFFF  }
0x98: {  	s19 =	sld [smem:$0x3FDB];
	_ =	sdelay $0x1  }
0x99: {  	s4 =	simm.s32 $_scs_section_size  }
0x9a: {  	s5 =	simm.s32 $_size__tile_overlayer_lowered;
	s6 =	simm.s32 $_tile_overlayer_lowered  }
0x9b: {  	s22 =	simm.s32 $0x1BFF;
	s21 =	sshll.u32 s6, $0x1;
	s3 =	sadd.s32 s4, s19  }
0x9c: {  	s7 =	simm.s32 $0x0;
	s20 =	sshll.u32 s5, $0x1;
	s5 =	sadd.s32 s21, s3  }
0x9d: {  	[timem:s7], [sflag:s22] =	dma.local [hbm:s5], s20  }
0x9e: {  	_ =	swait.ge [sflag:s22], s20  }
0x9f: {  	s4 =	ssub.s32 $0x0, s20;
	[sflag:s22] =	ssyncset.done $0x0  }
0xa0: {  	[sflag:s22] =	ssyncadd.s32 s4;
	_ =	sdelay $0x1  }
0xa1: {  	s23 =	simm.s32 $0x1B8B  }
0xa2: {  	_ =	swait.ge [sflag:s23], $0x1  }
0xa3: {  	[sflag:s23] =	ssyncset.done $0x0  }
0xa4: {  	s25 =	simm.s32 $0x1B8E;
	s24 =	sld [smem:$0x3FFE];
	[sflag:s23] =	ssyncadd.s32 $0xFFFFFFFF  }
0xa5: {  	s26 =	simm.s32 $execute0_lowered;
	[smem:$0x3FD2] =	sst s25  }
0xa6: {  	s5 =	sshll.u32 s26, $0x1;
	_ =	strace $0x80000049;
	[dreg:$0x1] =	wrdreg $0xFFFFFFFF  }
0xa7: {  	s28 =	simm.s32 $_size_execute0_lowered;
	s3 =	sadd.s32 s3, s5;
	[dreg:$0x0] =	wrdreg $0x0  }
0xa8: {  	s5 =	sshll.u32 s28, $0x1;
	[dreg:$0x2] =	wrdreg s3  }
0xa9: {  	[dreg:$0x3] =	wrdreg s5  }
0xaa: {  	[dreg:$0x4] =	wrdreg $0xC0  }
0xab: {  	_ =	task [dreg:s7], $0x5FFFF  }
0xac: {  	[dreg:$0x1] =	wrdreg $0xFFFFFFFF  }
0xad: {  	[dreg:$0x0] =	wrdreg $0x60  }
0xae: {  	[dreg:$0x2] =	wrdreg s24  }
0xaf: {  	[dreg:$0x3] =	wrdreg s2  }
0xb0: {  	[dreg:$0x4] =	wrdreg $0xA8000  }
0xb1: {  	[dreg:$0x5] =	wrdreg $0x9  }
0xb2: {  	_ =	task.clear_ibuf [dreg:s7], $0x6FFFF;
	_ =	strace $0x90000049  }
0xb3: {  	s29 =	simm.s32 $0x9;
	_ =	strace $0x8000004B  }
0xb4: {  	_ =	swait.ge [sflag:s29], $0x1  }
0xb5: {  	[sflag:s29] =	ssyncadd.s32 $0xFFFFFFFF  }
0xb6: {  	_ =	strace $0x9000004B  }
0xb7: {  	_ =	sfence  }
0xb8: {  	s30 =	sld [smem:$0x0];
	_ =	sdelay $0x2  }
0xb9: {  	s31 =	sshll.u32 s1, $0xD;
	s1 =	sshrl.u32 s1, $0x2  }
0xba: {  	s3 =	sand.u32 $0x4000, s31;
	s1 =	sadd.s32 s1, s30  }
0xbb: {  	s0 =	sor.u32 s3, s0;
	s1 =	sshll.u32 s1, $0x11  }
0xbc: {  	s0 =	sor.u32 s1, s0  }
0xbd: {  	s0 =	sadd.s32 $0x8F2B, s0  }
0xbe: {  	[sflag:s0] =	ssyncadd.remote.s32 $0x1  }
0xbf: {  	_ =	sfence.sel $0xFFFF  }
0xc0: {  	[dreg:$0x0] =	wrdreg $0xFFFFFFFF;
	(pc) =	sbr.abs _section_cstart, $3  }
0xc1: {  	[dreg:$0x1] =	wrdreg $0xFFFFFFFF  }
0xc2: {  	_ =	task.clear_ibuf [dreg:s7], $0x2FFFF;
	_ =	strace $0x9FFFFFFF  }
0xc3: {  	(tm) =	ssettm $0x7FFFFFFF  }
tec
execute0_lowered:
.L_overlay_start_1:
0x0: {  	(tag) =	ssettag $0x1  }
0x1: {  	s0 =	rddreg [dreg:$0x0]  }
0x2: {  	s1 =	rddreg [dreg:$0x1]  }
0x3: {  	s2 =	rddreg [dreg:$0x2]  }
0x4: {  	s3 =	srdreg.scid;
	s4 =	simm.s32 $0x0;
	s11 =	stileid.u32  }
0x5: {  	s28 =	simm.s32 $0x800;
	s29 =	simm.s32 $0xE;
	s30 =	simm.s32 $0x6  }
0x6: {  	s3 =	sand.u32 $0x1, s3;
	[smem:$0x7FF] =	sst s4;
	s6 =	smul.u32 $0x14000, s11  }
0x7: {  	s7 =	sadd.s32 $0x12600, s0;
	s8 =	smul.u32 $0x50000, s11;
	s9 =	sadd.s32 $0x2600, s0  }
0x8: {  	s23 =	sshll.u32 s11, $0xE;
	s5 =	smul.u32 $0x140000, s3;
	s21 =	ssub.s32 $0x2, s3  }
0x9: {  	_ =	strace $0x8000004A;
	s3 =	sshll.u32 s3, $0x12;
	s10 =	sshrl.u32 s21, $0x1  }
0xa: {  	s22 =	sshrl.u32 s8, $0x2;
	s3 =	sor.u32 s23, s3;
	s5 =	sadd.s32 s6, s5  }
0xb: {  	s12 =	sadd.s32 s22, s2;
	s4 =	sshrl.u32 s3, $0x3;
	s3 =	sor.u32 $0x400, s3  }
0xc: {  	s5 =	sshrl.u32 s5, $0x3;
	s24 =	sadd.s32 $0x2800, s12;
	[dreg:$0x6] =	wrdreg s12  }
0xd: {  	s25 =	sadd.s32 $0x5000, s12;
	s26 =	sadd.s32 $0x7800, s12;
	[dreg:$0x7] =	wrdreg s24  }
0xe: {  	s31 =	sadd.s32 $0xA000, s12;
	s11 =	sor.u32 $0x10, s4;
	[dreg:$0x8] =	wrdreg s25  }
0xf: {  	s14 =	sor.u32 $0x20, s4;
	s16 =	sor.u32 $0x30, s4;
	[dreg:$0x9] =	wrdreg s26  }
0x10: {  	s3 =	sshrl.u32 s3, $0x3;
	s22 =	sadd.s32 $0xC800, s12;
	[dreg:$0xa] =	wrdreg s31  }
0x11: {  	s19 =	sor.u32 $0x40, s4;
	s23 =	sadd.s32 $0xF000, s12;
	[dreg:$0x15] =	wrdreg s22  }
0x12: {  	s6 =	sor.u32 $0x50, s4;
	s13 =	sadd.s32 s7, s11;
	[dreg:$0x16] =	wrdreg s23  }
0x13: {  	s0 =	sadd.s32 s5, s0;
	s8 =	sadd.s32 s9, s11;
	[dreg:$0xb] =	wrdreg s13  }
0x14: {  	s5 =	ssub.s32 s21, s10;
	s15 =	sadd.s32 s7, s14;
	[dreg:$0xc] =	wrdreg s8  }
0x15: {  	s25 =	sadd.s32 s4, s7;
	s17 =	sadd.s32 s7, s16;
	[dreg:$0xd] =	wrdreg s15  }
0x16: {  	s26 =	sadd.s32 s4, s9;
	s18 =	sadd.s32 s9, s16;
	[dreg:$0xf] =	wrdreg s17  }
0x17: {  	s20 =	sadd.s32 s3, s7;
	s21 =	sadd.s32 s7, s19;
	[dreg:$0x10] =	wrdreg s18  }
0x18: {  	s7 =	sadd.s32 s7, s6;
	s3 =	sadd.s32 s3, s9;
	[dreg:$0x4] =	wrdreg s20  }
0x19: {  	s6 =	sadd.s32 s9, s6;
	s31 =	sadd.s32 $0x11800, s12;
	[dreg:$0x11] =	wrdreg s21  }
0x1a: {  	s11 =	simm.s32 $0x11;
	s4 =	simm.s32 $0x5800;
	[dreg:$0x13] =	wrdreg s7  }
0x1b: {  	s22 =	simm.s32 $0x4;
	s16 =	simm.s32 $0xB;
	[dreg:$0x14] =	wrdreg s6  }
0x1c: {  	s8 =	sadd.s32 s9, s14;
	[dreg:$0x5] =	wrdreg s3;
	s0 =	sadd.s32 $0x22600, s0  }
0x1d: {  	s24 =	smax.u32 s5, $0x1;
	[dreg:$0x19] =	wrdreg s31;
	s15 =	simm.s32 $0x50  }
0x1e: {  	s18 =	simm.s32 $0x3;
	s21 =	simm.s32 $0x9;
	s7 =	simm.s32 $0x8000  }
0x1f: {  	s3 =	simm.s32 $0x380;
	s13 =	simm.s32 $0x780;
	[dreg:$0xe] =	wrdreg s8  }
0x20: {  	s14 =	simm.s32 $0x5;
	s6 =	simm.s32 $0x7;
	[dreg:$0x17] =	wrdreg s0  }
0x21: {  	s20 =	simm.s32 $0x10;
	s8 =	sadd.s32 s9, s19;
	[dreg:$0x18] =	wrdreg s24  }
0x22: {  	s24 =	simm.s32 $0x700;
	s0 =	simm.s32 $0xC;
	s19 =	simm.s32 $0xF  }
0x23: {  	v0 =	vimm.f32 $0.0e+00;
	s9 =	simm.s32 $0x0;
	[dreg:$0x12] =	wrdreg s8;
	s8 =	simm.s32 $0x8  }
.LBB2_1:
0x24: {  	[dreg:$0x1a] =	wrdreg s9;
	s9 =	simm.s32 $0x0;
	s10 =	simm.s32 $0x200  }
.LBB2_2:
0x25: {  	p0 =	sne.s32 s10, $0x9E00;
	[tilespmem:s9+$0x870] =	vst v0  }
0x26: {  	[tilespmem:s9+$0x800] =	vst v0  }
0x27: {  	[tilespmem:s9+$0x810] =	vst v0  }
.Ltmp0:
0x28: {  	[tilespmem:s9+$0x820] =	vst v0;
	(pc) =	sbr.rel @p0 .LBB2_2-.Ltmp0, $4  }
0x29: {  	[tilespmem:s9+$0x830] =	vst v0  }
0x2a: {  	[tilespmem:s9+$0x840] =	vst v0  }
0x2b: {  	[tilespmem:s9+$0x850] =	vst v0  }
0x2c: {  	[tilespmem:s9+$0x860] =	vst v0;
	s9 =	sshra.s32 s10, $0x2;
	s10 =	sadd.s32 $0x200, s10  }
0x2d: {  	[tilespmem:s9+$0x870] =	vst v0  }
0x2e: {  	[tilespmem:s9+$0x800] =	vst v0  }
0x2f: {  	[tilespmem:s9+$0x810] =	vst v0  }
0x30: {  	[tilespmem:s9+$0x820] =	vst v0  }
0x31: {  	[tilespmem:s9+$0x830] =	vst v0  }
0x32: {  	[tilespmem:s9+$0x840] =	vst v0  }
0x33: {  	[tilespmem:s9+$0x850] =	vst v0  }
0x34: {  	[tilespmem:s9+$0x860] =	vst v0  }
0x35: {  	[spmem:s12] =	stream.linear.scatter [tilespmem:s28], [sflag:$0x11], $0x2800, $0x38;
	[tilespmem:$0x1E800] =	vst v63  }
0x36: {  	_ =	swait.ge [sflag:s11], $0x2800  }
0x37: {  	[sflag:s11] =	ssyncset.done $0x0  }
0x38: {  	s5 =	rddreg [dreg:$0x7];
	[sflag:s11] =	ssyncadd.s32 $0xFFFFD800  }
0x39: {  	[spmem:s5] =	stream.linear.scatter [tilespmem:s28], [sflag:$0x11], $0x2800, $0x38;
	[tilespmem:$0x1E800] =	vst v63  }
0x3a: {  	_ =	swait.ge [sflag:s11], $0x2800  }
0x3b: {  	[sflag:s11] =	ssyncset.done $0x0  }
0x3c: {  	s10 =	rddreg [dreg:$0x8];
	[sflag:s11] =	ssyncadd.s32 $0xFFFFD800  }
0x3d: {  	[spmem:s10] =	stream.linear.scatter [tilespmem:s28], [sflag:$0x11], $0x2800, $0x38;
	[tilespmem:$0x1E800] =	vst v63  }
0x3e: {  	_ =	swait.ge [sflag:s11], $0x2800  }
0x3f: {  	[sflag:s11] =	ssyncset.done $0x0  }
0x40: {  	s12 =	rddreg [dreg:$0x9];
	[sflag:s11] =	ssyncadd.s32 $0xFFFFD800  }
0x41: {  	[spmem:s12] =	stream.linear.scatter [tilespmem:s28], [sflag:$0x11], $0x2800, $0x38;
	[tilespmem:$0x1E800] =	vst v63  }
0x42: {  	_ =	swait.ge [sflag:s11], $0x2800  }
0x43: {  	[sflag:s11] =	ssyncset.done $0x0  }
0x44: {  	s17 =	rddreg [dreg:$0xa];
	[sflag:s11] =	ssyncadd.s32 $0xFFFFD800  }
0x45: {  	[spmem:s17] =	stream.linear.scatter [tilespmem:s28], [sflag:$0x11], $0x2800, $0x38;
	[tilespmem:$0x1E800] =	vst v63  }
0x46: {  	_ =	swait.ge [sflag:s11], $0x2800  }
0x47: {  	[sflag:s11] =	ssyncset.done $0x0  }
0x48: {  	s5 =	rddreg [dreg:$0x15];
	[sflag:s11] =	ssyncadd.s32 $0xFFFFD800  }
0x49: {  	[spmem:s5] =	stream.linear.scatter [tilespmem:s28], [sflag:$0x11], $0x2800, $0x38;
	[tilespmem:$0x1E800] =	vst v63  }
0x4a: {  	_ =	swait.ge [sflag:s11], $0x2800  }
0x4b: {  	[sflag:s11] =	ssyncset.done $0x0  }
0x4c: {  	s23 =	rddreg [dreg:$0x16];
	[sflag:s11] =	ssyncadd.s32 $0xFFFFD800  }
0x4d: {  	[spmem:s23] =	stream.linear.scatter [tilespmem:s28], [sflag:$0x11], $0x2800, $0x38;
	[tilespmem:$0x1E800] =	vst v63  }
0x4e: {  	_ =	swait.ge [sflag:s11], $0x2800  }
0x4f: {  	[sflag:s11] =	ssyncset.done $0x0  }
0x50: {  	s9 =	rddreg [dreg:$0x19];
	[sflag:s11] =	ssyncadd.s32 $0xFFFFD800  }
0x51: {  	[spmem:s9] =	stream.linear.scatter [tilespmem:s28], [sflag:$0x11], $0x2800, $0x38;
	[tilespmem:$0x1E800] =	vst v63  }
0x52: {  	_ =	swait.ge [sflag:s11], $0x2800  }
0x53: {  	[sflag:s11] =	ssyncset.done $0x0  }
0x54: {  	[sflag:s11] =	ssyncadd.s32 $0xFFFFD800  }
0x55: {  	s9 =	simm.s32 $0x0;
	[bflag:$0x0] =	sbarrier.arrive $0xFFFF  }
0x56: {  	[tilespmem:s9], [sflag:$0x1] =	stream.linear.gather [hbm4b:s25+s9], $0x80, $0x38;
	[tilespmem:$0x1E800] =	vst v63  }
0x57: {  	s10 =	simm.s32 $0x400  }
0x58: {  	[tilespmem:s10], [sflag:$0x1] =	stream.linear.gather [hbm4b:s26+s9], $0x80, $0x38;
	[tilespmem:$0x1E800] =	vst v63  }
0x59: {  	s11 =	rddreg [dreg:$0xb];
	s10 =	simm.s32 $0x80  }
0x5a: {  	[tilespmem:s10], [sflag:$0x2] =	stream.linear.gather [hbm4b:s11+s9], $0x80, $0x38;
	[tilespmem:$0x1E800] =	vst v63  }
0x5b: {  	s23 =	simm.s32 $0x480;
	s12 =	rddreg [dreg:$0xc]  }
0x5c: {  	[tilespmem:s23], [sflag:$0x2] =	stream.linear.gather [hbm4b:s12+s9], $0x80, $0x38;
	[tilespmem:$0x1E800] =	vst v63  }
0x5d: {  	s31 =	simm.s32 $0x100;
	s17 =	rddreg [dreg:$0xd]  }
0x5e: {  	[tilespmem:s31], [sflag:$0x3] =	stream.linear.gather [hbm4b:s17+s9], $0x80, $0x38;
	[tilespmem:$0x1E800] =	vst v63  }
0x5f: {  	s11 =	rddreg [dreg:$0xe];
	s12 =	simm.s32 $0x500  }
0x60: {  	[tilespmem:s12], [sflag:$0x3] =	stream.linear.gather [hbm4b:s11+s9], $0x80, $0x38;
	[tilespmem:$0x1E800] =	vst v63  }
0x61: {  	s17 =	rddreg [dreg:$0xf];
	s12 =	simm.s32 $0x180  }
0x62: {  	[tilespmem:s12], [sflag:$0x4] =	stream.linear.gather [hbm4b:s17+s9], $0x80, $0x38;
	[tilespmem:$0x1E800] =	vst v63  }
0x63: {  	s11 =	rddreg [dreg:$0x10];
	s17 =	simm.s32 $0x580  }
0x64: {  	[tilespmem:s17], [sflag:$0x4] =	stream.linear.gather [hbm4b:s11+s9], $0x80, $0x38;
	[tilespmem:$0x1E800] =	vst v63  }
0x65: {  	s11 =	rddreg [dreg:$0x11];
	s17 =	simm.s32 $0x200  }
0x66: {  	[tilespmem:s17], [sflag:$0x5] =	stream.linear.gather [hbm4b:s11+s9], $0x80, $0x38;
	[tilespmem:$0x1E800] =	vst v63  }
0x67: {  	s11 =	rddreg [dreg:$0x12];
	s17 =	simm.s32 $0x600  }
0x68: {  	[tilespmem:s17], [sflag:$0x5] =	stream.linear.gather [hbm4b:s11+s9], $0x80, $0x38;
	[tilespmem:$0x1E800] =	vst v63  }
0x69: {  	s11 =	rddreg [dreg:$0x13];
	s17 =	simm.s32 $0x280  }
0x6a: {  	[tilespmem:s17], [sflag:$0x6] =	stream.linear.gather [hbm4b:s11+s9], $0x80, $0x38;
	[tilespmem:$0x1E800] =	vst v63  }
0x6b: {  	s11 =	rddreg [dreg:$0x14];
	s17 =	simm.s32 $0x680  }
0x6c: {  	[tilespmem:s17], [sflag:$0x6] =	stream.linear.gather [hbm4b:s11+s9], $0x80, $0x38;
	[tilespmem:$0x1E800] =	vst v63  }
0x6d: {  	s17 =	simm.s32 $0x1  }
0x6e: {  	_ =	swait.ge [sflag:s17], $0x80  }
0x6f: {  	[sflag:s17] =	ssyncset.done $0x0  }
0x70: {  	[sflag:s17] =	ssyncadd.s32 $0xFFFFFF80  }
0x71: {  	_ =	swait.ge [sflag:s17], $0x80  }
0x72: {  	[sflag:s17] =	ssyncset.done $0x0  }
0x73: {  	[sflag:s17] =	ssyncadd.s32 $0xFFFFFF80;
	s17 =	simm.s32 $0x2  }
0x74: {  	[tilespmem:s28], [sflag:$0x9] =	stream.indirect.gather [hbm4b:s1+s15], $0x80, s9, s15, $0xb8;
	[tilespmem:$0x1E800] =	vst v63  }
0x75: {  	_ =	swait.ge [sflag:s17], $0x80  }
0x76: {  	[sflag:s17] =	ssyncset.done $0x0  }
0x77: {  	[sflag:s17] =	ssyncadd.s32 $0xFFFFFF80  }
0x78: {  	p0 =	por $0x1, $0x1;
	_ =	swait.ge [sflag:s17], $0x80  }
0x79: {  	p0 =	por p0, p0;
	[sflag:s17] =	ssyncset.done $0x0  }
0x7a: {  	s9 =	simm.s32 @!p0 $0xF;
	[sflag:s17] =	ssyncadd.s32 $0xFFFFFF80;
	s17 =	simm.s32 $0x3000  }
0x7b: {  	[tilespmem:s17], [sflag:$0xA] =	stream.indirect.gather [hbm4b:s1+s15], $0x80, s10, s15, $0xb8;
	[tilespmem:$0x1E800] =	vst v63  }
0x7c: {  	_ =	swait.ge @!p0 [sflag:s9], $0x2800  }
0x7d: {  	[sflag:s9] =	ssyncset.done @!p0 $0x0  }
0x7e: {  	[sflag:s9] =	ssyncadd.s32 @!p0 $0xFFFFD800  }
0x7f: {  	_ =	swait.ge [sflag:s18], $0x80  }
0x80: {  	[sflag:s18] =	ssyncset.done $0x0  }
0x81: {  	[sflag:s18] =	ssyncadd.s32 $0xFFFFFF80  }
0x82: {  	_ =	swait.ge [sflag:s18], $0x80  }
0x83: {  	[sflag:s18] =	ssyncset.done $0x0  }
0x84: {  	s11 =	sadd.s32 $0x0, s26;
	s9 =	sadd.s32 $0x0, s25;
	[sflag:s18] =	ssyncadd.s32 $0xFFFFFF80  }
0x85: {  	[tilespmem:s4], [sflag:$0xB] =	stream.indirect.gather [hbm4b:s1+s15], $0x80, s31, s15, $0xb8;
	[tilespmem:$0x1E800] =	vst v63  }
0x86: {  	s10 =	sadd.s32 $0x60, s9;
	s4 =	simm.s32 $0x300;
	s31 =	simm.s32 $0x0  }
0x87: {  	[tilespmem:s4], [sflag:$0x7] =	stream.linear.gather [hbm4b:s10+s31], $0x80, $0x38;
	[tilespmem:$0x1E800] =	vst v63  }
0x88: {  	s4 =	sadd.s32 $0x60, s11  }
0x89: {  	[tilespmem:s24], [sflag:$0x7] =	stream.linear.gather [hbm4b:s4+s31], $0x80, $0x38;
	[tilespmem:$0x1E800] =	vst v63  }
0x8a: {  	_ =	swait.ge [sflag:s21], $0x2800  }
0x8b: {  	[sflag:s21] =	ssyncset.done $0x0  }
0x8c: {  	s5 =	simm.s32 $0x400;
	s10 =	simm.s32 @!p0 $0x10;
	[sflag:s21] =	ssyncadd.s32 $0xFFFFD800  }
0x8d: {  	[spmem:s2] =	stream.indirect.scatter.add.f32 [tilespmem:s28], [sflag:$0xD], $0x80, s5, s15, $0xb8;
	[tilespmem:$0x1E800] =	vst v63  }
0x8e: {  	_ =	swait.ge @!p0 [sflag:s10], $0x2800  }
0x8f: {  	[sflag:s10] =	ssyncset.done @!p0 $0x0  }
0x90: {  	[sflag:s10] =	ssyncadd.s32 @!p0 $0xFFFFD800  }
0x91: {  	_ =	swait.ge [sflag:s22], $0x80  }
0x92: {  	[sflag:s22] =	ssyncset.done $0x0  }
0x93: {  	[sflag:s22] =	ssyncadd.s32 $0xFFFFFF80  }
0x94: {  	_ =	swait.ge [sflag:s22], $0x80  }
0x95: {  	[sflag:s22] =	ssyncset.done $0x0  }
0x96: {  	[sflag:s22] =	ssyncadd.s32 $0xFFFFFF80  }
0x97: {  	[tilespmem:s7], [sflag:$0xC] =	stream.indirect.gather [hbm4b:s1+s15], $0x80, s12, s15, $0xb8;
	[tilespmem:$0x1E800] =	vst v63  }
0x98: {  	s9 =	sadd.s32 $0x70, s9  }
0x99: {  	[tilespmem:s3], [sflag:$0x8] =	stream.linear.gather [hbm4b:s9+s31], $0x80, $0x38;
	[tilespmem:$0x1E800] =	vst v63  }
0x9a: {  	s24 =	simm.s32 $0xA;
	s12 =	sadd.s32 $0x70, s11  }
0x9b: {  	[tilespmem:s13], [sflag:$0x8] =	stream.linear.gather [hbm4b:s12+s31], $0x80, $0x38;
	[tilespmem:$0x1E800] =	vst v63  }
0x9c: {  	_ =	swait.ge [sflag:s24], $0x2800  }
0x9d: {  	[sflag:s24] =	ssyncset.done $0x0  }
0x9e: {  	s9 =	simm.s32 $0xD;
	[sflag:s24] =	ssyncadd.s32 $0xFFFFD800  }
0x9f: {  	[spmem:s2] =	stream.indirect.scatter.add.f32 [tilespmem:s17], [sflag:$0xE], $0x80, s23, s15, $0xb8;
	[tilespmem:$0x1E800] =	vst v63  }
0xa0: {  	_ =	swait.ge [sflag:s9], $0x2800  }
0xa1: {  	[sflag:s9] =	ssyncset.done $0x0  }
0xa2: {  	[sflag:s9] =	ssyncadd.s32 $0xFFFFD800  }
0xa3: {  	_ =	swait.ge [sflag:s14], $0x80  }
0xa4: {  	[sflag:s14] =	ssyncset.done $0x0  }
0xa5: {  	[sflag:s14] =	ssyncadd.s32 $0xFFFFFF80  }
0xa6: {  	_ =	swait.ge [sflag:s14], $0x80  }
0xa7: {  	p0 =	por $0x0, $0x0;
	[sflag:s14] =	ssyncset.done $0x0  }
0xa8: {  	s10 =	simm.s32 $0x200;
	s9 =	rddreg [dreg:$0x4];
	[sflag:s14] =	ssyncadd.s32 $0xFFFFFF80  }
0xa9: {  	[tilespmem:s28], [sflag:$0x9] =	stream.indirect.gather [hbm4b:s1+s15], $0x80, s10, s15, $0xb8;
	[tilespmem:$0x1E800] =	vst v63  }
0xaa: {  	s11 =	rddreg [dreg:$0x5];
	s10 =	sadd.s32 @!p0 $0x0, s9;
	s9 =	simm.s32 @!p0 $0x0  }
0xab: {  	[tilespmem:s9], [sflag:$0x1] =	stream.linear.gather @!p0 [hbm4b:s10+s9], $0x80, $0x38;
	[tilespmem:$0x1E800] =	vst v63  }
0xac: {  	s12 =	simm.s32 @!p0 $0x400;
	s11 =	sadd.s32 @!p0 $0x0, s11  }
0xad: {  	[tilespmem:s12], [sflag:$0x1] =	stream.linear.gather @!p0 [hbm4b:s11+s9], $0x80, $0x38;
	[tilespmem:$0x1E800] =	vst v63  }
0xae: {  	_ =	swait.ge [sflag:s16], $0x2800  }
0xaf: {  	[sflag:s16] =	ssyncset.done $0x0  }
0xb0: {  	s23 =	simm.s32 $0x5800;
	s12 =	simm.s32 $0x500;
	[sflag:s16] =	ssyncadd.s32 $0xFFFFD800  }
0xb1: {  	[spmem:s2] =	stream.indirect.scatter.add.f32 [tilespmem:s23], [sflag:$0xF], $0x80, s12, s15, $0xb8;
	[tilespmem:$0x1E800] =	vst v63  }
0xb2: {  	_ =	swait.ge [sflag:s29], $0x2800  }
0xb3: {  	[sflag:s29] =	ssyncset.done $0x0  }
0xb4: {  	[sflag:s29] =	ssyncadd.s32 $0xFFFFD800  }
0xb5: {  	_ =	swait.ge [sflag:s30], $0x80  }
0xb6: {  	[sflag:s30] =	ssyncset.done $0x0  }
0xb7: {  	[sflag:s30] =	ssyncadd.s32 $0xFFFFFF80  }
0xb8: {  	_ =	swait.ge [sflag:s30], $0x80  }
0xb9: {  	[sflag:s30] =	ssyncset.done $0x0  }
0xba: {  	s13 =	simm.s32 $0x280;
	[sflag:s30] =	ssyncadd.s32 $0xFFFFFF80  }
0xbb: {  	[tilespmem:s17], [sflag:$0xA] =	stream.indirect.gather [hbm4b:s1+s15], $0x80, s13, s15, $0xb8;
	[tilespmem:$0x1E800] =	vst v63  }
0xbc: {  	s12 =	simm.s32 @!p0 $0x80;
	s13 =	sadd.s32 @!p0 $0x10, s10  }
0xbd: {  	[tilespmem:s12], [sflag:$0x2] =	stream.linear.gather @!p0 [hbm4b:s13+s9], $0x80, $0x38;
	[tilespmem:$0x1E800] =	vst v63  }
0xbe: {  	s17 =	simm.s32 @!p0 $0x480;
	s13 =	sadd.s32 @!p0 $0x10, s11  }
0xbf: {  	[tilespmem:s17], [sflag:$0x2] =	stream.linear.gather @!p0 [hbm4b:s13+s9], $0x80, $0x38;
	[tilespmem:$0x1E800] =	vst v63  }
0xc0: {  	_ =	swait.ge [sflag:s0], $0x2800  }
0xc1: {  	[sflag:s0] =	ssyncset.done $0x0  }
0xc2: {  	s4 =	simm.s32 $0x8000;
	s17 =	simm.s32 $0x580;
	[sflag:s0] =	ssyncadd.s32 $0xFFFFD800  }
0xc3: {  	[spmem:s2] =	stream.indirect.scatter.add.f32 [tilespmem:s4], [sflag:$0x10], $0x80, s17, s15, $0xb8;
	[tilespmem:$0x1E800] =	vst v63  }
0xc4: {  	_ =	swait.ge [sflag:s19], $0x2800  }
0xc5: {  	[sflag:s19] =	ssyncset.done $0x0  }
0xc6: {  	[sflag:s19] =	ssyncadd.s32 $0xFFFFD800  }
0xc7: {  	_ =	swait.ge [sflag:s6], $0x80  }
0xc8: {  	[sflag:s6] =	ssyncset.done $0x0  }
0xc9: {  	[sflag:s6] =	ssyncadd.s32 $0xFFFFFF80  }
0xca: {  	_ =	swait.ge [sflag:s6], $0x80  }
0xcb: {  	[sflag:s6] =	ssyncset.done $0x0  }
0xcc: {  	s19 =	simm.s32 $0x300;
	[sflag:s6] =	ssyncadd.s32 $0xFFFFFF80  }
0xcd: {  	[tilespmem:s23], [sflag:$0xB] =	stream.indirect.gather [hbm4b:s1+s15], $0x80, s19, s15, $0xb8;
	[tilespmem:$0x1E800] =	vst v63  }
0xce: {  	s13 =	sadd.s32 @!p0 $0x20, s10;
	s17 =	simm.s32 @!p0 $0x100  }
0xcf: {  	[tilespmem:s17], [sflag:$0x3] =	stream.linear.gather @!p0 [hbm4b:s13+s9], $0x80, $0x38;
	[tilespmem:$0x1E800] =	vst v63  }
0xd0: {  	s13 =	sadd.s32 @!p0 $0x20, s11;
	s17 =	simm.s32 @!p0 $0x500  }
0xd1: {  	[tilespmem:s17], [sflag:$0x3] =	stream.linear.gather @!p0 [hbm4b:s13+s9], $0x80, $0x38;
	[tilespmem:$0x1E800] =	vst v63  }
0xd2: {  	_ =	swait.ge [sflag:s21], $0x2800  }
0xd3: {  	[sflag:s21] =	ssyncset.done $0x0  }
0xd4: {  	s24 =	simm.s32 $0x600;
	[sflag:s21] =	ssyncadd.s32 $0xFFFFD800  }
0xd5: {  	[spmem:s2] =	stream.indirect.scatter.add.f32 [tilespmem:s28], [sflag:$0xD], $0x80, s24, s15, $0xb8;
	[tilespmem:$0x1E800] =	vst v63  }
0xd6: {  	_ =	swait.ge [sflag:s20], $0x2800  }
0xd7: {  	[sflag:s20] =	ssyncset.done $0x0  }
0xd8: {  	[sflag:s20] =	ssyncadd.s32 $0xFFFFD800  }
0xd9: {  	_ =	swait.ge [sflag:s8], $0x80  }
0xda: {  	[sflag:s8] =	ssyncset.done $0x0  }
0xdb: {  	[sflag:s8] =	ssyncadd.s32 $0xFFFFFF80  }
0xdc: {  	_ =	swait.ge [sflag:s8], $0x80  }
0xdd: {  	[sflag:s8] =	ssyncset.done $0x0  }
0xde: {  	s13 =	simm.s32 @p0 $0xA;
	[sflag:s8] =	ssyncadd.s32 $0xFFFFFF80  }
0xdf: {  	[tilespmem:s4], [sflag:$0xC] =	stream.indirect.gather [hbm4b:s1+s15], $0x80, s3, s15, $0xb8;
	[tilespmem:$0x1E800] =	vst v63  }
0xe0: {  	_ =	swait.ge @p0 [sflag:s13], $0x2800  }
0xe1: {  	s19 =	simm.s32 @p0 $0xD;
	s17 =	simm.s32 @p0 $0x680;
	[sflag:s13] =	ssyncset.done @p0 $0x0  }
0xe2: {  	s20 =	simm.s32 @p0 $0x3000;
	[sflag:s13] =	ssyncadd.s32 @p0 $0xFFFFD800;
	s13 =	simm.s32 @p0 $0x50  }
0xe3: {  	[spmem:s2] =	stream.indirect.scatter.add.f32 @p0 [tilespmem:s20], [sflag:$0xE], $0x80, s17, s13, $0xb8;
	[tilespmem:$0x1E800] =	vst v63  }
0xe4: {  	_ =	swait.ge @p0 [sflag:s19], $0x2800  }
0xe5: {  	[sflag:s19] =	ssyncset.done @p0 $0x0  }
0xe6: {  	s13 =	sadd.s32 @!p0 $0x30, s10;
	s17 =	simm.s32 @!p0 $0x180;
	[sflag:s19] =	ssyncadd.s32 @p0 $0xFFFFD800  }
0xe7: {  	[tilespmem:s17], [sflag:$0x4] =	stream.linear.gather @!p0 [hbm4b:s13+s9], $0x80, $0x38;
	[tilespmem:$0x1E800] =	vst v63  }
0xe8: {  	s19 =	simm.s32 @!p0 $0xA;
	s13 =	sadd.s32 @!p0 $0x30, s11;
	s17 =	simm.s32 @!p0 $0x580  }
0xe9: {  	[tilespmem:s17], [sflag:$0x4] =	stream.linear.gather @!p0 [hbm4b:s13+s9], $0x80, $0x38;
	[tilespmem:$0x1E800] =	vst v63  }
0xea: {  	_ =	swait.ge @!p0 [sflag:s19], $0x2800  }
0xeb: {  	s20 =	simm.s32 @!p0 $0x680;
	s13 =	simm.s32 @!p0 $0x3000;
	[sflag:s19] =	ssyncset.done @!p0 $0x0  }
0xec: {  	s17 =	simm.s32 @!p0 $0xD;
	[sflag:s19] =	ssyncadd.s32 @!p0 $0xFFFFD800;
	s19 =	simm.s32 @!p0 $0x50  }
0xed: {  	[spmem:s2] =	stream.indirect.scatter.add.f32 @!p0 [tilespmem:s13], [sflag:$0xE], $0x80, s20, s19, $0xb8;
	[tilespmem:$0x1E800] =	vst v63  }
0xee: {  	_ =	swait.ge @!p0 [sflag:s17], $0x2800  }
0xef: {  	[sflag:s17] =	ssyncset.done @!p0 $0x0  }
0xf0: {  	[sflag:s17] =	ssyncadd.s32 @!p0 $0xFFFFD800;
	s17 =	simm.s32 @!p0 $0x1  }
0xf1: {  	_ =	swait.ge @!p0 [sflag:s17], $0x80  }
0xf2: {  	[sflag:s17] =	ssyncset.done @!p0 $0x0  }
0xf3: {  	[sflag:s17] =	ssyncadd.s32 @!p0 $0xFFFFFF80  }
0xf4: {  	_ =	swait.ge @!p0 [sflag:s17], $0x80  }
0xf5: {  	[sflag:s17] =	ssyncset.done @!p0 $0x0  }
0xf6: {  	[sflag:s17] =	ssyncadd.s32 @!p0 $0xFFFFFF80;
	s17 =	simm.s32 @!p0 $0x800  }
0xf7: {  	[tilespmem:s17], [sflag:$0x9] =	stream.indirect.gather @!p0 [hbm4b:s1+s19], $0x80, s9, s19, $0xb8;
	[tilespmem:$0x1E800] =	vst v63  }
0xf8: {  	s24 =	simm.s32 @!p0 $0x200;
	s17 =	sadd.s32 @!p0 $0x40, s10  }
0xf9: {  	[tilespmem:s24], [sflag:$0x5] =	stream.linear.gather @!p0 [hbm4b:s17+s9], $0x80, $0x38;
	[tilespmem:$0x1E800] =	vst v63  }
0xfa: {  	s17 =	sadd.s32 @!p0 $0x40, s11;
	s24 =	simm.s32 @!p0 $0x600  }
0xfb: {  	[tilespmem:s24], [sflag:$0x5] =	stream.linear.gather @!p0 [hbm4b:s17+s9], $0x80, $0x38;
	[tilespmem:$0x1E800] =	vst v63  }
0xfc: {  	_ =	swait.ge [sflag:s16], $0x2800  }
0xfd: {  	[sflag:s16] =	ssyncset.done $0x0  }
0xfe: {  	s24 =	simm.s32 $0x700;
	[sflag:s16] =	ssyncadd.s32 $0xFFFFD800  }
0xff: {  	[spmem:s2] =	stream.indirect.scatter.add.f32 [tilespmem:s23], [sflag:$0xF], $0x80, s24, s15, $0xb8;
	[tilespmem:$0x1E800] =	vst v63  }
0x100: {  	_ =	swait.ge [sflag:s29], $0x2800  }
0x101: {  	[sflag:s29] =	ssyncset.done $0x0  }
0x102: {  	s17 =	simm.s32 @!p0 $0x2;
	[sflag:s29] =	ssyncadd.s32 $0xFFFFD800  }
0x103: {  	_ =	swait.ge @!p0 [sflag:s17], $0x80  }
0x104: {  	[sflag:s17] =	ssyncset.done @!p0 $0x0  }
0x105: {  	[sflag:s17] =	ssyncadd.s32 @!p0 $0xFFFFFF80  }
0x106: {  	_ =	swait.ge @!p0 [sflag:s17], $0x80  }
0x107: {  	[sflag:s17] =	ssyncset.done @!p0 $0x0  }
0x108: {  	[sflag:s17] =	ssyncadd.s32 @!p0 $0xFFFFFF80  }
0x109: {  	[tilespmem:s13], [sflag:$0xA] =	stream.indirect.gather @!p0 [hbm4b:s1+s19], $0x80, s12, s19, $0xb8;
	[tilespmem:$0x1E800] =	vst v63  }
0x10a: {  	s10 =	sadd.s32 @!p0 $0x50, s10;
	s12 =	simm.s32 @!p0 $0x280  }
0x10b: {  	[tilespmem:s12], [sflag:$0x6] =	stream.linear.gather @!p0 [hbm4b:s10+s9], $0x80, $0x38;
	[tilespmem:$0x1E800] =	vst v63  }
0x10c: {  	s10 =	sadd.s32 @!p0 $0x50, s11  }
0x10d: {  	[tilespmem:s20], [sflag:$0x6] =	stream.linear.gather @!p0 [hbm4b:s10+s9], $0x80, $0x38;
	[tilespmem:$0x1E800] =	vst v63  }
0x10e: {  	_ =	swait.ge [sflag:s0], $0x2800  }
0x10f: {  	p6 =	por $0x0, $0x0;
	s12 =	simm.s32 $0x100;
	[sflag:s0] =	ssyncset.done $0x0  }
0x110: {  	s9 =	simm.s32 $0x80;
	p0 =	por p6, p6;
	[sflag:s0] =	ssyncadd.s32 $0xFFFFD800  }
.LBB2_4:
0x111: {  	s19 =	simm.s32 $0x780;
	s10 =	simm.s32 @!p0 $0xF  }
0x112: {  	[spmem:s2] =	stream.indirect.scatter.add.f32 [tilespmem:s4], [sflag:$0x10], $0x80, s19, s15, $0xb8;
	[tilespmem:$0x1E800] =	vst v63  }
0x113: {  	_ =	swait.ge @!p0 [sflag:s10], $0x2800  }
0x114: {  	[sflag:s10] =	ssyncset.done @!p0 $0x0  }
0x115: {  	[sflag:s10] =	ssyncadd.s32 @!p0 $0xFFFFD800  }
0x116: {  	_ =	swait.ge [sflag:s18], $0x80  }
0x117: {  	[sflag:s18] =	ssyncset.done $0x0  }
0x118: {  	[sflag:s18] =	ssyncadd.s32 $0xFFFFFF80  }
0x119: {  	_ =	swait.ge [sflag:s18], $0x80  }
0x11a: {  	[sflag:s18] =	ssyncset.done $0x0  }
0x11b: {  	s7 =	simm.s32 $0x100;
	s10 =	sadd.s32 s9, s25;
	[sflag:s18] =	ssyncadd.s32 $0xFFFFFF80  }
0x11c: {  	[tilespmem:s23], [sflag:$0xB] =	stream.indirect.gather [hbm4b:s1+s15], $0x80, s7, s15, $0xb8;
	[tilespmem:$0x1E800] =	vst v63  }
0x11d: {  	s13 =	sadd.s32 s9, s26;
	s11 =	sadd.s32 $0x60, s10;
	s7 =	simm.s32 $0x300  }
0x11e: {  	[tilespmem:s7], [sflag:$0x7] =	stream.linear.gather [hbm4b:s11+s31], $0x80, $0x38;
	[tilespmem:$0x1E800] =	vst v63  }
0x11f: {  	s20 =	sadd.s32 $0x60, s13  }
0x120: {  	[tilespmem:s24], [sflag:$0x7] =	stream.linear.gather [hbm4b:s20+s31], $0x80, $0x38;
	[tilespmem:$0x1E800] =	vst v63  }
0x121: {  	_ =	swait.ge [sflag:s21], $0x2800  }
0x122: {  	[sflag:s21] =	ssyncset.done $0x0  }
0x123: {  	s11 =	simm.s32 @!p0 $0x10;
	[sflag:s21] =	ssyncadd.s32 $0xFFFFD800  }
0x124: {  	[spmem:s2] =	stream.indirect.scatter.add.f32 [tilespmem:s28], [sflag:$0xD], $0x80, s5, s15, $0xb8;
	[tilespmem:$0x1E800] =	vst v63  }
0x125: {  	_ =	swait.ge @!p0 [sflag:s11], $0x2800  }
0x126: {  	[sflag:s11] =	ssyncset.done @!p0 $0x0  }
0x127: {  	[sflag:s11] =	ssyncadd.s32 @!p0 $0xFFFFD800  }
0x128: {  	_ =	swait.ge [sflag:s22], $0x80  }
0x129: {  	[sflag:s22] =	ssyncset.done $0x0  }
0x12a: {  	[sflag:s22] =	ssyncadd.s32 $0xFFFFFF80  }
0x12b: {  	_ =	swait.ge [sflag:s22], $0x80  }
0x12c: {  	[sflag:s22] =	ssyncset.done $0x0  }
0x12d: {  	s11 =	simm.s32 $0x180;
	[sflag:s22] =	ssyncadd.s32 $0xFFFFFF80  }
0x12e: {  	[tilespmem:s4], [sflag:$0xC] =	stream.indirect.gather [hbm4b:s1+s15], $0x80, s11, s15, $0xb8;
	[tilespmem:$0x1E800] =	vst v63  }
0x12f: {  	s10 =	sadd.s32 $0x70, s10  }
0x130: {  	[tilespmem:s3], [sflag:$0x8] =	stream.linear.gather [hbm4b:s10+s31], $0x80, $0x38;
	[tilespmem:$0x1E800] =	vst v63  }
0x131: {  	s20 =	sadd.s32 $0x70, s13;
	s24 =	simm.s32 $0xA  }
0x132: {  	[tilespmem:s19], [sflag:$0x8] =	stream.linear.gather [hbm4b:s20+s31], $0x80, $0x38;
	[tilespmem:$0x1E800] =	vst v63  }
0x133: {  	_ =	swait.ge [sflag:s24], $0x2800  }
0x134: {  	s11 =	simm.s32 $0xD;
	[sflag:s24] =	ssyncset.done $0x0  }
0x135: {  	s10 =	simm.s32 $0x480;
	s20 =	simm.s32 $0x3000;
	[sflag:s24] =	ssyncadd.s32 $0xFFFFD800  }
0x136: {  	[spmem:s2] =	stream.indirect.scatter.add.f32 [tilespmem:s20], [sflag:$0xE], $0x80, s10, s15, $0xb8;
	[tilespmem:$0x1E800] =	vst v63  }
0x137: {  	_ =	swait.ge [sflag:s11], $0x2800  }
0x138: {  	[sflag:s11] =	ssyncset.done $0x0  }
0x139: {  	[sflag:s11] =	ssyncadd.s32 $0xFFFFD800  }
0x13a: {  	_ =	swait.ge [sflag:s14], $0x80  }
0x13b: {  	[sflag:s14] =	ssyncset.done $0x0  }
0x13c: {  	s17 =	smov.u32 s12;
	[sflag:s14] =	ssyncadd.s32 $0xFFFFFF80  }
0x13d: {  	p2 =	seq.s32 s17, $0x0;
	_ =	swait.ge [sflag:s14], $0x80  }
0x13e: {  	s13 =	simm.s32 $0x200;
	p0 =	por p2, p2;
	[sflag:s14] =	ssyncset.done $0x0  }
0x13f: {  	p2 =	seq.s32 s9, $0x780;
	s10 =	rddreg [dreg:$0x4];
	[sflag:s14] =	ssyncadd.s32 $0xFFFFFF80  }
0x140: {  	[tilespmem:s28], [sflag:$0x9] =	stream.indirect.gather [hbm4b:s1+s15], $0x80, s13, s15, $0xb8;
	[tilespmem:$0x1E800] =	vst v63  }
0x141: {  	s11 =	rddreg [dreg:$0x5];
	s10 =	sadd.s32 @!p2 s9, s10;
	s13 =	simm.s32 @!p2 $0x0  }
0x142: {  	[tilespmem:s13], [sflag:$0x1] =	stream.linear.gather @!p2 [hbm4b:s10+s13], $0x80, $0x38;
	[tilespmem:$0x1E800] =	vst v63  }
0x143: {  	s19 =	simm.s32 @!p2 $0x400;
	s11 =	sadd.s32 @!p2 s9, s11  }
0x144: {  	[tilespmem:s19], [sflag:$0x1] =	stream.linear.gather @!p2 [hbm4b:s11+s13], $0x80, $0x38;
	[tilespmem:$0x1E800] =	vst v63  }
0x145: {  	_ =	swait.ge [sflag:s16], $0x2800  }
0x146: {  	[sflag:s16] =	ssyncset.done $0x0  }
0x147: {  	s9 =	smov.u32 s17;
	s17 =	simm.s32 $0x500;
	[sflag:s16] =	ssyncadd.s32 $0xFFFFD800  }
0x148: {  	[spmem:s2] =	stream.indirect.scatter.add.f32 [tilespmem:s23], [sflag:$0xF], $0x80, s17, s15, $0xb8;
	[tilespmem:$0x1E800] =	vst v63  }
0x149: {  	_ =	swait.ge [sflag:s29], $0x2800  }
0x14a: {  	[sflag:s29] =	ssyncset.done $0x0  }
0x14b: {  	[sflag:s29] =	ssyncadd.s32 $0xFFFFD800  }
0x14c: {  	_ =	swait.ge [sflag:s30], $0x80  }
0x14d: {  	[sflag:s30] =	ssyncset.done $0x0  }
0x14e: {  	[sflag:s30] =	ssyncadd.s32 $0xFFFFFF80  }
0x14f: {  	_ =	swait.ge [sflag:s30], $0x80  }
0x150: {  	[sflag:s30] =	ssyncset.done $0x0  }
0x151: {  	s19 =	simm.s32 $0x280;
	[sflag:s30] =	ssyncadd.s32 $0xFFFFFF80  }
0x152: {  	[tilespmem:s20], [sflag:$0xA] =	stream.indirect.gather [hbm4b:s1+s15], $0x80, s19, s15, $0xb8;
	[tilespmem:$0x1E800] =	vst v63  }
0x153: {  	s17 =	simm.s32 @!p2 $0x80;
	s19 =	sadd.s32 @!p2 $0x10, s10  }
0x154: {  	[tilespmem:s17], [sflag:$0x2] =	stream.linear.gather @!p2 [hbm4b:s19+s13], $0x80, $0x38;
	[tilespmem:$0x1E800] =	vst v63  }
0x155: {  	s20 =	simm.s32 @!p2 $0x480;
	s19 =	sadd.s32 @!p2 $0x10, s11  }
0x156: {  	[tilespmem:s20], [sflag:$0x2] =	stream.linear.gather @!p2 [hbm4b:s19+s13], $0x80, $0x38;
	[tilespmem:$0x1E800] =	vst v63  }
0x157: {  	_ =	swait.ge [sflag:s0], $0x2800  }
0x158: {  	[sflag:s0] =	ssyncset.done $0x0  }
0x159: {  	s24 =	simm.s32 $0x580;
	s19 =	simm.s32 $0xF;
	[sflag:s0] =	ssyncadd.s32 $0xFFFFD800  }
0x15a: {  	[spmem:s2] =	stream.indirect.scatter.add.f32 [tilespmem:s4], [sflag:$0x10], $0x80, s24, s15, $0xb8;
	[tilespmem:$0x1E800] =	vst v63  }
0x15b: {  	_ =	swait.ge [sflag:s19], $0x2800  }
0x15c: {  	[sflag:s19] =	ssyncset.done $0x0  }
0x15d: {  	[sflag:s19] =	ssyncadd.s32 $0xFFFFD800  }
0x15e: {  	_ =	swait.ge [sflag:s6], $0x80  }
0x15f: {  	[sflag:s6] =	ssyncset.done $0x0  }
0x160: {  	[sflag:s6] =	ssyncadd.s32 $0xFFFFFF80  }
0x161: {  	_ =	swait.ge [sflag:s6], $0x80  }
0x162: {  	[sflag:s6] =	ssyncset.done $0x0  }
0x163: {  	[sflag:s6] =	ssyncadd.s32 $0xFFFFFF80  }
0x164: {  	[tilespmem:s23], [sflag:$0xB] =	stream.indirect.gather [hbm4b:s1+s15], $0x80, s7, s15, $0xb8;
	[tilespmem:$0x1E800] =	vst v63  }
0x165: {  	s20 =	simm.s32 @!p2 $0x100;
	s19 =	sadd.s32 @!p2 $0x20, s10  }
0x166: {  	[tilespmem:s20], [sflag:$0x3] =	stream.linear.gather @!p2 [hbm4b:s19+s13], $0x80, $0x38;
	[tilespmem:$0x1E800] =	vst v63  }
0x167: {  	s19 =	sadd.s32 @!p2 $0x20, s11;
	s20 =	simm.s32 @!p2 $0x500  }
0x168: {  	[tilespmem:s20], [sflag:$0x3] =	stream.linear.gather @!p2 [hbm4b:s19+s13], $0x80, $0x38;
	[tilespmem:$0x1E800] =	vst v63  }
0x169: {  	_ =	swait.ge [sflag:s21], $0x2800  }
0x16a: {  	[sflag:s21] =	ssyncset.done $0x0  }
0x16b: {  	s24 =	simm.s32 $0x10;
	s20 =	simm.s32 $0x600;
	[sflag:s21] =	ssyncadd.s32 $0xFFFFD800  }
0x16c: {  	[spmem:s2] =	stream.indirect.scatter.add.f32 [tilespmem:s28], [sflag:$0xD], $0x80, s20, s15, $0xb8;
	[tilespmem:$0x1E800] =	vst v63  }
0x16d: {  	_ =	swait.ge [sflag:s24], $0x2800  }
0x16e: {  	[sflag:s24] =	ssyncset.done $0x0  }
0x16f: {  	[sflag:s24] =	ssyncadd.s32 $0xFFFFD800  }
0x170: {  	_ =	swait.ge [sflag:s8], $0x80  }
0x171: {  	[sflag:s8] =	ssyncset.done $0x0  }
0x172: {  	[sflag:s8] =	ssyncadd.s32 $0xFFFFFF80  }
0x173: {  	_ =	swait.ge [sflag:s8], $0x80  }
0x174: {  	[sflag:s8] =	ssyncset.done $0x0  }
0x175: {  	s19 =	simm.s32 @p2 $0xA;
	[sflag:s8] =	ssyncadd.s32 $0xFFFFFF80  }
0x176: {  	[tilespmem:s4], [sflag:$0xC] =	stream.indirect.gather [hbm4b:s1+s15], $0x80, s3, s15, $0xb8;
	[tilespmem:$0x1E800] =	vst v63  }
0x177: {  	s7 =	smov.u32 s25;
	_ =	swait.ge @p2 [sflag:s19], $0x2800  }
0x178: {  	s25 =	simm.s32 @p2 $0x3000;
	s20 =	simm.s32 @p2 $0x680;
	[sflag:s19] =	ssyncset.done @p2 $0x0  }
0x179: {  	s24 =	simm.s32 @p2 $0xD;
	[sflag:s19] =	ssyncadd.s32 @p2 $0xFFFFD800;
	s19 =	simm.s32 @p2 $0x50  }
0x17a: {  	[spmem:s2] =	stream.indirect.scatter.add.f32 @p2 [tilespmem:s25], [sflag:$0xE], $0x80, s20, s19, $0xb8;
	[tilespmem:$0x1E800] =	vst v63  }
0x17b: {  	_ =	swait.ge @p2 [sflag:s24], $0x2800  }
0x17c: {  	[sflag:s24] =	ssyncset.done @p2 $0x0  }
0x17d: {  	s19 =	sadd.s32 @!p2 $0x30, s10;
	s20 =	simm.s32 @!p2 $0x180;
	[sflag:s24] =	ssyncadd.s32 @p2 $0xFFFFD800  }
0x17e: {  	[tilespmem:s20], [sflag:$0x4] =	stream.linear.gather @!p2 [hbm4b:s19+s13], $0x80, $0x38;
	[tilespmem:$0x1E800] =	vst v63  }
0x17f: {  	s24 =	simm.s32 @!p2 $0xA;
	s19 =	sadd.s32 @!p2 $0x30, s11;
	s20 =	simm.s32 @!p2 $0x580  }
0x180: {  	[tilespmem:s20], [sflag:$0x4] =	stream.linear.gather @!p2 [hbm4b:s19+s13], $0x80, $0x38;
	[tilespmem:$0x1E800] =	vst v63  }
0x181: {  	_ =	swait.ge @!p2 [sflag:s24], $0x2800  }
0x182: {  	s25 =	simm.s32 @!p2 $0xD;
	s20 =	simm.s32 @!p2 $0x3000;
	[sflag:s24] =	ssyncset.done @!p2 $0x0  }
0x183: {  	s19 =	simm.s32 @!p2 $0x680;
	[sflag:s24] =	ssyncadd.s32 @!p2 $0xFFFFD800;
	s24 =	simm.s32 @!p2 $0x50  }
0x184: {  	[spmem:s2] =	stream.indirect.scatter.add.f32 @!p2 [tilespmem:s20], [sflag:$0xE], $0x80, s19, s24, $0xb8;
	[tilespmem:$0x1E800] =	vst v63  }
0x185: {  	_ =	swait.ge @!p2 [sflag:s25], $0x2800  }
0x186: {  	[sflag:s25] =	ssyncset.done @!p2 $0x0  }
0x187: {  	[sflag:s25] =	ssyncadd.s32 @!p2 $0xFFFFD800;
	s25 =	simm.s32 @!p2 $0x1  }
0x188: {  	_ =	swait.ge @!p2 [sflag:s25], $0x80  }
0x189: {  	[sflag:s25] =	ssyncset.done @!p2 $0x0  }
0x18a: {  	[sflag:s25] =	ssyncadd.s32 @!p2 $0xFFFFFF80  }
0x18b: {  	_ =	swait.ge @!p2 [sflag:s25], $0x80  }
0x18c: {  	[sflag:s25] =	ssyncset.done @!p2 $0x0  }
0x18d: {  	[sflag:s25] =	ssyncadd.s32 @!p2 $0xFFFFFF80;
	s25 =	simm.s32 @!p2 $0x800  }
0x18e: {  	[tilespmem:s25], [sflag:$0x9] =	stream.indirect.gather @!p2 [hbm4b:s1+s24], $0x80, s13, s24, $0xb8;
	[tilespmem:$0x1E800] =	vst v63  }
0x18f: {  	s28 =	simm.s32 @!p2 $0x200;
	s25 =	sadd.s32 @!p2 $0x40, s10  }
0x190: {  	[tilespmem:s28], [sflag:$0x5] =	stream.linear.gather @!p2 [hbm4b:s25+s13], $0x80, $0x38;
	[tilespmem:$0x1E800] =	vst v63  }
0x191: {  	s25 =	sadd.s32 @!p2 $0x40, s11;
	s28 =	simm.s32 @!p2 $0x600  }
0x192: {  	[tilespmem:s28], [sflag:$0x5] =	stream.linear.gather @!p2 [hbm4b:s25+s13], $0x80, $0x38;
	[tilespmem:$0x1E800] =	vst v63  }
0x193: {  	_ =	swait.ge [sflag:s16], $0x2800  }
0x194: {  	[sflag:s16] =	ssyncset.done $0x0  }
0x195: {  	s3 =	simm.s32 $0x700;
	[sflag:s16] =	ssyncadd.s32 $0xFFFFD800  }
0x196: {  	[spmem:s2] =	stream.indirect.scatter.add.f32 [tilespmem:s23], [sflag:$0xF], $0x80, s3, s15, $0xb8;
	[tilespmem:$0x1E800] =	vst v63  }
0x197: {  	_ =	swait.ge [sflag:s29], $0x2800  }
0x198: {  	[sflag:s29] =	ssyncset.done $0x0  }
0x199: {  	s25 =	simm.s32 @!p2 $0x2;
	[sflag:s29] =	ssyncadd.s32 $0xFFFFD800  }
0x19a: {  	_ =	swait.ge @!p2 [sflag:s25], $0x80  }
0x19b: {  	[sflag:s25] =	ssyncset.done @!p2 $0x0  }
0x19c: {  	[sflag:s25] =	ssyncadd.s32 @!p2 $0xFFFFFF80  }
0x19d: {  	_ =	swait.ge @!p2 [sflag:s25], $0x80  }
0x19e: {  	[sflag:s25] =	ssyncset.done @!p2 $0x0  }
0x19f: {  	s12 =	sadd.s32 $0x80, s12;
	[sflag:s25] =	ssyncadd.s32 @!p2 $0xFFFFFF80  }
0x1a0: {  	[tilespmem:s20], [sflag:$0xA] =	stream.indirect.gather @!p2 [hbm4b:s1+s24], $0x80, s17, s24, $0xb8;
	[tilespmem:$0x1E800] =	vst v63  }
0x1a1: {  	p1 =	sne.s32 s12, $0x800;
	s10 =	sadd.s32 @!p2 $0x50, s10;
	s17 =	simm.s32 @!p2 $0x280  }
0x1a2: {  	[tilespmem:s17], [sflag:$0x6] =	stream.linear.gather @!p2 [hbm4b:s10+s13], $0x80, $0x38;
	[tilespmem:$0x1E800] =	vst v63  }
.Ltmp1:
0x1a3: {  	s5 =	smov.u32 s26;
	s10 =	sadd.s32 @!p2 $0x50, s11;
	(pc) =	sbr.rel @p1 .LBB2_4-.Ltmp1, $4  }
0x1a4: {  	[tilespmem:s19], [sflag:$0x6] =	stream.linear.gather @!p2 [hbm4b:s10+s13], $0x80, $0x38;
	[tilespmem:$0x1E800] =	vst v63  }
0x1a5: {  	s26 =	smov.u32 s5;
	s5 =	simm.s32 $0x400;
	_ =	swait.ge [sflag:s0], $0x2800  }
0x1a6: {  	s28 =	simm.s32 $0x800;
	s3 =	simm.s32 $0x380;
	[sflag:s0] =	ssyncset.done $0x0  }
0x1a7: {  	s25 =	smov.u32 s7;
	s24 =	simm.s32 $0x700;
	[sflag:s0] =	ssyncadd.s32 $0xFFFFD800  }
0x1a8: {  	s7 =	simm.s32 $0x780;
	s10 =	simm.s32 @!p0 $0xF  }
0x1a9: {  	[spmem:s2] =	stream.indirect.scatter.add.f32 [tilespmem:s4], [sflag:$0x10], $0x80, s7, s15, $0xb8;
	[tilespmem:$0x1E800] =	vst v63  }
0x1aa: {  	_ =	swait.ge @!p0 [sflag:s10], $0x2800  }
0x1ab: {  	[sflag:s10] =	ssyncset.done @!p0 $0x0  }
0x1ac: {  	[sflag:s10] =	ssyncadd.s32 @!p0 $0xFFFFD800  }
0x1ad: {  	_ =	swait.ge [sflag:s18], $0x80  }
0x1ae: {  	[sflag:s18] =	ssyncset.done $0x0  }
0x1af: {  	[sflag:s18] =	ssyncadd.s32 $0xFFFFFF80  }
0x1b0: {  	_ =	swait.ge [sflag:s18], $0x80  }
0x1b1: {  	[sflag:s18] =	ssyncset.done $0x0  }
0x1b2: {  	s20 =	sadd.s32 s9, s25;
	s12 =	simm.s32 $0x100;
	[sflag:s18] =	ssyncadd.s32 $0xFFFFFF80  }
0x1b3: {  	[tilespmem:s23], [sflag:$0xB] =	stream.indirect.gather [hbm4b:s1+s15], $0x80, s12, s15, $0xb8;
	[tilespmem:$0x1E800] =	vst v63  }
0x1b4: {  	s11 =	sadd.s32 $0x60, s20;
	s7 =	simm.s32 $0x300;
	s12 =	sadd.s32 s9, s26  }
0x1b5: {  	[tilespmem:s7], [sflag:$0x7] =	stream.linear.gather [hbm4b:s11+s31], $0x80, $0x38;
	[tilespmem:$0x1E800] =	vst v63  }
0x1b6: {  	s17 =	sadd.s32 $0x60, s12  }
0x1b7: {  	[tilespmem:s24], [sflag:$0x7] =	stream.linear.gather [hbm4b:s17+s31], $0x80, $0x38;
	[tilespmem:$0x1E800] =	vst v63  }
0x1b8: {  	_ =	swait.ge [sflag:s21], $0x2800  }
0x1b9: {  	[sflag:s21] =	ssyncset.done $0x0  }
0x1ba: {  	s11 =	simm.s32 @!p0 $0x10;
	[sflag:s21] =	ssyncadd.s32 $0xFFFFD800  }
0x1bb: {  	[spmem:s2] =	stream.indirect.scatter.add.f32 [tilespmem:s28], [sflag:$0xD], $0x80, s5, s15, $0xb8;
	[tilespmem:$0x1E800] =	vst v63  }
0x1bc: {  	_ =	swait.ge @!p0 [sflag:s11], $0x2800  }
0x1bd: {  	[sflag:s11] =	ssyncset.done @!p0 $0x0  }
0x1be: {  	[sflag:s11] =	ssyncadd.s32 @!p0 $0xFFFFD800  }
0x1bf: {  	_ =	swait.ge [sflag:s22], $0x80  }
0x1c0: {  	[sflag:s22] =	ssyncset.done $0x0  }
0x1c1: {  	[sflag:s22] =	ssyncadd.s32 $0xFFFFFF80  }
0x1c2: {  	_ =	swait.ge [sflag:s22], $0x80  }
0x1c3: {  	[sflag:s22] =	ssyncset.done $0x0  }
0x1c4: {  	s19 =	simm.s32 $0x180;
	[sflag:s22] =	ssyncadd.s32 $0xFFFFFF80  }
0x1c5: {  	[tilespmem:s4], [sflag:$0xC] =	stream.indirect.gather [hbm4b:s1+s15], $0x80, s19, s15, $0xb8;
	[tilespmem:$0x1E800] =	vst v63  }
0x1c6: {  	s10 =	sadd.s32 $0x70, s20  }
0x1c7: {  	[tilespmem:s3], [sflag:$0x8] =	stream.linear.gather [hbm4b:s10+s31], $0x80, $0x38;
	[tilespmem:$0x1E800] =	vst v63  }
0x1c8: {  	s13 =	simm.s32 $0x780;
	s20 =	sadd.s32 $0x70, s12;
	s24 =	simm.s32 $0xA  }
0x1c9: {  	[tilespmem:s13], [sflag:$0x8] =	stream.linear.gather [hbm4b:s20+s31], $0x80, $0x38;
	[tilespmem:$0x1E800] =	vst v63  }
0x1ca: {  	_ =	swait.ge [sflag:s24], $0x2800  }
0x1cb: {  	s12 =	simm.s32 $0x480;
	[sflag:s24] =	ssyncset.done $0x0  }
0x1cc: {  	s17 =	simm.s32 $0xD;
	s31 =	simm.s32 $0x3000;
	[sflag:s24] =	ssyncadd.s32 $0xFFFFD800  }
0x1cd: {  	[spmem:s2] =	stream.indirect.scatter.add.f32 [tilespmem:s31], [sflag:$0xE], $0x80, s12, s15, $0xb8;
	[tilespmem:$0x1E800] =	vst v63  }
0x1ce: {  	_ =	swait.ge [sflag:s17], $0x2800  }
0x1cf: {  	[sflag:s17] =	ssyncset.done $0x0  }
0x1d0: {  	[sflag:s17] =	ssyncadd.s32 $0xFFFFD800  }
0x1d1: {  	_ =	swait.ge [sflag:s14], $0x80  }
0x1d2: {  	[sflag:s14] =	ssyncset.done $0x0  }
0x1d3: {  	[sflag:s14] =	ssyncadd.s32 $0xFFFFFF80  }
0x1d4: {  	_ =	swait.ge [sflag:s14], $0x80  }
0x1d5: {  	p0 =	seq.s32 s9, $0x780;
	[sflag:s14] =	ssyncset.done $0x0  }
0x1d6: {  	s19 =	simm.s32 $0x200;
	s10 =	rddreg [dreg:$0x4];
	[sflag:s14] =	ssyncadd.s32 $0xFFFFFF80  }
0x1d7: {  	[tilespmem:s28], [sflag:$0x9] =	stream.indirect.gather [hbm4b:s1+s15], $0x80, s19, s15, $0xb8;
	[tilespmem:$0x1E800] =	vst v63  }
0x1d8: {  	s12 =	rddreg [dreg:$0x5];
	s11 =	sadd.s32 @!p0 s9, s10;
	s10 =	simm.s32 @!p0 $0x0  }
0x1d9: {  	[tilespmem:s10], [sflag:$0x1] =	stream.linear.gather @!p0 [hbm4b:s11+s10], $0x80, $0x38;
	[tilespmem:$0x1E800] =	vst v63  }
0x1da: {  	s9 =	sadd.s32 @!p0 s9, s12;
	s12 =	simm.s32 @!p0 $0x400  }
0x1db: {  	[tilespmem:s12], [sflag:$0x1] =	stream.linear.gather @!p0 [hbm4b:s9+s10], $0x80, $0x38;
	[tilespmem:$0x1E800] =	vst v63  }
0x1dc: {  	_ =	swait.ge [sflag:s16], $0x2800  }
0x1dd: {  	[sflag:s16] =	ssyncset.done $0x0  }
0x1de: {  	s20 =	simm.s32 $0x500;
	[sflag:s16] =	ssyncadd.s32 $0xFFFFD800  }
0x1df: {  	[spmem:s2] =	stream.indirect.scatter.add.f32 [tilespmem:s23], [sflag:$0xF], $0x80, s20, s15, $0xb8;
	[tilespmem:$0x1E800] =	vst v63  }
0x1e0: {  	_ =	swait.ge [sflag:s29], $0x2800  }
0x1e1: {  	[sflag:s29] =	ssyncset.done $0x0  }
0x1e2: {  	[sflag:s29] =	ssyncadd.s32 $0xFFFFD800  }
0x1e3: {  	_ =	swait.ge [sflag:s30], $0x80  }
0x1e4: {  	[sflag:s30] =	ssyncset.done $0x0  }
0x1e5: {  	[sflag:s30] =	ssyncadd.s32 $0xFFFFFF80  }
0x1e6: {  	_ =	swait.ge [sflag:s30], $0x80  }
0x1e7: {  	[sflag:s30] =	ssyncset.done $0x0  }
0x1e8: {  	s24 =	simm.s32 $0x280;
	[sflag:s30] =	ssyncadd.s32 $0xFFFFFF80  }
0x1e9: {  	[tilespmem:s31], [sflag:$0xA] =	stream.indirect.gather [hbm4b:s1+s15], $0x80, s24, s15, $0xb8;
	[tilespmem:$0x1E800] =	vst v63  }
0x1ea: {  	s13 =	sadd.s32 @!p0 $0x10, s11;
	s12 =	simm.s32 @!p0 $0x80  }
0x1eb: {  	[tilespmem:s12], [sflag:$0x2] =	stream.linear.gather @!p0 [hbm4b:s13+s10], $0x80, $0x38;
	[tilespmem:$0x1E800] =	vst v63  }
0x1ec: {  	s17 =	simm.s32 @!p0 $0x480;
	s13 =	sadd.s32 @!p0 $0x10, s9  }
0x1ed: {  	[tilespmem:s17], [sflag:$0x2] =	stream.linear.gather @!p0 [hbm4b:s13+s10], $0x80, $0x38;
	[tilespmem:$0x1E800] =	vst v63  }
0x1ee: {  	_ =	swait.ge [sflag:s0], $0x2800  }
0x1ef: {  	[sflag:s0] =	ssyncset.done $0x0  }
0x1f0: {  	s31 =	simm.s32 $0x580;
	[sflag:s0] =	ssyncadd.s32 $0xFFFFD800  }
0x1f1: {  	[spmem:s2] =	stream.indirect.scatter.add.f32 [tilespmem:s4], [sflag:$0x10], $0x80, s31, s15, $0xb8;
	[tilespmem:$0x1E800] =	vst v63  }
0x1f2: {  	s31 =	simm.s32 $0xF  }
0x1f3: {  	_ =	swait.ge [sflag:s31], $0x2800  }
0x1f4: {  	[sflag:s31] =	ssyncset.done $0x0  }
0x1f5: {  	[sflag:s31] =	ssyncadd.s32 $0xFFFFD800  }
0x1f6: {  	_ =	swait.ge [sflag:s6], $0x80  }
0x1f7: {  	[sflag:s6] =	ssyncset.done $0x0  }
0x1f8: {  	[sflag:s6] =	ssyncadd.s32 $0xFFFFFF80  }
0x1f9: {  	_ =	swait.ge [sflag:s6], $0x80  }
0x1fa: {  	[sflag:s6] =	ssyncset.done $0x0  }
0x1fb: {  	[sflag:s6] =	ssyncadd.s32 $0xFFFFFF80  }
0x1fc: {  	[tilespmem:s23], [sflag:$0xB] =	stream.indirect.gather [hbm4b:s1+s15], $0x80, s7, s15, $0xb8;
	[tilespmem:$0x1E800] =	vst v63  }
0x1fd: {  	s13 =	sadd.s32 @!p0 $0x20, s11;
	s17 =	simm.s32 @!p0 $0x100  }
0x1fe: {  	[tilespmem:s17], [sflag:$0x3] =	stream.linear.gather @!p0 [hbm4b:s13+s10], $0x80, $0x38;
	[tilespmem:$0x1E800] =	vst v63  }
0x1ff: {  	s13 =	sadd.s32 @!p0 $0x20, s9;
	s17 =	simm.s32 @!p0 $0x500  }
0x200: {  	[tilespmem:s17], [sflag:$0x3] =	stream.linear.gather @!p0 [hbm4b:s13+s10], $0x80, $0x38;
	[tilespmem:$0x1E800] =	vst v63  }
0x201: {  	_ =	swait.ge [sflag:s21], $0x2800  }
0x202: {  	[sflag:s21] =	ssyncset.done $0x0  }
0x203: {  	s5 =	simm.s32 $0x10;
	s7 =	simm.s32 $0x600;
	[sflag:s21] =	ssyncadd.s32 $0xFFFFD800  }
0x204: {  	[spmem:s2] =	stream.indirect.scatter.add.f32 [tilespmem:s28], [sflag:$0xD], $0x80, s7, s15, $0xb8;
	[tilespmem:$0x1E800] =	vst v63  }
0x205: {  	_ =	swait.ge [sflag:s5], $0x2800  }
0x206: {  	[sflag:s5] =	ssyncset.done $0x0  }
0x207: {  	[sflag:s5] =	ssyncadd.s32 $0xFFFFD800  }
0x208: {  	_ =	swait.ge [sflag:s8], $0x80  }
0x209: {  	[sflag:s8] =	ssyncset.done $0x0  }
0x20a: {  	[sflag:s8] =	ssyncadd.s32 $0xFFFFFF80  }
0x20b: {  	_ =	swait.ge [sflag:s8], $0x80  }
0x20c: {  	[sflag:s8] =	ssyncset.done $0x0  }
0x20d: {  	s13 =	simm.s32 @p0 $0xA;
	[sflag:s8] =	ssyncadd.s32 $0xFFFFFF80  }
0x20e: {  	[tilespmem:s4], [sflag:$0xC] =	stream.indirect.gather [hbm4b:s1+s15], $0x80, s3, s15, $0xb8;
	[tilespmem:$0x1E800] =	vst v63  }
0x20f: {  	_ =	swait.ge @p0 [sflag:s13], $0x2800  }
0x210: {  	s19 =	simm.s32 @p0 $0xD;
	s20 =	simm.s32 @p0 $0x3000;
	[sflag:s13] =	ssyncset.done @p0 $0x0  }
0x211: {  	s17 =	simm.s32 @p0 $0x680;
	[sflag:s13] =	ssyncadd.s32 @p0 $0xFFFFD800;
	s13 =	simm.s32 @p0 $0x50  }
0x212: {  	[spmem:s2] =	stream.indirect.scatter.add.f32 @p0 [tilespmem:s20], [sflag:$0xE], $0x80, s17, s13, $0xb8;
	[tilespmem:$0x1E800] =	vst v63  }
0x213: {  	_ =	swait.ge @p0 [sflag:s19], $0x2800  }
0x214: {  	[sflag:s19] =	ssyncset.done @p0 $0x0  }
0x215: {  	s13 =	sadd.s32 @!p0 $0x30, s11;
	s17 =	simm.s32 @!p0 $0x180;
	[sflag:s19] =	ssyncadd.s32 @p0 $0xFFFFD800  }
0x216: {  	[tilespmem:s17], [sflag:$0x4] =	stream.linear.gather @!p0 [hbm4b:s13+s10], $0x80, $0x38;
	[tilespmem:$0x1E800] =	vst v63  }
0x217: {  	s19 =	simm.s32 @!p0 $0xA;
	s13 =	sadd.s32 @!p0 $0x30, s9;
	s17 =	simm.s32 @!p0 $0x580  }
0x218: {  	[tilespmem:s17], [sflag:$0x4] =	stream.linear.gather @!p0 [hbm4b:s13+s10], $0x80, $0x38;
	[tilespmem:$0x1E800] =	vst v63  }
0x219: {  	_ =	swait.ge @!p0 [sflag:s19], $0x2800  }
0x21a: {  	s20 =	simm.s32 @!p0 $0x680;
	s13 =	simm.s32 @!p0 $0x3000;
	[sflag:s19] =	ssyncset.done @!p0 $0x0  }
0x21b: {  	s17 =	simm.s32 @!p0 $0xD;
	[sflag:s19] =	ssyncadd.s32 @!p0 $0xFFFFD800;
	s19 =	simm.s32 @!p0 $0x50  }
0x21c: {  	[spmem:s2] =	stream.indirect.scatter.add.f32 @!p0 [tilespmem:s13], [sflag:$0xE], $0x80, s20, s19, $0xb8;
	[tilespmem:$0x1E800] =	vst v63  }
0x21d: {  	_ =	swait.ge @!p0 [sflag:s17], $0x2800  }
0x21e: {  	[sflag:s17] =	ssyncset.done @!p0 $0x0  }
0x21f: {  	[sflag:s17] =	ssyncadd.s32 @!p0 $0xFFFFD800;
	s17 =	simm.s32 @!p0 $0x1  }
0x220: {  	_ =	swait.ge @!p0 [sflag:s17], $0x80  }
0x221: {  	[sflag:s17] =	ssyncset.done @!p0 $0x0  }
0x222: {  	[sflag:s17] =	ssyncadd.s32 @!p0 $0xFFFFFF80  }
0x223: {  	_ =	swait.ge @!p0 [sflag:s17], $0x80  }
0x224: {  	[sflag:s17] =	ssyncset.done @!p0 $0x0  }
0x225: {  	[sflag:s17] =	ssyncadd.s32 @!p0 $0xFFFFFF80;
	s17 =	simm.s32 @!p0 $0x800  }
0x226: {  	[tilespmem:s17], [sflag:$0x9] =	stream.indirect.gather @!p0 [hbm4b:s1+s19], $0x80, s10, s19, $0xb8;
	[tilespmem:$0x1E800] =	vst v63  }
0x227: {  	s24 =	simm.s32 @!p0 $0x200;
	s17 =	sadd.s32 @!p0 $0x40, s11  }
0x228: {  	[tilespmem:s24], [sflag:$0x5] =	stream.linear.gather @!p0 [hbm4b:s17+s10], $0x80, $0x38;
	[tilespmem:$0x1E800] =	vst v63  }
0x229: {  	s17 =	sadd.s32 @!p0 $0x40, s9;
	s24 =	simm.s32 @!p0 $0x600  }
0x22a: {  	[tilespmem:s24], [sflag:$0x5] =	stream.linear.gather @!p0 [hbm4b:s17+s10], $0x80, $0x38;
	[tilespmem:$0x1E800] =	vst v63  }
0x22b: {  	_ =	swait.ge [sflag:s16], $0x2800  }
0x22c: {  	[sflag:s16] =	ssyncset.done $0x0  }
0x22d: {  	s24 =	simm.s32 $0x700;
	[sflag:s16] =	ssyncadd.s32 $0xFFFFD800  }
0x22e: {  	[spmem:s2] =	stream.indirect.scatter.add.f32 [tilespmem:s23], [sflag:$0xF], $0x80, s24, s15, $0xb8;
	[tilespmem:$0x1E800] =	vst v63  }
0x22f: {  	_ =	swait.ge [sflag:s29], $0x2800  }
0x230: {  	[sflag:s29] =	ssyncset.done $0x0  }
0x231: {  	s17 =	simm.s32 @!p0 $0x2;
	[sflag:s29] =	ssyncadd.s32 $0xFFFFD800  }
0x232: {  	_ =	swait.ge @!p0 [sflag:s17], $0x80  }
0x233: {  	[sflag:s17] =	ssyncset.done @!p0 $0x0  }
0x234: {  	[sflag:s17] =	ssyncadd.s32 @!p0 $0xFFFFFF80  }
0x235: {  	_ =	swait.ge @!p0 [sflag:s17], $0x80  }
0x236: {  	[sflag:s17] =	ssyncset.done @!p0 $0x0  }
0x237: {  	[sflag:s17] =	ssyncadd.s32 @!p0 $0xFFFFFF80  }
0x238: {  	[tilespmem:s13], [sflag:$0xA] =	stream.indirect.gather @!p0 [hbm4b:s1+s19], $0x80, s12, s19, $0xb8;
	[tilespmem:$0x1E800] =	vst v63  }
0x239: {  	s11 =	sadd.s32 @!p0 $0x50, s11;
	s12 =	simm.s32 @!p0 $0x280  }
0x23a: {  	[tilespmem:s12], [sflag:$0x6] =	stream.linear.gather @!p0 [hbm4b:s11+s10], $0x80, $0x38;
	[tilespmem:$0x1E800] =	vst v63  }
0x23b: {  	s9 =	sadd.s32 @!p0 $0x50, s9  }
0x23c: {  	[tilespmem:s20], [sflag:$0x6] =	stream.linear.gather @!p0 [hbm4b:s9+s10], $0x80, $0x38;
	[tilespmem:$0x1E800] =	vst v63  }
0x23d: {  	_ =	swait.ge [sflag:s0], $0x2800  }
0x23e: {  	[sflag:s0] =	ssyncset.done $0x0  }
0x23f: {  	s13 =	simm.s32 $0x780;
	[sflag:s0] =	ssyncadd.s32 $0xFFFFD800  }
0x240: {  	[spmem:s2] =	stream.indirect.scatter.add.f32 [tilespmem:s4], [sflag:$0x10], $0x80, s13, s15, $0xb8;
	[tilespmem:$0x1E800] =	vst v63  }
0x241: {  	_ =	swait.ge [sflag:s31], $0x2800  }
0x242: {  	[sflag:s31] =	ssyncset.done $0x0  }
0x243: {  	[sflag:s31] =	ssyncadd.s32 $0xFFFFD800  }
0x244: {  	_ =	swait.ge [sflag:s5], $0x2800  }
0x245: {  	[sflag:s5] =	ssyncset.done $0x0  }
0x246: {  	[sflag:s5] =	ssyncadd.s32 $0xFFFFD800  }
0x247: {  	s17 =	stileid.u32;
	[bflag:$0x0] =	sbarrier.arrive $0xFFFF  }
0x248: {  	s11 =	simm.s32 $0x11;
	s9 =	sshll.u32 s17, $0x6;
	s12 =	rddreg [dreg:$0x6]  }
0x249: {  	s9 =	sor.u32 $0x1C11, s9;
	s20 =	rddreg [dreg:$0x17];
	s19 =	sshrl.u32 s12, $0x3  }
0x24a: {  	[hbm:s20], [sflag:s9] =	dma.local [spmem:s19], $0x2800  }
0x24b: {  	_ =	swait.ge [sflag:s11], $0x2800  }
0x24c: {  	s23 =	rddreg [dreg:$0x1a]  }
0x24d: {  	s31 =	rddreg [dreg:$0x18];
	s9 =	sadd.s32 $0x1, s23  }
0x24e: {  	p0 =	sne.s32 s9, s31  }
.Ltmp2:
0x24f: {  	_ = 	snop;
	(pc) =	sbr.rel @p0 .LBB2_1-.Ltmp2, $4  }
0x250: {  	_ = 	snop  }
0x251: {  	s7 =	simm.s32 $0x8000  }
0x252: {  	s13 =	simm.s32 $0x780;
	s4 =	simm.s32 $0x5800;
	[sflag:s11] =	ssyncset.done $0x0  }
0x253: {  	s19 =	simm.s32 $0xF;
	s20 =	simm.s32 $0x10;
	[sflag:s11] =	ssyncadd.s32 $0xFFFFD800  }
0x254: {  	_ =	sfence.sel $0x180000  }
0x255: {  	[bflag:$0x0] =	sbarrier.arrive $0xFFFF  }
0x256: {  	_ =	strace $0x9000004A  }
0x257: {  	s0 =	stileid.u32;
	[bflag:$0x2] =	sbarrier.arrive $0xFFFF  }
0x258: {  	p0 =	sne.s32 s0, $0x0;
	s0 =	rddreg [dreg:$0x3]  }
0x259: {  	s0 =	sadd.s32 @!p0 $0x100000, s0  }
0x25a: {  	[sflag:s0] =	ssyncadd.tile.s32 @!p0 $0x1;
	_ =	shalt  }
.Lfunc_end2:
_tile_overlayer_lowered:
.L_overlay_start_2:
0x25b: {  	(tag) =	ssettag $0x2  }
0x25c: {  	s0 =	rddreg [dreg:$0x0];
	s2 =	stileid.u32  }
0x25d: {  	s1 =	rddreg [dreg:$0x1];
	p0 =	sne.s32 s2, $0x0  }
0x25e: {  	s3 =	rddreg [dreg:$0x2];
	[bflag:$0x3] =	sbarrier.arrive $0xFFFF;
	s2 =	simm.s32 @!p0 $0x1C11  }
0x25f: {  	[timem:s3], [sflag:s2] =	dma.local @!p0 [hbm:s0], s1  }
0x260: {  	s0 =	simm.s32 @!p0 $0x11  }
0x261: {  	_ =	swait.ge @!p0 [sflag:s0], s1  }
0x262: {  	s1 =	ssub.s32 @!p0 $0x0, s1;
	[sflag:s0] =	ssyncset.done @!p0 $0x0  }
0x263: {  	[sflag:s0] =	ssyncadd.s32 @!p0 s1  }
0x264: {  	[bflag:$0x3] =	sbarrier.arrive $0xFFFF  }
0x265: {  	_ =	shalt  }

</sc_bundles>
